<compile_context>
chip_gen: v7x
topology: tpu7x:2x2x1
jax: 0.10.2.dev20260603
libtpu: 0.0.44.dev20260713+nightly
codegen_flags: <defaults>
</compile_context>

<pallas_src>
import functools

import jax
import jax.numpy as jnp
from jax import lax
from jax.experimental import pallas as pl
from jax.experimental.pallas import tpu as pltpu
from jax.experimental.pallas import tpu_sc as plsc

N_NODES = 100000
N_EDGES = 3200000

NC = 2
NS = 16
NW = NC * NS

NT = 100352
TRASH = N_NODES

CHUNK = 2048
SUB = 16
NITER = 49
EPW = CHUNK * NITER
EP = EPW * NW
EP_ROWS = EP // 128
WROWS = EPW // 128
DCH = 1024
DIT = EPW // DCH
RPT = NT // NS
SCH = 784
SIT = RPT // SCH
SVR = SCH * 8 // 16

_mesh = plsc.VectorSubcoreMesh(core_axis_name="c", subcore_axis_name="s")


def _frsqrt(x):
    i = plsc.bitcast(x, jnp.int32)
    i = jnp.int32(0x5F3759DF) - lax.shift_right_arithmetic(i, 1)
    y = plsc.bitcast(i, jnp.float32)
    for _ in range(3):
        y = y * (1.5 - 0.5 * x * y * y)
    return y



@functools.partial(
    pl.kernel,
    out_type=jax.ShapeDtypeStruct((NC, NT), jnp.float32),
    mesh=_mesh,
    scratch_types=[
        pltpu.VMEM((DCH,), jnp.int32),
        pltpu.VMEM((DCH,), jnp.int32),
        pltpu.VMEM((DCH,), jnp.float32),
        pltpu.VMEM_SHARED((NT,), jnp.float32),
        pltpu.SemaphoreType.DMA,
        pltpu.SemaphoreType.DMA,
    ],
)
def _sc_degree(dst_hbm, ones_hbm, zeros_hbm, degp_hbm, idx0, idx1, ones_v,
               acc_sh, ssem, isem):
    c = lax.axis_index("c")
    s = lax.axis_index("s")
    w = s * NC + c
    base = s * RPT
    pltpu.sync_copy(zeros_hbm.at[pl.ds(base, RPT)], acc_sh.at[pl.ds(base, RPT)])
    pltpu.sync_copy(ones_hbm, ones_v)
    plsc.subcore_barrier()

    def load(k, buf):
        return pltpu.async_copy(dst_hbm.at[pl.ds(w * EPW + k * DCH, DCH)],
                                buf, isem)

    la = load(0, idx0)

    def pair(g, carry):
        a = 2 * g
        lb = load(a + 1, idx1)
        pltpu.make_async_copy(dst_hbm.at[pl.ds(0, DCH)], idx0, isem).wait()
        sa = pltpu.async_copy(ones_v, acc_sh.at[idx0], ssem, add=True)
        lb.wait()
        sb = pltpu.async_copy(ones_v, acc_sh.at[idx1], ssem, add=True)
        sa.wait()

        @pl.when(g < DIT // 2 - 1)
        def _():
            load(a + 2, idx0)

        sb.wait()
        return carry

    lax.fori_loop(0, DIT // 2, pair, 0)
    plsc.subcore_barrier()
    pltpu.sync_copy(acc_sh.at[pl.ds(base, RPT)],
                    degp_hbm.at[c, pl.ds(base, RPT)])


def _make_layer(edge_split):
    if edge_split:
        ait, ch = 98, 1024
    else:
        ait, ch = 98, 2048
    NS_E = ait

    @functools.partial(
        pl.kernel,
        out_type=jax.ShapeDtypeStruct((NC * NT, 8), jnp.float32),
        mesh=_mesh,
        compiler_params=pltpu.CompilerParams(use_tc_tiling_on_sc=False,
                                             needs_layout_passes=False),
        scratch_types=[
            pltpu.VMEM((RPT,), jnp.float32),
            pltpu.VMEM((RPT,), jnp.float32),
            pltpu.VMEM((RPT,), jnp.float32),
            pltpu.VMEM((SCH, 8), jnp.float32),
            pltpu.VMEM((ch,), jnp.int32),
            pltpu.VMEM((ch,), jnp.int32),
            pltpu.VMEM((ch,), jnp.int32),
            pltpu.VMEM((ch,), jnp.int32),
            pltpu.VMEM((ch, 8), jnp.float32),
            pltpu.VMEM((ch, 8), jnp.float32),
            pltpu.VMEM_SHARED((NT, 8), jnp.float32),
            pltpu.SemaphoreType.DMA,
            pltpu.SemaphoreType.DMA,
            pltpu.SemaphoreType.DMA,
        ],
    )
    def _sc_layer(src2_hbm, dst_hbm, w_hbm, degp_hbm, zeros_hbm, z_hbm,
                  dp0, dp1, dinv_v, wbuf, sidx0, didx0, sidx1, didx1,
                  rows0, rows1, acc_sh, gsem, ssem, isem):
        c = lax.axis_index("c")
        s = lax.axis_index("s")
        t0 = s * RPT
        ji = lax.iota(jnp.int32, 16)
        rp2 = ji // 8
        colp = ji % 8

        pltpu.sync_copy(degp_hbm.at[0, pl.ds(t0, RPT)], dp0)
        pltpu.sync_copy(degp_hbm.at[1, pl.ds(t0, RPT)], dp1)

        def dinv_step(k, carry):
            sl = pl.ds(k * 16, 16)
            dinv_v[sl] = _frsqrt(dp0[sl] + dp1[sl] + 1.0)
            return carry

        lax.fori_loop(0, RPT // 16, dinv_step, 0)

        def stage_a(i, carry):
            start = t0 + i * SCH
            woff = start if edge_split else c * NT + start
            pltpu.sync_copy(w_hbm.at[pl.ds(woff, SCH)], wbuf)

            def scale(v, carry2):
                wr = rp2 + 2 * v
                w16 = plsc.load_gather(wbuf, [wr, colp])
                dv = plsc.load_gather(dinv_v, [rp2 + (i * SCH + 2 * v)])
                plsc.store_scatter(wbuf, [wr, colp], w16 * dv)
                return carry2

            lax.fori_loop(0, SVR, scale, 0)
            pltpu.sync_copy(wbuf, z_hbm.at[pl.ds(c * NT + start, SCH)])
            if edge_split:
                @pl.when(c == 0)
                def _():
                    pltpu.sync_copy(wbuf, acc_sh.at[pl.ds(start, SCH)])

                @pl.when(c != 0)
                def _():
                    pltpu.sync_copy(zeros_hbm.at[pl.ds(start, SCH)],
                                    acc_sh.at[pl.ds(start, SCH)])
            else:
                pltpu.sync_copy(wbuf, acc_sh.at[pl.ds(start, SCH)])
            return carry

        lax.fori_loop(0, SIT, stage_a, 0)
        plsc.subcore_barrier()

        def e0(k):
            if edge_split:
                return ((c * NS + s) * NS_E + k) * ch
            return (s * NS_E + k) * ch

        def load_idx(k, sbuf, dbuf):
            h1 = pltpu.async_copy(src2_hbm.at[c, pl.ds(e0(k), ch)],
                                  sbuf, isem)
            h2 = pltpu.async_copy(dst_hbm.at[pl.ds(e0(k), ch)], dbuf, isem)
            return h1, h2

        def fire_gathers(sbuf, rbuf):
            return [pltpu.async_copy(z_hbm.at[sbuf], rbuf, gsem)]

        def fire_scatters(dbuf, rbuf):
            return [pltpu.async_copy(rbuf, acc_sh.at[dbuf], ssem, add=True)]

        def drain_gathers(rbuf):
            pltpu.make_async_copy(w_hbm.at[pl.ds(0, ch)], rbuf, gsem).wait()

        h1, h2 = load_idx(0, sidx0, didx0)
        h1.wait()
        h2.wait()
        fire_gathers(sidx0, rows0)

        def pair(g, carry):
            a = 2 * g
            l1, l2 = load_idx(a + 1, sidx1, didx1)
            drain_gathers(rows0)
            sa = fire_scatters(didx0, rows0)
            l1.wait()
            l2.wait()
            gb = fire_gathers(sidx1, rows1)
            for h in sa:
                h.wait()

            @pl.when(g < ait // 2 - 1)
            def _():
                n1, n2 = load_idx(a + 2, sidx0, didx0)
                n1.wait()
                n2.wait()
                fire_gathers(sidx0, rows0)

            for h in gb:
                h.wait()
            sb_h = fire_scatters(didx1, rows1)
            for h in sb_h:
                h.wait()
            return carry

        lax.fori_loop(0, ait // 2, pair, 0)
        plsc.subcore_barrier()

        def stage_c(i, carry):
            start = t0 + i * SCH
            pltpu.sync_copy(acc_sh.at[pl.ds(start, SCH)], wbuf)

            def scale(v, carry2):
                wr = rp2 + 2 * v
                a16 = plsc.load_gather(wbuf, [wr, colp])
                dv = plsc.load_gather(dinv_v, [rp2 + (i * SCH + 2 * v)])
                plsc.store_scatter(wbuf, [wr, colp], a16 * dv)
                return carry2

            lax.fori_loop(0, SVR, scale, 0)
            pltpu.sync_copy(wbuf, z_hbm.at[pl.ds(c * NT + start, SCH)])
            return carry

        lax.fori_loop(0, SIT, stage_c, 0)

    return _sc_layer


_sc_layer1 = _make_layer(edge_split=False)
_sc_layer2 = _make_layer(edge_split=True)



_WROW = NT // 16
_TB = 448


def _dense1_body(xr_ref, m0_ref, m1_ref, outw_ref):
    xb = xr_ref[...]
    outw_ref[0] = jnp.dot(xb, m0_ref[...], preferred_element_type=jnp.float32)
    outw_ref[1] = jnp.dot(xb, m1_ref[...], preferred_element_type=jnp.float32)


def _dense2_body(zw_ref, b1w_ref, k00_ref, k10_ref, outw_ref):
    h0 = jnp.maximum(zw_ref[0] + b1w_ref[0], 0.0)
    h1 = jnp.maximum(zw_ref[1] + b1w_ref[1], 0.0)
    outw_ref[...] = (jnp.dot(h0, k00_ref[...], preferred_element_type=jnp.float32)
                     + jnp.dot(h1, k10_ref[...], preferred_element_type=jnp.float32))


def _tc_dense1(xr, m0, m1):
    return pl.pallas_call(
        _dense1_body,
        grid=(_WROW // _TB,),
        in_specs=[
            pl.BlockSpec((_TB, 48), lambda i: (i, 0)),
            pl.BlockSpec((48, 128), lambda i: (0, 0)),
            pl.BlockSpec((48, 128), lambda i: (0, 0)),
        ],
        out_specs=pl.BlockSpec((2, _TB, 128), lambda i: (0, i, 0)),
        out_shape=jax.ShapeDtypeStruct((2, _WROW, 128), jnp.float32),
    )(xr, m0, m1)


def _tc_dense2(zw, b1w, k00, k10):
    return pl.pallas_call(
        _dense2_body,
        grid=(_WROW // _TB,),
        in_specs=[
            pl.BlockSpec((2, _TB, 128), lambda i: (0, i, 0)),
            pl.BlockSpec((2, 128), lambda i: (0, 0)),
            pl.BlockSpec((128, 128), lambda i: (0, 0)),
            pl.BlockSpec((128, 128), lambda i: (0, 0)),
        ],
        out_specs=pl.BlockSpec((_TB, 128), lambda i: (i, 0)),
        out_shape=jax.ShapeDtypeStruct((_WROW, 128), jnp.float32),
    )(zw, b1w, k00, k10)



def kernel(x, edge_index, W1, b1, W2, b2):
    f32 = jnp.float32
    ei = edge_index.astype(jnp.int32)
    pad = jnp.full((EP - N_EDGES,), TRASH, jnp.int32)
    padd = (jnp.arange(EP - N_EDGES, dtype=jnp.int32) % (NT - N_NODES)) + TRASH
    src_p = jnp.concatenate([ei[0], pad])
    dst_p = jnp.concatenate([ei[1], padd])
    src2 = jnp.stack([src_p, src_p + NT])

    eye16 = jnp.eye(16, dtype=f32)
    W1f = W1.astype(f32)
    W2p = jnp.pad(W2.astype(f32), ((0, 0), (0, 1)))
    m0 = jnp.kron(eye16, W1f[:, :8])
    m1 = jnp.kron(eye16, W1f[:, 8:])
    k00 = jnp.kron(eye16, W2p[:8, :])
    k10 = jnp.kron(eye16, W2p[8:, :])
    b1w = jnp.tile(b1.astype(f32).reshape(2, 8), (1, 16))

    ones_ch = jnp.ones((DCH,), f32)
    zerosNT = jnp.zeros((NT,), f32)
    zeros8 = jnp.zeros((NT, 8), f32)

    xr = x.reshape(N_NODES * 3 // 48, 48)

    degp = _sc_degree(dst_p, ones_ch, zerosNT)

    w1t = _tc_dense1(xr, m0, m1).reshape(NC * NT, 8)
    z1 = _sc_layer1(src2, dst_p, w1t, degp, zeros8)

    w2t = _tc_dense2(z1.reshape(NC, _WROW, 128), b1w, k00, k10)
    z2 = _sc_layer2(src2, dst_p, w2t.reshape(NT, 8), degp, zeros8)

    return (z2[:N_NODES, :7] + z2[NT:NT + N_NODES, :7]
            + b2.astype(f32)[None, :])

# --- scband reference (transcript-rebuilt; emitter-appended) ---
"""Pipeline reference for scband-gcn-17179869269 (READ-ONLY COPY).

The authoritative reference and input builder live on the scoring server;
editing this copy changes nothing except your own understanding.
"""

import jax, jax.numpy as jnp
import numpy as np

N_NODES = 100000
N_EDGES = 3200000


def setup_inputs(seed: int = 0) -> dict:
    key = jax.random.key(seed)
    k1, k2, k3, k4, k5, k6 = jax.random.split(key, 6)
    x = jax.random.normal(k1, (N_NODES, 3), dtype=jnp.float32)
    edge_index = jax.random.randint(k2, (2, N_EDGES), 0, N_NODES, dtype=jnp.int64)
    # Glorot-ish init for GCNConv weights
    W1 = jax.random.normal(k3, (3, 16), dtype=jnp.float32) * (1.0 / np.sqrt(3.0))
    b1 = jnp.zeros((16,), dtype=jnp.float32)
    W2 = jax.random.normal(k4, (16, 7), dtype=jnp.float32) * (1.0 / np.sqrt(16.0))
    b2 = jnp.zeros((7,), dtype=jnp.float32)
    return {"x": x, "edge_index": edge_index, "W1": W1, "b1": b1, "W2": W2, "b2": b2}


def _gcn_conv(x, src, dst, W, b, num_nodes):
    # symmetric normalization with self-loops (PyG GCNConv default)
    ones = jnp.ones(src.shape[0], dtype=x.dtype)
    deg = jax.ops.segment_sum(ones, dst, num_segments=num_nodes)
    dinv = jnp.where(deg > 0, jax.lax.rsqrt(deg), 0.0)
    norm = dinv[src] * dinv[dst]
    xw = x @ W
    msg = xw[src] * norm[:, None]
    out = jax.ops.segment_sum(msg, dst, num_segments=num_nodes)
    return out + b


def reference(x, edge_index, W1, b1, W2, b2):
    num_nodes = x.shape[0]
    loop = jnp.arange(num_nodes, dtype=edge_index.dtype)
    src = jnp.concatenate([edge_index[0], loop])
    dst = jnp.concatenate([edge_index[1], loop])
    h = _gcn_conv(x, src, dst, W1, b1, num_nodes)
    h = jax.nn.relu(h)
    out = _gcn_conv(h, src, dst, W2, b2, num_nodes)
    # node-level multiclass, return_type=raw -> logits returned directly
    return out

if __name__ == "__main__":
    import jax
    _d = setup_inputs()
    print(jax.jit(kernel)(*tuple(_d.values())))

</pallas_src>

<mosaic_0001>
#map = affine_map<(d0, d1) -> (0, 0)>
#map1 = affine_map<(d0, d1) -> (0)>
module attributes {stable_mosaic.version = 14 : i64} {
  func.func @_sc_layer(%arg0: i32, %arg1: i32, %arg2: memref<2x3211264xi32, #tpu.memory_space<hbm>>, %arg3: memref<3211264xi32, #tpu.memory_space<hbm>>, %arg4: memref<100352x8xf32, #tpu.memory_space<hbm>>, %arg5: memref<2x100352xf32, #tpu.memory_space<hbm>>, %arg6: memref<100352x8xf32, #tpu.memory_space<hbm>>, %arg7: memref<200704x8xf32, #tpu.memory_space<hbm>>, %arg8: memref<6272xf32, #tpu.memory_space<vmem>>, %arg9: memref<6272xf32, #tpu.memory_space<vmem>>, %arg10: memref<6272xf32, #tpu.memory_space<vmem>>, %arg11: memref<784x8xf32, #tpu.memory_space<vmem>>, %arg12: memref<1024xi32, #tpu.memory_space<vmem>>, %arg13: memref<1024xi32, #tpu.memory_space<vmem>>, %arg14: memref<1024xi32, #tpu.memory_space<vmem>>, %arg15: memref<1024xi32, #tpu.memory_space<vmem>>, %arg16: memref<1024x8xf32, #tpu.memory_space<vmem>>, %arg17: memref<1024x8xf32, #tpu.memory_space<vmem>>, %arg18: memref<100352x8xf32, #tpu.memory_space<vmem_shared>>, %arg19: memref<!tpu.dma_semaphore, #tpu.memory_space<semaphore_mem>>, %arg20: memref<!tpu.dma_semaphore, #tpu.memory_space<semaphore_mem>>, %arg21: memref<!tpu.dma_semaphore, #tpu.memory_space<semaphore_mem>>) attributes {dimension_semantics = [#tpu.dimension_semantics<core_parallel>, #tpu.dimension_semantics<subcore_parallel>], iteration_bounds = array<i64: 2, 16>, scalar_prefetch = 0 : i64, scratch_operands = 14 : i64, tpu.core_type = #tpu.core_type<sc_vector_subcore>, window_params = [{transform_indices = #map}, {transform_indices = #map1}, {transform_indices = #map}, {transform_indices = #map}, {transform_indices = #map}, {transform_indices = #map}]} {
    %mul3A = arith.constant 6272 : i32
    %mul3A_0 = arith.muli %arg1, %mul3A : i32
    %iota3A = tpu.iota {dimensions = array<i32: 0>} : vector<16xi32>
    %jit3A = arith.constant 8 : i32
    %div3A = vector.broadcast %jit3A : i32 to vector<16xi32>
    %div3A_1 = arith.divsi %iota3A, %div3A : vector<16xi32>
    %sign3A = arith.constant 0 : i32
    %sign3A_2 = vector.broadcast %sign3A : i32 to vector<16xi32>
    %sign3A_3 = arith.cmpi sgt, %iota3A, %sign3A_2 : vector<16xi32>
    %sign3A_4 = arith.extui %sign3A_3 : vector<16xi1> to vector<16xi32>
    %sign3A_5 = arith.constant 0 : i32
    %sign3A_6 = vector.broadcast %sign3A_5 : i32 to vector<16xi32>
    %sign3A_7 = arith.cmpi slt, %iota3A, %sign3A_6 : vector<16xi32>
    %sign3A_8 = arith.extui %sign3A_7 : vector<16xi1> to vector<16xi32>
    %sign3A_9 = arith.subi %sign3A_4, %sign3A_8 : vector<16xi32>
    %sign3A_10 = arith.constant 0 : i32
    %sign3A_11 = arith.cmpi sgt, %jit3A, %sign3A_10 : i32
    %sign3A_12 = arith.extui %sign3A_11 : i1 to i32
    %sign3A_13 = arith.constant 0 : i32
    %sign3A_14 = arith.cmpi slt, %jit3A, %sign3A_13 : i32
    %sign3A_15 = arith.extui %sign3A_14 : i1 to i32
    %sign3A_16 = arith.subi %sign3A_12, %sign3A_15 : i32
    %ne3A = vector.broadcast %sign3A_16 : i32 to vector<16xi32>
    %ne3A_17 = arith.cmpi ne, %sign3A_9, %ne3A : vector<16xi32>
    %rem3A = vector.broadcast %jit3A : i32 to vector<16xi32>
    %rem3A_18 = arith.remsi %iota3A, %rem3A : vector<16xi32>
    %ne3A_19 = arith.constant 0 : i32
    %ne3A_20 = vector.broadcast %ne3A_19 : i32 to vector<16xi32>
    %ne3A_21 = arith.cmpi ne, %rem3A_18, %ne3A_20 : vector<16xi32>
    %and3A = arith.andi %ne3A_17, %ne3A_21 : vector<16xi1>
    %sub3A = arith.constant 1 : i32
    %sub3A_22 = vector.broadcast %sub3A : i32 to vector<16xi32>
    %sub3A_23 = arith.subi %div3A_1, %sub3A_22 : vector<16xi32>
    %select_n3A = arith.select %and3A, %sub3A_23, %div3A_1 : vector<16xi1>, vector<16xi32>
    %jit3A_24 = arith.constant 8 : i32
    %eq3A = arith.constant 0 : i32
    %eq3A_25 = arith.cmpi eq, %jit3A_24, %eq3A : i32
    %jit3A_26 = arith.constant 1 : i32
    %select_n3A_27 = arith.select %eq3A_25, %jit3A_26, %jit3A_24 : i32
    %rem3A_28 = vector.broadcast %select_n3A_27 : i32 to vector<16xi32>
    %rem3A_29 = arith.remsi %iota3A, %rem3A_28 : vector<16xi32>
    %ne3A_30 = arith.constant 0 : i32
    %ne3A_31 = vector.broadcast %ne3A_30 : i32 to vector<16xi32>
    %ne3A_32 = arith.cmpi ne, %rem3A_29, %ne3A_31 : vector<16xi32>
    %lt3A = arith.constant 0 : i32
    %lt3A_33 = vector.broadcast %lt3A : i32 to vector<16xi32>
    %lt3A_34 = arith.cmpi slt, %rem3A_29, %lt3A_33 : vector<16xi32>
    %lt3A_35 = arith.constant 0 : i32
    %lt3A_36 = arith.cmpi slt, %select_n3A_27, %lt3A_35 : i32
    %ne3A_37 = vector.broadcast %lt3A_36 : i1 to vector<16xi1>
    %ne3A_38 = vector.broadcast %ne3A_37 : vector<16xi1> to vector<16xi1>
    %ne3A_39 = arith.xori %lt3A_34, %ne3A_38 : vector<16xi1>
    %and3A_40 = arith.andi %ne3A_39, %ne3A_32 : vector<16xi1>
    %add3A = vector.broadcast %select_n3A_27 : i32 to vector<16xi32>
    %add3A_41 = arith.addi %rem3A_29, %add3A : vector<16xi32>
    %select_n3A_42 = arith.select %and3A_40, %add3A_41, %rem3A_29 : vector<16xi1>, vector<16xi32>
    %run_scoped3A = arith.constant 0 : i32
    "tpu.region"() ({
      %run_scoped3A_99 = tpu.sem_alloc : memref<!tpu.dma_semaphore, #tpu.memory_space<semaphore_mem>>
      %dma_start3A_100 = tpu.memref_slice %arg5[%run_scoped3A, %mul3A_0] : memref<2x100352xf32, #tpu.memory_space<hbm>> -> memref<1x6272xf32, #tpu.memory_space<hbm>>
      %dma_start3A_101 = tpu.memref_squeeze %dma_start3A_100 : memref<1x6272xf32, #tpu.memory_space<hbm>> -> memref<6272xf32, #tpu.memory_space<hbm>>
      %dma_start3A_102 = tpu.memref_slice %arg5[%run_scoped3A, %mul3A_0] : memref<2x100352xf32, #tpu.memory_space<hbm>> -> memref<1x6272xf32, #tpu.memory_space<hbm>>
      %dma_start3A_103 = tpu.memref_squeeze %dma_start3A_102 : memref<1x6272xf32, #tpu.memory_space<hbm>> -> memref<6272xf32, #tpu.memory_space<hbm>>
      tpu.enqueue_dma source(%dma_start3A_103 : memref<6272xf32, #tpu.memory_space<hbm>>) target(%arg8 : memref<6272xf32, #tpu.memory_space<vmem>>) target_semaphore(%run_scoped3A_99 : memref<!tpu.dma_semaphore, #tpu.memory_space<semaphore_mem>>)
      %dma_wait3A_104 = tpu.memref_slice %arg5[%run_scoped3A, %mul3A_0] : memref<2x100352xf32, #tpu.memory_space<hbm>> -> memref<1x6272xf32, #tpu.memory_space<hbm>>
      %dma_wait3A_105 = tpu.memref_squeeze %dma_wait3A_104 : memref<1x6272xf32, #tpu.memory_space<hbm>> -> memref<6272xf32, #tpu.memory_space<hbm>>
      %dma_wait3A_106 = tpu.memref_slice %arg5[%run_scoped3A, %mul3A_0] : memref<2x100352xf32, #tpu.memory_space<hbm>> -> memref<1x6272xf32, #tpu.memory_space<hbm>>
      %dma_wait3A_107 = tpu.memref_squeeze %dma_wait3A_106 : memref<1x6272xf32, #tpu.memory_space<hbm>> -> memref<6272xf32, #tpu.memory_space<hbm>>
      tpu.wait_dma2 semaphore(%run_scoped3A_99 : memref<!tpu.dma_semaphore, #tpu.memory_space<semaphore_mem>>) src(%dma_wait3A_107 : memref<6272xf32, #tpu.memory_space<hbm>>) dst(%arg8 : memref<6272xf32, #tpu.memory_space<vmem>>)
      tpu.yield
    }) : () -> ()
    %run_scoped3A_43 = arith.constant 1 : i32
    "tpu.region"() ({
      %run_scoped3A_99 = tpu.sem_alloc : memref<!tpu.dma_semaphore, #tpu.memory_space<semaphore_mem>>
      %dma_start3A_100 = tpu.memref_slice %arg5[%run_scoped3A_43, %mul3A_0] : memref<2x100352xf32, #tpu.memory_space<hbm>> -> memref<1x6272xf32, #tpu.memory_space<hbm>>
      %dma_start3A_101 = tpu.memref_squeeze %dma_start3A_100 : memref<1x6272xf32, #tpu.memory_space<hbm>> -> memref<6272xf32, #tpu.memory_space<hbm>>
      %dma_start3A_102 = tpu.memref_slice %arg5[%run_scoped3A_43, %mul3A_0] : memref<2x100352xf32, #tpu.memory_space<hbm>> -> memref<1x6272xf32, #tpu.memory_space<hbm>>
      %dma_start3A_103 = tpu.memref_squeeze %dma_start3A_102 : memref<1x6272xf32, #tpu.memory_space<hbm>> -> memref<6272xf32, #tpu.memory_space<hbm>>
      tpu.enqueue_dma source(%dma_start3A_103 : memref<6272xf32, #tpu.memory_space<hbm>>) target(%arg9 : memref<6272xf32, #tpu.memory_space<vmem>>) target_semaphore(%run_scoped3A_99 : memref<!tpu.dma_semaphore, #tpu.memory_space<semaphore_mem>>)
      %dma_wait3A_104 = tpu.memref_slice %arg5[%run_scoped3A_43, %mul3A_0] : memref<2x100352xf32, #tpu.memory_space<hbm>> -> memref<1x6272xf32, #tpu.memory_space<hbm>>
      %dma_wait3A_105 = tpu.memref_squeeze %dma_wait3A_104 : memref<1x6272xf32, #tpu.memory_space<hbm>> -> memref<6272xf32, #tpu.memory_space<hbm>>
      %dma_wait3A_106 = tpu.memref_slice %arg5[%run_scoped3A_43, %mul3A_0] : memref<2x100352xf32, #tpu.memory_space<hbm>> -> memref<1x6272xf32, #tpu.memory_space<hbm>>
      %dma_wait3A_107 = tpu.memref_squeeze %dma_wait3A_106 : memref<1x6272xf32, #tpu.memory_space<hbm>> -> memref<6272xf32, #tpu.memory_space<hbm>>
      tpu.wait_dma2 semaphore(%run_scoped3A_99 : memref<!tpu.dma_semaphore, #tpu.memory_space<semaphore_mem>>) src(%dma_wait3A_107 : memref<6272xf32, #tpu.memory_space<hbm>>) dst(%arg9 : memref<6272xf32, #tpu.memory_space<vmem>>)
      tpu.yield
    }) : () -> ()
    %scan3A = arith.constant 0 : i32
    %scan3A_44 = arith.constant 0 : i32
    %scan3A_45 = arith.constant 392 : i32
    %scan3A_46 = arith.addi %scan3A_44, %scan3A_45 : i32
    %scan3A_47 = arith.constant 1 : i32
    scf.for %scan3A_99 = %scan3A_44 to %scan3A_46 step %scan3A_47  : i32 {
      %mul3A_100 = arith.constant 16 : i32
      %mul3A_101 = arith.muli %scan3A_99, %mul3A_100 : i32
      %get3A = arith.index_cast %mul3A_101 : i32 to index
      %get3A_102 = tpu.vector_load %arg8[%get3A] {strides = array<i32>} : memref<6272xf32, #tpu.memory_space<vmem>>, vector<16xf32>,
      %get3A_103 = arith.index_cast %mul3A_101 : i32 to index
      %get3A_104 = tpu.vector_load %arg9[%get3A_103] {strides = array<i32>} : memref<6272xf32, #tpu.memory_space<vmem>>, vector<16xf32>,
      %add3A_105 = arith.addf %get3A_102, %get3A_104 : vector<16xf32>
      %add3A_106 = arith.constant 1.000000e+00 : f32
      %add3A_107 = vector.broadcast %add3A_106 : f32 to vector<16xf32>
      %add3A_108 = arith.addf %add3A_105, %add3A_107 : vector<16xf32>
      %bitcast3A = vector.bitcast %add3A_108 : vector<16xf32> to vector<16xi32>
      %shift_right_arithmetic3A = arith.constant 1 : i32
      %shift_right_arithmetic3A_109 = vector.broadcast %shift_right_arithmetic3A : i32 to vector<16xi32>
      %shift_right_arithmetic3A_110 = arith.shrsi %bitcast3A, %shift_right_arithmetic3A_109 : vector<16xi32>
      %sub3A_111 = arith.constant 1597463007 : i32
      %sub3A_112 = vector.broadcast %sub3A_111 : i32 to vector<16xi32>
      %sub3A_113 = arith.subi %sub3A_112, %shift_right_arithmetic3A_110 : vector<16xi32>
      %bitcast3A_114 = vector.bitcast %sub3A_113 : vector<16xi32> to vector<16xf32>
      %mul3A_115 = arith.constant 5.000000e-01 : f32
      %mul3A_116 = vector.broadcast %mul3A_115 : f32 to vector<16xf32>
      %mul3A_117 = arith.mulf %mul3A_116, %add3A_108 : vector<16xf32>
      %mul3A_118 = arith.mulf %mul3A_117, %bitcast3A_114 : vector<16xf32>
      %mul3A_119 = arith.mulf %mul3A_118, %bitcast3A_114 : vector<16xf32>
      %sub3A_120 = arith.constant 1.500000e+00 : f32
      %sub3A_121 = vector.broadcast %sub3A_120 : f32 to vector<16xf32>
      %sub3A_122 = arith.subf %sub3A_121, %mul3A_119 : vector<16xf32>
      %mul3A_123 = arith.mulf %bitcast3A_114, %sub3A_122 : vector<16xf32>
      %mul3A_124 = arith.constant 5.000000e-01 : f32
      %mul3A_125 = vector.broadcast %mul3A_124 : f32 to vector<16xf32>
      %mul3A_126 = arith.mulf %mul3A_125, %add3A_108 : vector<16xf32>
      %mul3A_127 = arith.mulf %mul3A_126, %mul3A_123 : vector<16xf32>
      %mul3A_128 = arith.mulf %mul3A_127, %mul3A_123 : vector<16xf32>
      %sub3A_129 = arith.constant 1.500000e+00 : f32
      %sub3A_130 = vector.broadcast %sub3A_129 : f32 to vector<16xf32>
      %sub3A_131 = arith.subf %sub3A_130, %mul3A_128 : vector<16xf32>
      %mul3A_132 = arith.mulf %mul3A_123, %sub3A_131 : vector<16xf32>
      %mul3A_133 = arith.constant 5.000000e-01 : f32
      %mul3A_134 = vector.broadcast %mul3A_133 : f32 to vector<16xf32>
      %mul3A_135 = arith.mulf %mul3A_134, %add3A_108 : vector<16xf32>
      %mul3A_136 = arith.mulf %mul3A_135, %mul3A_132 : vector<16xf32>
      %mul3A_137 = arith.mulf %mul3A_136, %mul3A_132 : vector<16xf32>
      %sub3A_138 = arith.constant 1.500000e+00 : f32
      %sub3A_139 = vector.broadcast %sub3A_138 : f32 to vector<16xf32>
      %sub3A_140 = arith.subf %sub3A_139, %mul3A_137 : vector<16xf32>
      %mul3A_141 = arith.mulf %mul3A_132, %sub3A_140 : vector<16xf32>
      %swap3A = arith.index_cast %mul3A_101 : i32 to index
      %swap3A_142 = tpu.vector_load %arg10[%swap3A] {strides = array<i32>} : memref<6272xf32, #tpu.memory_space<vmem>>, vector<16xf32>,
      tpu.vector_store %arg10[%swap3A], %mul3A_141 {strides = array<i32>} : memref<6272xf32, #tpu.memory_space<vmem>>, vector<16xf32>,
    }
    %scan3A_48 = arith.constant 392 : i32
    %scan3A_49 = arith.constant 0 : i32
    %scan3A_50 = arith.constant 0 : i32
    %scan3A_51 = arith.constant 8 : i32
    %scan3A_52 = arith.addi %scan3A_50, %scan3A_51 : i32
    %scan3A_53 = arith.constant 1 : i32
    scf.for %scan3A_99 = %scan3A_50 to %scan3A_52 step %scan3A_53  : i32 {
      %mul3A_100 = arith.constant 784 : i32
      %mul3A_101 = arith.muli %scan3A_99, %mul3A_100 : i32
      %add3A_102 = arith.addi %mul3A_0, %mul3A_101 : i32
      "tpu.region"() ({
        %run_scoped3A_120 = tpu.sem_alloc : memref<!tpu.dma_semaphore, #tpu.memory_space<semaphore_mem>>
        %dma_start3A_121 = arith.constant 0 : i32
        %dma_start3A_122 = tpu.memref_slice %arg4[%add3A_102, %dma_start3A_121] : memref<100352x8xf32, #tpu.memory_space<hbm>> -> memref<784x8xf32, #tpu.memory_space<hbm>>
        %dma_start3A_123 = arith.constant 0 : i32
        %dma_start3A_124 = tpu.memref_slice %arg4[%add3A_102, %dma_start3A_123] : memref<100352x8xf32, #tpu.memory_space<hbm>> -> memref<784x8xf32, #tpu.memory_space<hbm>>
        tpu.enqueue_dma source(%dma_start3A_124 : memref<784x8xf32, #tpu.memory_space<hbm>>) target(%arg11 : memref<784x8xf32, #tpu.memory_space<vmem>>) target_semaphore(%run_scoped3A_120 : memref<!tpu.dma_semaphore, #tpu.memory_space<semaphore_mem>>)
        %dma_wait3A_125 = arith.constant 0 : i32
        %dma_wait3A_126 = tpu.memref_slice %arg4[%add3A_102, %dma_wait3A_125] : memref<100352x8xf32, #tpu.memory_space<hbm>> -> memref<784x8xf32, #tpu.memory_space<hbm>>
        %dma_wait3A_127 = arith.constant 0 : i32
        %dma_wait3A_128 = tpu.memref_slice %arg4[%add3A_102, %dma_wait3A_127] : memref<100352x8xf32, #tpu.memory_space<hbm>> -> memref<784x8xf32, #tpu.memory_space<hbm>>
        tpu.wait_dma2 semaphore(%run_scoped3A_120 : memref<!tpu.dma_semaphore, #tpu.memory_space<semaphore_mem>>) src(%dma_wait3A_128 : memref<784x8xf32, #tpu.memory_space<hbm>>) dst(%arg11 : memref<784x8xf32, #tpu.memory_space<vmem>>)
        tpu.yield
      }) : () -> ()
      %scan3A_103 = arith.constant 0 : i32
      %scan3A_104 = arith.constant 0 : i32
      %scan3A_105 = arith.constant 392 : i32
      %scan3A_106 = arith.addi %scan3A_104, %scan3A_105 : i32
      %scan3A_107 = arith.constant 1 : i32
      scf.for %scan3A_120 = %scan3A_104 to %scan3A_106 step %scan3A_107  : i32 {
        %mul3A_121 = arith.constant 2 : i32
        %mul3A_122 = arith.muli %mul3A_121, %scan3A_120 : i32
        %add3A_123 = vector.broadcast %mul3A_122 : i32 to vector<16xi32>
        %add3A_124 = arith.addi %select_n3A, %add3A_123 : vector<16xi32>
        %gather3A = tpu.vector_load_idx %arg11[%add3A_124, %select_n3A_42] : memref<784x8xf32, #tpu.memory_space<vmem>>[vector<16xi32>, vector<16xi32>], vector<16xf32>,
        %mul3A_125 = arith.constant 784 : i32
        %mul3A_126 = arith.muli %scan3A_99, %mul3A_125 : i32
        %mul3A_127 = arith.constant 2 : i32
        %mul3A_128 = arith.muli %mul3A_127, %scan3A_120 : i32
        %add3A_129 = arith.addi %mul3A_126, %mul3A_128 : i32
        %add3A_130 = vector.broadcast %add3A_129 : i32 to vector<16xi32>
        %add3A_131 = arith.addi %select_n3A, %add3A_130 : vector<16xi32>
        %gather3A_132 = tpu.vector_load_idx %arg10[%add3A_131] : memref<6272xf32, #tpu.memory_space<vmem>>[vector<16xi32>], vector<16xf32>,
        %mul3A_133 = arith.mulf %gather3A, %gather3A_132 : vector<16xf32>
        tpu.vector_store_idx %arg11[%add3A_124, %select_n3A_42], %mul3A_133 : memref<784x8xf32, #tpu.memory_space<vmem>>[vector<16xi32>, vector<16xi32>], vector<16xf32>,
      }
      %scan3A_108 = arith.constant 392 : i32
      %mul3A_109 = arith.constant 100352 : i32
      %mul3A_110 = arith.muli %arg0, %mul3A_109 : i32
      %add3A_111 = arith.addi %mul3A_110, %add3A_102 : i32
      "tpu.region"() ({
        %run_scoped3A_120 = tpu.sem_alloc : memref<!tpu.dma_semaphore, #tpu.memory_space<semaphore_mem>>
        %dma_start3A_121 = arith.constant 0 : i32
        %dma_start3A_122 = tpu.memref_slice %arg7[%add3A_111, %dma_start3A_121] : memref<200704x8xf32, #tpu.memory_space<hbm>> -> memref<784x8xf32, #tpu.memory_space<hbm>>
        %dma_start3A_123 = arith.constant 0 : i32
        %dma_start3A_124 = tpu.memref_slice %arg7[%add3A_111, %dma_start3A_123] : memref<200704x8xf32, #tpu.memory_space<hbm>> -> memref<784x8xf32, #tpu.memory_space<hbm>>
        tpu.enqueue_dma source(%arg11 : memref<784x8xf32, #tpu.memory_space<vmem>>) target(%dma_start3A_124 : memref<784x8xf32, #tpu.memory_space<hbm>>) target_semaphore(%run_scoped3A_120 : memref<!tpu.dma_semaphore, #tpu.memory_space<semaphore_mem>>)
        %dma_wait3A_125 = arith.constant 0 : i32
        %dma_wait3A_126 = tpu.memref_slice %arg7[%add3A_111, %dma_wait3A_125] : memref<200704x8xf32, #tpu.memory_space<hbm>> -> memref<784x8xf32, #tpu.memory_space<hbm>>
        %dma_wait3A_127 = arith.constant 0 : i32
        %dma_wait3A_128 = tpu.memref_slice %arg7[%add3A_111, %dma_wait3A_127] : memref<200704x8xf32, #tpu.memory_space<hbm>> -> memref<784x8xf32, #tpu.memory_space<hbm>>
        tpu.wait_dma2 semaphore(%run_scoped3A_120 : memref<!tpu.dma_semaphore, #tpu.memory_space<semaphore_mem>>) src(%arg11 : memref<784x8xf32, #tpu.memory_space<vmem>>) dst(%dma_wait3A_128 : memref<784x8xf32, #tpu.memory_space<hbm>>)
        tpu.yield
      }) : () -> ()
      %eq3A_112 = arith.constant 0 : i32
      %eq3A_113 = arith.cmpi eq, %arg0, %eq3A_112 : i32
      %convert_element_type3A = arith.extui %eq3A_113 : i1 to i32
      %cond3A = arith.constant 0 : i32
      %cond3A_114 = arith.cmpi ne, %convert_element_type3A, %cond3A : i32
      scf.if %cond3A_114 {
        "tpu.region"() ({
          %run_scoped3A_120 = tpu.sem_alloc : memref<!tpu.dma_semaphore, #tpu.memory_space<semaphore_mem>>
          %dma_start3A_121 = arith.constant 0 : i32
          %dma_start3A_122 = tpu.memref_slice %arg18[%add3A_102, %dma_start3A_121] : memref<100352x8xf32, #tpu.memory_space<vmem_shared>> -> memref<784x8xf32, #tpu.memory_space<vmem_shared>>
          %dma_start3A_123 = arith.constant 0 : i32
          %dma_start3A_124 = tpu.memref_slice %arg18[%add3A_102, %dma_start3A_123] : memref<100352x8xf32, #tpu.memory_space<vmem_shared>> -> memref<784x8xf32, #tpu.memory_space<vmem_shared>>
          tpu.enqueue_dma source(%arg11 : memref<784x8xf32, #tpu.memory_space<vmem>>) target(%dma_start3A_124 : memref<784x8xf32, #tpu.memory_space<vmem_shared>>) target_semaphore(%run_scoped3A_120 : memref<!tpu.dma_semaphore, #tpu.memory_space<semaphore_mem>>)
          %dma_wait3A_125 = arith.constant 0 : i32
          %dma_wait3A_126 = tpu.memref_slice %arg18[%add3A_102, %dma_wait3A_125] : memref<100352x8xf32, #tpu.memory_space<vmem_shared>> -> memref<784x8xf32, #tpu.memory_space<vmem_shared>>
          %dma_wait3A_127 = arith.constant 0 : i32
          %dma_wait3A_128 = tpu.memref_slice %arg18[%add3A_102, %dma_wait3A_127] : memref<100352x8xf32, #tpu.memory_space<vmem_shared>> -> memref<784x8xf32, #tpu.memory_space<vmem_shared>>
          tpu.wait_dma2 semaphore(%run_scoped3A_120 : memref<!tpu.dma_semaphore, #tpu.memory_space<semaphore_mem>>) src(%arg11 : memref<784x8xf32, #tpu.memory_space<vmem>>) dst(%dma_wait3A_128 : memref<784x8xf32, #tpu.memory_space<vmem_shared>>)
          tpu.yield
        }) : () -> ()
      } else {
      }
      %ne3A_115 = arith.constant 0 : i32
      %ne3A_116 = arith.cmpi ne, %arg0, %ne3A_115 : i32
      %convert_element_type3A_117 = arith.extui %ne3A_116 : i1 to i32
      %cond3A_118 = arith.constant 0 : i32
      %cond3A_119 = arith.cmpi ne, %convert_element_type3A_117, %cond3A_118 : i32
      scf.if %cond3A_119 {
        "tpu.region"() ({
          %run_scoped3A_120 = tpu.sem_alloc : memref<!tpu.dma_semaphore, #tpu.memory_space<semaphore_mem>>
          %dma_start3A_121 = arith.constant 0 : i32
          %dma_start3A_122 = tpu.memref_slice %arg18[%add3A_102, %dma_start3A_121] : memref<100352x8xf32, #tpu.memory_space<vmem_shared>> -> memref<784x8xf32, #tpu.memory_space<vmem_shared>>
          %dma_start3A_123 = arith.constant 0 : i32
          %dma_start3A_124 = tpu.memref_slice %arg6[%add3A_102, %dma_start3A_123] : memref<100352x8xf32, #tpu.memory_space<hbm>> -> memref<784x8xf32, #tpu.memory_space<hbm>>
          tpu.enqueue_dma source(%dma_start3A_124 : memref<784x8xf32, #tpu.memory_space<hbm>>) target(%dma_start3A_122 : memref<784x8xf32, #tpu.memory_space<vmem_shared>>) target_semaphore(%run_scoped3A_120 : memref<!tpu.dma_semaphore, #tpu.memory_space<semaphore_mem>>)
          %dma_wait3A_125 = arith.constant 0 : i32
          %dma_wait3A_126 = tpu.memref_slice %arg18[%add3A_102, %dma_wait3A_125] : memref<100352x8xf32, #tpu.memory_space<vmem_shared>> -> memref<784x8xf32, #tpu.memory_space<vmem_shared>>
          %dma_wait3A_127 = arith.constant 0 : i32
          %dma_wait3A_128 = tpu.memref_slice %arg6[%add3A_102, %dma_wait3A_127] : memref<100352x8xf32, #tpu.memory_space<hbm>> -> memref<784x8xf32, #tpu.memory_space<hbm>>
          tpu.wait_dma2 semaphore(%run_scoped3A_120 : memref<!tpu.dma_semaphore, #tpu.memory_space<semaphore_mem>>) src(%dma_wait3A_128 : memref<784x8xf32, #tpu.memory_space<hbm>>) dst(%dma_wait3A_126 : memref<784x8xf32, #tpu.memory_space<vmem_shared>>)
          tpu.yield
        }) : () -> ()
      } else {
      }
    }
    %scan3A_54 = arith.constant 8 : i32
    %barrier3A = arith.constant 0 : index
    tpu.barrier barrier_id(%barrier3A)
    %mul3A_55 = arith.constant 16 : i32
    %mul3A_56 = arith.muli %arg0, %mul3A_55 : i32
    %add3A_57 = arith.addi %mul3A_56, %arg1 : i32
    %mul3A_58 = arith.constant 98 : i32
    %mul3A_59 = arith.muli %add3A_57, %mul3A_58 : i32
    %add3A_60 = arith.constant 0 : i32
    %add3A_61 = arith.addi %mul3A_59, %add3A_60 : i32
    %mul3A_62 = arith.constant 1024 : i32
    %mul3A_63 = arith.muli %add3A_61, %mul3A_62 : i32
    %dma_start3A = tpu.memref_slice %arg2[%arg0, %mul3A_63] : memref<2x3211264xi32, #tpu.memory_space<hbm>> -> memref<1x1024xi32, #tpu.memory_space<hbm>>
    %dma_start3A_64 = tpu.memref_squeeze %dma_start3A : memref<1x1024xi32, #tpu.memory_space<hbm>> -> memref<1024xi32, #tpu.memory_space<hbm>>
    %dma_start3A_65 = tpu.memref_slice %arg2[%arg0, %mul3A_63] : memref<2x3211264xi32, #tpu.memory_space<hbm>> -> memref<1x1024xi32, #tpu.memory_space<hbm>>
    %dma_start3A_66 = tpu.memref_squeeze %dma_start3A_65 : memref<1x1024xi32, #tpu.memory_space<hbm>> -> memref<1024xi32, #tpu.memory_space<hbm>>
    tpu.enqueue_dma source(%dma_start3A_66 : memref<1024xi32, #tpu.memory_space<hbm>>) target(%arg12 : memref<1024xi32, #tpu.memory_space<vmem>>) target_semaphore(%arg21 : memref<!tpu.dma_semaphore, #tpu.memory_space<semaphore_mem>>)
    %mul3A_67 = arith.constant 16 : i32
    %mul3A_68 = arith.muli %arg0, %mul3A_67 : i32
    %add3A_69 = arith.addi %mul3A_68, %arg1 : i32
    %mul3A_70 = arith.constant 98 : i32
    %mul3A_71 = arith.muli %add3A_69, %mul3A_70 : i32
    %add3A_72 = arith.constant 0 : i32
    %add3A_73 = arith.addi %mul3A_71, %add3A_72 : i32
    %mul3A_74 = arith.constant 1024 : i32
    %mul3A_75 = arith.muli %add3A_73, %mul3A_74 : i32
    %dma_start3A_76 = tpu.memref_slice %arg3[%mul3A_75] : memref<3211264xi32, #tpu.memory_space<hbm>> -> memref<1024xi32, #tpu.memory_space<hbm>>
    %dma_start3A_77 = tpu.memref_slice %arg3[%mul3A_75] : memref<3211264xi32, #tpu.memory_space<hbm>> -> memref<1024xi32, #tpu.memory_space<hbm>>
    tpu.enqueue_dma source(%dma_start3A_77 : memref<1024xi32, #tpu.memory_space<hbm>>) target(%arg13 : memref<1024xi32, #tpu.memory_space<vmem>>) target_semaphore(%arg21 : memref<!tpu.dma_semaphore, #tpu.memory_space<semaphore_mem>>)
    %dma_wait3A = tpu.memref_slice %arg2[%arg0, %mul3A_63] : memref<2x3211264xi32, #tpu.memory_space<hbm>> -> memref<1x1024xi32, #tpu.memory_space<hbm>>
    %dma_wait3A_78 = tpu.memref_squeeze %dma_wait3A : memref<1x1024xi32, #tpu.memory_space<hbm>> -> memref<1024xi32, #tpu.memory_space<hbm>>
    %dma_wait3A_79 = tpu.memref_slice %arg2[%arg0, %mul3A_63] : memref<2x3211264xi32, #tpu.memory_space<hbm>> -> memref<1x1024xi32, #tpu.memory_space<hbm>>
    %dma_wait3A_80 = tpu.memref_squeeze %dma_wait3A_79 : memref<1x1024xi32, #tpu.memory_space<hbm>> -> memref<1024xi32, #tpu.memory_space<hbm>>
    tpu.wait_dma2 semaphore(%arg21 : memref<!tpu.dma_semaphore, #tpu.memory_space<semaphore_mem>>) src(%dma_wait3A_80 : memref<1024xi32, #tpu.memory_space<hbm>>) dst(%arg12 : memref<1024xi32, #tpu.memory_space<vmem>>)
    %dma_wait3A_81 = tpu.memref_slice %arg3[%mul3A_75] : memref<3211264xi32, #tpu.memory_space<hbm>> -> memref<1024xi32, #tpu.memory_space<hbm>>
    %dma_wait3A_82 = tpu.memref_slice %arg3[%mul3A_75] : memref<3211264xi32, #tpu.memory_space<hbm>> -> memref<1024xi32, #tpu.memory_space<hbm>>
    tpu.wait_dma2 semaphore(%arg21 : memref<!tpu.dma_semaphore, #tpu.memory_space<semaphore_mem>>) src(%dma_wait3A_82 : memref<1024xi32, #tpu.memory_space<hbm>>) dst(%arg13 : memref<1024xi32, #tpu.memory_space<vmem>>)
    %dma_start3A_83 = arith.constant 0 : i32
    %dma_start3A_84 = arith.constant 0 : i32
    %dma_start3A_85 = tpu.memref_slice %arg7[%dma_start3A_83, %dma_start3A_84] : memref<200704x8xf32, #tpu.memory_space<hbm>> -> memref<200704x8xf32, #tpu.memory_space<hbm>>
    tpu.enqueue_indirect_dma source(%dma_start3A_85 : memref<200704x8xf32, #tpu.memory_space<hbm>>) target(%arg16 : memref<1024x8xf32, #tpu.memory_space<vmem>>) offsets(%arg12 : memref<1024xi32, #tpu.memory_space<vmem>>) semaphore(%arg19 : memref<!tpu.dma_semaphore, #tpu.memory_space<semaphore_mem>>)
    %scan3A_86 = arith.constant 0 : i32
    %scan3A_87 = arith.constant 0 : i32
    %scan3A_88 = arith.constant 49 : i32
    %scan3A_89 = arith.addi %scan3A_87, %scan3A_88 : i32
    %scan3A_90 = arith.constant 1 : i32
    scf.for %scan3A_99 = %scan3A_87 to %scan3A_89 step %scan3A_90  : i32 {
      %mul3A_100 = arith.constant 2 : i32
      %mul3A_101 = arith.muli %mul3A_100, %scan3A_99 : i32
      %add3A_102 = arith.constant 1 : i32
      %add3A_103 = arith.addi %mul3A_101, %add3A_102 : i32
      %mul3A_104 = arith.constant 16 : i32
      %mul3A_105 = arith.muli %arg0, %mul3A_104 : i32
      %add3A_106 = arith.addi %mul3A_105, %arg1 : i32
      %mul3A_107 = arith.constant 98 : i32
      %mul3A_108 = arith.muli %add3A_106, %mul3A_107 : i32
      %add3A_109 = arith.addi %mul3A_108, %add3A_103 : i32
      %mul3A_110 = arith.constant 1024 : i32
      %mul3A_111 = arith.muli %add3A_109, %mul3A_110 : i32
      %dma_start3A_112 = tpu.memref_slice %arg2[%arg0, %mul3A_111] : memref<2x3211264xi32, #tpu.memory_space<hbm>> -> memref<1x1024xi32, #tpu.memory_space<hbm>>
      %dma_start3A_113 = tpu.memref_squeeze %dma_start3A_112 : memref<1x1024xi32, #tpu.memory_space<hbm>> -> memref<1024xi32, #tpu.memory_space<hbm>>
      %dma_start3A_114 = tpu.memref_slice %arg2[%arg0, %mul3A_111] : memref<2x3211264xi32, #tpu.memory_space<hbm>> -> memref<1x1024xi32, #tpu.memory_space<hbm>>
      %dma_start3A_115 = tpu.memref_squeeze %dma_start3A_114 : memref<1x1024xi32, #tpu.memory_space<hbm>> -> memref<1024xi32, #tpu.memory_space<hbm>>
      tpu.enqueue_dma source(%dma_start3A_115 : memref<1024xi32, #tpu.memory_space<hbm>>) target(%arg14 : memref<1024xi32, #tpu.memory_space<vmem>>) target_semaphore(%arg21 : memref<!tpu.dma_semaphore, #tpu.memory_space<semaphore_mem>>)
      %mul3A_116 = arith.constant 16 : i32
      %mul3A_117 = arith.muli %arg0, %mul3A_116 : i32
      %add3A_118 = arith.addi %mul3A_117, %arg1 : i32
      %mul3A_119 = arith.constant 98 : i32
      %mul3A_120 = arith.muli %add3A_118, %mul3A_119 : i32
      %add3A_121 = arith.addi %mul3A_120, %add3A_103 : i32
      %mul3A_122 = arith.constant 1024 : i32
      %mul3A_123 = arith.muli %add3A_121, %mul3A_122 : i32
      %dma_start3A_124 = tpu.memref_slice %arg3[%mul3A_123] : memref<3211264xi32, #tpu.memory_space<hbm>> -> memref<1024xi32, #tpu.memory_space<hbm>>
      %dma_start3A_125 = tpu.memref_slice %arg3[%mul3A_123] : memref<3211264xi32, #tpu.memory_space<hbm>> -> memref<1024xi32, #tpu.memory_space<hbm>>
      tpu.enqueue_dma source(%dma_start3A_125 : memref<1024xi32, #tpu.memory_space<hbm>>) target(%arg15 : memref<1024xi32, #tpu.memory_space<vmem>>) target_semaphore(%arg21 : memref<!tpu.dma_semaphore, #tpu.memory_space<semaphore_mem>>)
      %dma_wait3A_126 = arith.constant 0 : i32
      %dma_wait3A_127 = arith.constant 0 : i32
      %dma_wait3A_128 = tpu.memref_slice %arg4[%dma_wait3A_126, %dma_wait3A_127] : memref<100352x8xf32, #tpu.memory_space<hbm>> -> memref<1024x8xf32, #tpu.memory_space<hbm>>
      %dma_wait3A_129 = arith.constant 0 : i32
      %dma_wait3A_130 = arith.constant 0 : i32
      %dma_wait3A_131 = tpu.memref_slice %arg4[%dma_wait3A_129, %dma_wait3A_130] : memref<100352x8xf32, #tpu.memory_space<hbm>> -> memref<1024x8xf32, #tpu.memory_space<hbm>>
      tpu.wait_dma2 semaphore(%arg19 : memref<!tpu.dma_semaphore, #tpu.memory_space<semaphore_mem>>) src(%dma_wait3A_131 : memref<1024x8xf32, #tpu.memory_space<hbm>>) dst(%arg16 : memref<1024x8xf32, #tpu.memory_space<vmem>>)
      %dma_start3A_132 = arith.constant 0 : i32
      %dma_start3A_133 = arith.constant 0 : i32
      %dma_start3A_134 = tpu.memref_slice %arg18[%dma_start3A_132, %dma_start3A_133] : memref<100352x8xf32, #tpu.memory_space<vmem_shared>> -> memref<100352x8xf32, #tpu.memory_space<vmem_shared>>
      tpu.enqueue_indirect_dma source(%arg16 : memref<1024x8xf32, #tpu.memory_space<vmem>>) target(%dma_start3A_134 : memref<100352x8xf32, #tpu.memory_space<vmem_shared>>) offsets(%arg13 : memref<1024xi32, #tpu.memory_space<vmem>>) semaphore(%arg20 : memref<!tpu.dma_semaphore, #tpu.memory_space<semaphore_mem>>) {add = true}
      %dma_wait3A_135 = tpu.memref_slice %arg2[%arg0, %mul3A_111] : memref<2x3211264xi32, #tpu.memory_space<hbm>> -> memref<1x1024xi32, #tpu.memory_space<hbm>>
      %dma_wait3A_136 = tpu.memref_squeeze %dma_wait3A_135 : memref<1x1024xi32, #tpu.memory_space<hbm>> -> memref<1024xi32, #tpu.memory_space<hbm>>
      %dma_wait3A_137 = tpu.memref_slice %arg2[%arg0, %mul3A_111] : memref<2x3211264xi32, #tpu.memory_space<hbm>> -> memref<1x1024xi32, #tpu.memory_space<hbm>>
      %dma_wait3A_138 = tpu.memref_squeeze %dma_wait3A_137 : memref<1x1024xi32, #tpu.memory_space<hbm>> -> memref<1024xi32, #tpu.memory_space<hbm>>
      tpu.wait_dma2 semaphore(%arg21 : memref<!tpu.dma_semaphore, #tpu.memory_space<semaphore_mem>>) src(%dma_wait3A_138 : memref<1024xi32, #tpu.memory_space<hbm>>) dst(%arg14 : memref<1024xi32, #tpu.memory_space<vmem>>)
      %dma_wait3A_139 = tpu.memref_slice %arg3[%mul3A_123] : memref<3211264xi32, #tpu.memory_space<hbm>> -> memref<1024xi32, #tpu.memory_space<hbm>>
      %dma_wait3A_140 = tpu.memref_slice %arg3[%mul3A_123] : memref<3211264xi32, #tpu.memory_space<hbm>> -> memref<1024xi32, #tpu.memory_space<hbm>>
      tpu.wait_dma2 semaphore(%arg21 : memref<!tpu.dma_semaphore, #tpu.memory_space<semaphore_mem>>) src(%dma_wait3A_140 : memref<1024xi32, #tpu.memory_space<hbm>>) dst(%arg15 : memref<1024xi32, #tpu.memory_space<vmem>>)
      %dma_start3A_141 = arith.constant 0 : i32
      %dma_start3A_142 = arith.constant 0 : i32
      %dma_start3A_143 = tpu.memref_slice %arg7[%dma_start3A_141, %dma_start3A_142] : memref<200704x8xf32, #tpu.memory_space<hbm>> -> memref<200704x8xf32, #tpu.memory_space<hbm>>
      tpu.enqueue_indirect_dma source(%dma_start3A_143 : memref<200704x8xf32, #tpu.memory_space<hbm>>) target(%arg17 : memref<1024x8xf32, #tpu.memory_space<vmem>>) offsets(%arg14 : memref<1024xi32, #tpu.memory_space<vmem>>) semaphore(%arg19 : memref<!tpu.dma_semaphore, #tpu.memory_space<semaphore_mem>>)
      %dma_wait3A_144 = arith.constant 0 : i32
      %dma_wait3A_145 = arith.constant 0 : i32
      %dma_wait3A_146 = tpu.memref_slice %arg18[%dma_wait3A_144, %dma_wait3A_145] : memref<100352x8xf32, #tpu.memory_space<vmem_shared>> -> memref<100352x8xf32, #tpu.memory_space<vmem_shared>>
      tpu.wait_indirect_dma semaphore(%arg20 : memref<!tpu.dma_semaphore, #tpu.memory_space<semaphore_mem>>) src(%arg16 : memref<1024x8xf32, #tpu.memory_space<vmem>>) dst(%dma_wait3A_146 : memref<100352x8xf32, #tpu.memory_space<vmem_shared>>)
      %lt3A_147 = arith.constant 48 : i32
      %lt3A_148 = arith.cmpi slt, %scan3A_99, %lt3A_147 : i32
      %convert_element_type3A = arith.extui %lt3A_148 : i1 to i32
      %cond3A = arith.constant 0 : i32
      %cond3A_149 = arith.cmpi ne, %convert_element_type3A, %cond3A : i32
      scf.if %cond3A_149 {
        %add3A_159 = arith.constant 2 : i32
        %add3A_160 = arith.addi %mul3A_101, %add3A_159 : i32
        %mul3A_161 = arith.constant 16 : i32
        %mul3A_162 = arith.muli %arg0, %mul3A_161 : i32
        %add3A_163 = arith.addi %mul3A_162, %arg1 : i32
        %mul3A_164 = arith.constant 98 : i32
        %mul3A_165 = arith.muli %add3A_163, %mul3A_164 : i32
        %add3A_166 = arith.addi %mul3A_165, %add3A_160 : i32
        %mul3A_167 = arith.constant 1024 : i32
        %mul3A_168 = arith.muli %add3A_166, %mul3A_167 : i32
        %dma_start3A_169 = tpu.memref_slice %arg2[%arg0, %mul3A_168] : memref<2x3211264xi32, #tpu.memory_space<hbm>> -> memref<1x1024xi32, #tpu.memory_space<hbm>>
        %dma_start3A_170 = tpu.memref_squeeze %dma_start3A_169 : memref<1x1024xi32, #tpu.memory_space<hbm>> -> memref<1024xi32, #tpu.memory_space<hbm>>
        %dma_start3A_171 = tpu.memref_slice %arg2[%arg0, %mul3A_168] : memref<2x3211264xi32, #tpu.memory_space<hbm>> -> memref<1x1024xi32, #tpu.memory_space<hbm>>
        %dma_start3A_172 = tpu.memref_squeeze %dma_start3A_171 : memref<1x1024xi32, #tpu.memory_space<hbm>> -> memref<1024xi32, #tpu.memory_space<hbm>>
        tpu.enqueue_dma source(%dma_start3A_172 : memref<1024xi32, #tpu.memory_space<hbm>>) target(%arg12 : memref<1024xi32, #tpu.memory_space<vmem>>) target_semaphore(%arg21 : memref<!tpu.dma_semaphore, #tpu.memory_space<semaphore_mem>>)
        %mul3A_173 = arith.constant 16 : i32
        %mul3A_174 = arith.muli %arg0, %mul3A_173 : i32
        %add3A_175 = arith.addi %mul3A_174, %arg1 : i32
        %mul3A_176 = arith.constant 98 : i32
        %mul3A_177 = arith.muli %add3A_175, %mul3A_176 : i32
        %add3A_178 = arith.addi %mul3A_177, %add3A_160 : i32
        %mul3A_179 = arith.constant 1024 : i32
        %mul3A_180 = arith.muli %add3A_178, %mul3A_179 : i32
        %dma_start3A_181 = tpu.memref_slice %arg3[%mul3A_180] : memref<3211264xi32, #tpu.memory_space<hbm>> -> memref<1024xi32, #tpu.memory_space<hbm>>
        %dma_start3A_182 = tpu.memref_slice %arg3[%mul3A_180] : memref<3211264xi32, #tpu.memory_space<hbm>> -> memref<1024xi32, #tpu.memory_space<hbm>>
        tpu.enqueue_dma source(%dma_start3A_182 : memref<1024xi32, #tpu.memory_space<hbm>>) target(%arg13 : memref<1024xi32, #tpu.memory_space<vmem>>) target_semaphore(%arg21 : memref<!tpu.dma_semaphore, #tpu.memory_space<semaphore_mem>>)
        %dma_wait3A_183 = tpu.memref_slice %arg2[%arg0, %mul3A_168] : memref<2x3211264xi32, #tpu.memory_space<hbm>> -> memref<1x1024xi32, #tpu.memory_space<hbm>>
        %dma_wait3A_184 = tpu.memref_squeeze %dma_wait3A_183 : memref<1x1024xi32, #tpu.memory_space<hbm>> -> memref<1024xi32, #tpu.memory_space<hbm>>
        %dma_wait3A_185 = tpu.memref_slice %arg2[%arg0, %mul3A_168] : memref<2x3211264xi32, #tpu.memory_space<hbm>> -> memref<1x1024xi32, #tpu.memory_space<hbm>>
        %dma_wait3A_186 = tpu.memref_squeeze %dma_wait3A_185 : memref<1x1024xi32, #tpu.memory_space<hbm>> -> memref<1024xi32, #tpu.memory_space<hbm>>
        tpu.wait_dma2 semaphore(%arg21 : memref<!tpu.dma_semaphore, #tpu.memory_space<semaphore_mem>>) src(%dma_wait3A_186 : memref<1024xi32, #tpu.memory_space<hbm>>) dst(%arg12 : memref<1024xi32, #tpu.memory_space<vmem>>)
        %dma_wait3A_187 = tpu.memref_slice %arg3[%mul3A_180] : memref<3211264xi32, #tpu.memory_space<hbm>> -> memref<1024xi32, #tpu.memory_space<hbm>>
        %dma_wait3A_188 = tpu.memref_slice %arg3[%mul3A_180] : memref<3211264xi32, #tpu.memory_space<hbm>> -> memref<1024xi32, #tpu.memory_space<hbm>>
        tpu.wait_dma2 semaphore(%arg21 : memref<!tpu.dma_semaphore, #tpu.memory_space<semaphore_mem>>) src(%dma_wait3A_188 : memref<1024xi32, #tpu.memory_space<hbm>>) dst(%arg13 : memref<1024xi32, #tpu.memory_space<vmem>>)
        %dma_start3A_189 = arith.constant 0 : i32
        %dma_start3A_190 = arith.constant 0 : i32
        %dma_start3A_191 = tpu.memref_slice %arg7[%dma_start3A_189, %dma_start3A_190] : memref<200704x8xf32, #tpu.memory_space<hbm>> -> memref<200704x8xf32, #tpu.memory_space<hbm>>
        tpu.enqueue_indirect_dma source(%dma_start3A_191 : memref<200704x8xf32, #tpu.memory_space<hbm>>) target(%arg16 : memref<1024x8xf32, #tpu.memory_space<vmem>>) offsets(%arg12 : memref<1024xi32, #tpu.memory_space<vmem>>) semaphore(%arg19 : memref<!tpu.dma_semaphore, #tpu.memory_space<semaphore_mem>>)
      } else {
      }
      %dma_wait3A_150 = arith.constant 0 : i32
      %dma_wait3A_151 = arith.constant 0 : i32
      %dma_wait3A_152 = tpu.memref_slice %arg7[%dma_wait3A_150, %dma_wait3A_151] : memref<200704x8xf32, #tpu.memory_space<hbm>> -> memref<200704x8xf32, #tpu.memory_space<hbm>>
      tpu.wait_indirect_dma semaphore(%arg19 : memref<!tpu.dma_semaphore, #tpu.memory_space<semaphore_mem>>) src(%dma_wait3A_152 : memref<200704x8xf32, #tpu.memory_space<hbm>>) dst(%arg17 : memref<1024x8xf32, #tpu.memory_space<vmem>>)
      %dma_start3A_153 = arith.constant 0 : i32
      %dma_start3A_154 = arith.constant 0 : i32
      %dma_start3A_155 = tpu.memref_slice %arg18[%dma_start3A_153, %dma_start3A_154] : memref<100352x8xf32, #tpu.memory_space<vmem_shared>> -> memref<100352x8xf32, #tpu.memory_space<vmem_shared>>
      tpu.enqueue_indirect_dma source(%arg17 : memref<1024x8xf32, #tpu.memory_space<vmem>>) target(%dma_start3A_155 : memref<100352x8xf32, #tpu.memory_space<vmem_shared>>) offsets(%arg15 : memref<1024xi32, #tpu.memory_space<vmem>>) semaphore(%arg20 : memref<!tpu.dma_semaphore, #tpu.memory_space<semaphore_mem>>) {add = true}
      %dma_wait3A_156 = arith.constant 0 : i32
      %dma_wait3A_157 = arith.constant 0 : i32
      %dma_wait3A_158 = tpu.memref_slice %arg18[%dma_wait3A_156, %dma_wait3A_157] : memref<100352x8xf32, #tpu.memory_space<vmem_shared>> -> memref<100352x8xf32, #tpu.memory_space<vmem_shared>>
      tpu.wait_indirect_dma semaphore(%arg20 : memref<!tpu.dma_semaphore, #tpu.memory_space<semaphore_mem>>) src(%arg17 : memref<1024x8xf32, #tpu.memory_space<vmem>>) dst(%dma_wait3A_158 : memref<100352x8xf32, #tpu.memory_space<vmem_shared>>)
    }
    %scan3A_91 = arith.constant 49 : i32
    %barrier3A_92 = arith.constant 0 : index
    tpu.barrier barrier_id(%barrier3A_92)
    %scan3A_93 = arith.constant 0 : i32
    %scan3A_94 = arith.constant 0 : i32
    %scan3A_95 = arith.constant 8 : i32
    %scan3A_96 = arith.addi %scan3A_94, %scan3A_95 : i32
    %scan3A_97 = arith.constant 1 : i32
    scf.for %scan3A_99 = %scan3A_94 to %scan3A_96 step %scan3A_97  : i32 {
      %mul3A_100 = arith.constant 784 : i32
      %mul3A_101 = arith.muli %scan3A_99, %mul3A_100 : i32
      %add3A_102 = arith.addi %mul3A_0, %mul3A_101 : i32
      "tpu.region"() ({
        %run_scoped3A_112 = tpu.sem_alloc : memref<!tpu.dma_semaphore, #tpu.memory_space<semaphore_mem>>
        %dma_start3A_113 = arith.constant 0 : i32
        %dma_start3A_114 = tpu.memref_slice %arg18[%add3A_102, %dma_start3A_113] : memref<100352x8xf32, #tpu.memory_space<vmem_shared>> -> memref<784x8xf32, #tpu.memory_space<vmem_shared>>
        %dma_start3A_115 = arith.constant 0 : i32
        %dma_start3A_116 = tpu.memref_slice %arg18[%add3A_102, %dma_start3A_115] : memref<100352x8xf32, #tpu.memory_space<vmem_shared>> -> memref<784x8xf32, #tpu.memory_space<vmem_shared>>
        tpu.enqueue_dma source(%dma_start3A_116 : memref<784x8xf32, #tpu.memory_space<vmem_shared>>) target(%arg11 : memref<784x8xf32, #tpu.memory_space<vmem>>) target_semaphore(%run_scoped3A_112 : memref<!tpu.dma_semaphore, #tpu.memory_space<semaphore_mem>>)
        %dma_wait3A_117 = arith.constant 0 : i32
        %dma_wait3A_118 = tpu.memref_slice %arg18[%add3A_102, %dma_wait3A_117] : memref<100352x8xf32, #tpu.memory_space<vmem_shared>> -> memref<784x8xf32, #tpu.memory_space<vmem_shared>>
        %dma_wait3A_119 = arith.constant 0 : i32
        %dma_wait3A_120 = tpu.memref_slice %arg18[%add3A_102, %dma_wait3A_119] : memref<100352x8xf32, #tpu.memory_space<vmem_shared>> -> memref<784x8xf32, #tpu.memory_space<vmem_shared>>
        tpu.wait_dma2 semaphore(%run_scoped3A_112 : memref<!tpu.dma_semaphore, #tpu.memory_space<semaphore_mem>>) src(%dma_wait3A_120 : memref<784x8xf32, #tpu.memory_space<vmem_shared>>) dst(%arg11 : memref<784x8xf32, #tpu.memory_space<vmem>>)
        tpu.yield
      }) : () -> ()
      %scan3A_103 = arith.constant 0 : i32
      %scan3A_104 = arith.constant 0 : i32
      %scan3A_105 = arith.constant 392 : i32
      %scan3A_106 = arith.addi %scan3A_104, %scan3A_105 : i32
      %scan3A_107 = arith.constant 1 : i32
      scf.for %scan3A_112 = %scan3A_104 to %scan3A_106 step %scan3A_107  : i32 {
        %mul3A_113 = arith.constant 2 : i32
        %mul3A_114 = arith.muli %mul3A_113, %scan3A_112 : i32
        %add3A_115 = vector.broadcast %mul3A_114 : i32 to vector<16xi32>
        %add3A_116 = arith.addi %select_n3A, %add3A_115 : vector<16xi32>
        %gather3A = tpu.vector_load_idx %arg11[%add3A_116, %select_n3A_42] : memref<784x8xf32, #tpu.memory_space<vmem>>[vector<16xi32>, vector<16xi32>], vector<16xf32>,
        %mul3A_117 = arith.constant 784 : i32
        %mul3A_118 = arith.muli %scan3A_99, %mul3A_117 : i32
        %mul3A_119 = arith.constant 2 : i32
        %mul3A_120 = arith.muli %mul3A_119, %scan3A_112 : i32
        %add3A_121 = arith.addi %mul3A_118, %mul3A_120 : i32
        %add3A_122 = vector.broadcast %add3A_121 : i32 to vector<16xi32>
        %add3A_123 = arith.addi %select_n3A, %add3A_122 : vector<16xi32>
        %gather3A_124 = tpu.vector_load_idx %arg10[%add3A_123] : memref<6272xf32, #tpu.memory_space<vmem>>[vector<16xi32>], vector<16xf32>,
        %mul3A_125 = arith.mulf %gather3A, %gather3A_124 : vector<16xf32>
        tpu.vector_store_idx %arg11[%add3A_116, %select_n3A_42], %mul3A_125 : memref<784x8xf32, #tpu.memory_space<vmem>>[vector<16xi32>, vector<16xi32>], vector<16xf32>,
      }
      %scan3A_108 = arith.constant 392 : i32
      %mul3A_109 = arith.constant 100352 : i32
      %mul3A_110 = arith.muli %arg0, %mul3A_109 : i32
      %add3A_111 = arith.addi %mul3A_110, %add3A_102 : i32
      "tpu.region"() ({
        %run_scoped3A_112 = tpu.sem_alloc : memref<!tpu.dma_semaphore, #tpu.memory_space<semaphore_mem>>
        %dma_start3A_113 = arith.constant 0 : i32
        %dma_start3A_114 = tpu.memref_slice %arg7[%add3A_111, %dma_start3A_113] : memref<200704x8xf32, #tpu.memory_space<hbm>> -> memref<784x8xf32, #tpu.memory_space<hbm>>
        %dma_start3A_115 = arith.constant 0 : i32
        %dma_start3A_116 = tpu.memref_slice %arg7[%add3A_111, %dma_start3A_115] : memref<200704x8xf32, #tpu.memory_space<hbm>> -> memref<784x8xf32, #tpu.memory_space<hbm>>
        tpu.enqueue_dma source(%arg11 : memref<784x8xf32, #tpu.memory_space<vmem>>) target(%dma_start3A_116 : memref<784x8xf32, #tpu.memory_space<hbm>>) target_semaphore(%run_scoped3A_112 : memref<!tpu.dma_semaphore, #tpu.memory_space<semaphore_mem>>)
        %dma_wait3A_117 = arith.constant 0 : i32
        %dma_wait3A_118 = tpu.memref_slice %arg7[%add3A_111, %dma_wait3A_117] : memref<200704x8xf32, #tpu.memory_space<hbm>> -> memref<784x8xf32, #tpu.memory_space<hbm>>
        %dma_wait3A_119 = arith.constant 0 : i32
        %dma_wait3A_120 = tpu.memref_slice %arg7[%add3A_111, %dma_wait3A_119] : memref<200704x8xf32, #tpu.memory_space<hbm>> -> memref<784x8xf32, #tpu.memory_space<hbm>>
        tpu.wait_dma2 semaphore(%run_scoped3A_112 : memref<!tpu.dma_semaphore, #tpu.memory_space<semaphore_mem>>) src(%arg11 : memref<784x8xf32, #tpu.memory_space<vmem>>) dst(%dma_wait3A_120 : memref<784x8xf32, #tpu.memory_space<hbm>>)
        tpu.yield
      }) : () -> ()
    }
    %scan3A_98 = arith.constant 8 : i32
    return
  }
}

#map = affine_map<(d0, d1) -> (0)>
#map1 = affine_map<(d0, d1) -> (0, 0)>
module attributes {stable_mosaic.version = 14 : i64} {
  func.func @_sc_degree(%arg0: i32, %arg1: i32, %arg2: memref<3211264xi32, #tpu.memory_space<hbm>>, %arg3: memref<1024xf32, #tpu.memory_space<hbm>>, %arg4: memref<100352xf32, #tpu.memory_space<hbm>>, %arg5: memref<2x100352xf32, #tpu.memory_space<hbm>>, %arg6: memref<1024xi32, #tpu.memory_space<vmem>>, %arg7: memref<1024xi32, #tpu.memory_space<vmem>>, %arg8: memref<1024xf32, #tpu.memory_space<vmem>>, %arg9: memref<100352xf32, #tpu.memory_space<vmem_shared>>, %arg10: memref<!tpu.dma_semaphore, #tpu.memory_space<semaphore_mem>>, %arg11: memref<!tpu.dma_semaphore, #tpu.memory_space<semaphore_mem>>) attributes {dimension_semantics = [#tpu.dimension_semantics<core_parallel>, #tpu.dimension_semantics<subcore_parallel>], iteration_bounds = array<i64: 2, 16>, scalar_prefetch = 0 : i64, scratch_operands = 6 : i64, tpu.core_type = #tpu.core_type<sc_vector_subcore>, window_params = [{transform_indices = #map}, {transform_indices = #map}, {transform_indices = #map}, {transform_indices = #map1}]} {
    %mul3A = arith.constant 2 : i32
    %mul3A_0 = arith.muli %arg1, %mul3A : i32
    %add3A = arith.addi %mul3A_0, %arg0 : i32
    %mul3A_1 = arith.constant 6272 : i32
    %mul3A_2 = arith.muli %arg1, %mul3A_1 : i32
    "tpu.region"() ({
      %run_scoped3A = tpu.sem_alloc : memref<!tpu.dma_semaphore, #tpu.memory_space<semaphore_mem>>
      %dma_start3A_14 = tpu.memref_slice %arg9[%mul3A_2] : memref<100352xf32, #tpu.memory_space<vmem_shared>> -> memref<6272xf32, #tpu.memory_space<vmem_shared>>
      %dma_start3A_15 = tpu.memref_slice %arg4[%mul3A_2] : memref<100352xf32, #tpu.memory_space<hbm>> -> memref<6272xf32, #tpu.memory_space<hbm>>
      tpu.enqueue_dma source(%dma_start3A_15 : memref<6272xf32, #tpu.memory_space<hbm>>) target(%dma_start3A_14 : memref<6272xf32, #tpu.memory_space<vmem_shared>>) target_semaphore(%run_scoped3A : memref<!tpu.dma_semaphore, #tpu.memory_space<semaphore_mem>>)
      %dma_wait3A = tpu.memref_slice %arg9[%mul3A_2] : memref<100352xf32, #tpu.memory_space<vmem_shared>> -> memref<6272xf32, #tpu.memory_space<vmem_shared>>
      %dma_wait3A_16 = tpu.memref_slice %arg4[%mul3A_2] : memref<100352xf32, #tpu.memory_space<hbm>> -> memref<6272xf32, #tpu.memory_space<hbm>>
      tpu.wait_dma2 semaphore(%run_scoped3A : memref<!tpu.dma_semaphore, #tpu.memory_space<semaphore_mem>>) src(%dma_wait3A_16 : memref<6272xf32, #tpu.memory_space<hbm>>) dst(%dma_wait3A : memref<6272xf32, #tpu.memory_space<vmem_shared>>)
      tpu.yield
    }) : () -> ()
    "tpu.region"() ({
      %run_scoped3A = tpu.sem_alloc : memref<!tpu.dma_semaphore, #tpu.memory_space<semaphore_mem>>
      tpu.enqueue_dma source(%arg3 : memref<1024xf32, #tpu.memory_space<hbm>>) target(%arg8 : memref<1024xf32, #tpu.memory_space<vmem>>) target_semaphore(%run_scoped3A : memref<!tpu.dma_semaphore, #tpu.memory_space<semaphore_mem>>)
      tpu.wait_dma2 semaphore(%run_scoped3A : memref<!tpu.dma_semaphore, #tpu.memory_space<semaphore_mem>>) src(%arg3 : memref<1024xf32, #tpu.memory_space<hbm>>) dst(%arg8 : memref<1024xf32, #tpu.memory_space<vmem>>)
      tpu.yield
    }) : () -> ()
    %barrier3A = arith.constant 0 : index
    tpu.barrier barrier_id(%barrier3A)
    %mul3A_3 = arith.constant 100352 : i32
    %mul3A_4 = arith.muli %add3A, %mul3A_3 : i32
    %add3A_5 = arith.constant 0 : i32
    %add3A_6 = arith.addi %mul3A_4, %add3A_5 : i32
    %dma_start3A = tpu.memref_slice %arg2[%add3A_6] : memref<3211264xi32, #tpu.memory_space<hbm>> -> memref<1024xi32, #tpu.memory_space<hbm>>
    %dma_start3A_7 = tpu.memref_slice %arg2[%add3A_6] : memref<3211264xi32, #tpu.memory_space<hbm>> -> memref<1024xi32, #tpu.memory_space<hbm>>
    tpu.enqueue_dma source(%dma_start3A_7 : memref<1024xi32, #tpu.memory_space<hbm>>) target(%arg6 : memref<1024xi32, #tpu.memory_space<vmem>>) target_semaphore(%arg11 : memref<!tpu.dma_semaphore, #tpu.memory_space<semaphore_mem>>)
    %scan3A = arith.constant 0 : i32
    %scan3A_8 = arith.constant 0 : i32
    %scan3A_9 = arith.constant 49 : i32
    %scan3A_10 = arith.addi %scan3A_8, %scan3A_9 : i32
    %scan3A_11 = arith.constant 1 : i32
    scf.for %scan3A_14 = %scan3A_8 to %scan3A_10 step %scan3A_11  : i32 {
      %mul3A_15 = arith.constant 2 : i32
      %mul3A_16 = arith.muli %mul3A_15, %scan3A_14 : i32
      %add3A_17 = arith.constant 1 : i32
      %add3A_18 = arith.addi %mul3A_16, %add3A_17 : i32
      %mul3A_19 = arith.constant 100352 : i32
      %mul3A_20 = arith.muli %add3A, %mul3A_19 : i32
      %mul3A_21 = arith.constant 1024 : i32
      %mul3A_22 = arith.muli %add3A_18, %mul3A_21 : i32
      %add3A_23 = arith.addi %mul3A_20, %mul3A_22 : i32
      %dma_start3A_24 = tpu.memref_slice %arg2[%add3A_23] : memref<3211264xi32, #tpu.memory_space<hbm>> -> memref<1024xi32, #tpu.memory_space<hbm>>
      %dma_start3A_25 = tpu.memref_slice %arg2[%add3A_23] : memref<3211264xi32, #tpu.memory_space<hbm>> -> memref<1024xi32, #tpu.memory_space<hbm>>
      tpu.enqueue_dma source(%dma_start3A_25 : memref<1024xi32, #tpu.memory_space<hbm>>) target(%arg7 : memref<1024xi32, #tpu.memory_space<vmem>>) target_semaphore(%arg11 : memref<!tpu.dma_semaphore, #tpu.memory_space<semaphore_mem>>)
      %dma_wait3A = arith.constant 0 : i32
      %dma_wait3A_26 = tpu.memref_slice %arg2[%dma_wait3A] : memref<3211264xi32, #tpu.memory_space<hbm>> -> memref<1024xi32, #tpu.memory_space<hbm>>
      %dma_wait3A_27 = arith.constant 0 : i32
      %dma_wait3A_28 = tpu.memref_slice %arg2[%dma_wait3A_27] : memref<3211264xi32, #tpu.memory_space<hbm>> -> memref<1024xi32, #tpu.memory_space<hbm>>
      tpu.wait_dma2 semaphore(%arg11 : memref<!tpu.dma_semaphore, #tpu.memory_space<semaphore_mem>>) src(%dma_wait3A_28 : memref<1024xi32, #tpu.memory_space<hbm>>) dst(%arg6 : memref<1024xi32, #tpu.memory_space<vmem>>)
      %dma_start3A_29 = arith.constant 0 : i32
      %dma_start3A_30 = tpu.memref_slice %arg9[%dma_start3A_29] : memref<100352xf32, #tpu.memory_space<vmem_shared>> -> memref<100352xf32, #tpu.memory_space<vmem_shared>>
      tpu.enqueue_indirect_dma source(%arg8 : memref<1024xf32, #tpu.memory_space<vmem>>) target(%dma_start3A_30 : memref<100352xf32, #tpu.memory_space<vmem_shared>>) offsets(%arg6 : memref<1024xi32, #tpu.memory_space<vmem>>) semaphore(%arg10 : memref<!tpu.dma_semaphore, #tpu.memory_space<semaphore_mem>>) {add = true}
      %dma_wait3A_31 = tpu.memref_slice %arg2[%add3A_23] : memref<3211264xi32, #tpu.memory_space<hbm>> -> memref<1024xi32, #tpu.memory_space<hbm>>
      %dma_wait3A_32 = tpu.memref_slice %arg2[%add3A_23] : memref<3211264xi32, #tpu.memory_space<hbm>> -> memref<1024xi32, #tpu.memory_space<hbm>>
      tpu.wait_dma2 semaphore(%arg11 : memref<!tpu.dma_semaphore, #tpu.memory_space<semaphore_mem>>) src(%dma_wait3A_32 : memref<1024xi32, #tpu.memory_space<hbm>>) dst(%arg7 : memref<1024xi32, #tpu.memory_space<vmem>>)
      %dma_start3A_33 = arith.constant 0 : i32
      %dma_start3A_34 = tpu.memref_slice %arg9[%dma_start3A_33] : memref<100352xf32, #tpu.memory_space<vmem_shared>> -> memref<100352xf32, #tpu.memory_space<vmem_shared>>
      tpu.enqueue_indirect_dma source(%arg8 : memref<1024xf32, #tpu.memory_space<vmem>>) target(%dma_start3A_34 : memref<100352xf32, #tpu.memory_space<vmem_shared>>) offsets(%arg7 : memref<1024xi32, #tpu.memory_space<vmem>>) semaphore(%arg10 : memref<!tpu.dma_semaphore, #tpu.memory_space<semaphore_mem>>) {add = true}
      %dma_wait3A_35 = arith.constant 0 : i32
      %dma_wait3A_36 = tpu.memref_slice %arg9[%dma_wait3A_35] : memref<100352xf32, #tpu.memory_space<vmem_shared>> -> memref<100352xf32, #tpu.memory_space<vmem_shared>>
      tpu.wait_indirect_dma semaphore(%arg10 : memref<!tpu.dma_semaphore, #tpu.memory_space<semaphore_mem>>) src(%arg8 : memref<1024xf32, #tpu.memory_space<vmem>>) dst(%dma_wait3A_36 : memref<100352xf32, #tpu.memory_space<vmem_shared>>)
      %lt3A = arith.constant 48 : i32
      %lt3A_37 = arith.cmpi slt, %scan3A_14, %lt3A : i32
      %convert_element_type3A = arith.extui %lt3A_37 : i1 to i32
      %cond3A = arith.constant 0 : i32
      %cond3A_38 = arith.cmpi ne, %convert_element_type3A, %cond3A : i32
      scf.if %cond3A_38 {
        %add3A_41 = arith.constant 2 : i32
        %add3A_42 = arith.addi %mul3A_16, %add3A_41 : i32
        %mul3A_43 = arith.constant 100352 : i32
        %mul3A_44 = arith.muli %add3A, %mul3A_43 : i32
        %mul3A_45 = arith.constant 1024 : i32
        %mul3A_46 = arith.muli %add3A_42, %mul3A_45 : i32
        %add3A_47 = arith.addi %mul3A_44, %mul3A_46 : i32
        %dma_start3A_48 = tpu.memref_slice %arg2[%add3A_47] : memref<3211264xi32, #tpu.memory_space<hbm>> -> memref<1024xi32, #tpu.memory_space<hbm>>
        %dma_start3A_49 = tpu.memref_slice %arg2[%add3A_47] : memref<3211264xi32, #tpu.memory_space<hbm>> -> memref<1024xi32, #tpu.memory_space<hbm>>
        tpu.enqueue_dma source(%dma_start3A_49 : memref<1024xi32, #tpu.memory_space<hbm>>) target(%arg6 : memref<1024xi32, #tpu.memory_space<vmem>>) target_semaphore(%arg11 : memref<!tpu.dma_semaphore, #tpu.memory_space<semaphore_mem>>)
      } else {
      }
      %dma_wait3A_39 = arith.constant 0 : i32
      %dma_wait3A_40 = tpu.memref_slice %arg9[%dma_wait3A_39] : memref<100352xf32, #tpu.memory_space<vmem_shared>> -> memref<100352xf32, #tpu.memory_space<vmem_shared>>
      tpu.wait_indirect_dma semaphore(%arg10 : memref<!tpu.dma_semaphore, #tpu.memory_space<semaphore_mem>>) src(%arg8 : memref<1024xf32, #tpu.memory_space<vmem>>) dst(%dma_wait3A_40 : memref<100352xf32, #tpu.memory_space<vmem_shared>>)
    }
    %scan3A_12 = arith.constant 49 : i32
    %barrier3A_13 = arith.constant 0 : index
    tpu.barrier barrier_id(%barrier3A_13)
    "tpu.region"() ({
      %run_scoped3A = tpu.sem_alloc : memref<!tpu.dma_semaphore, #tpu.memory_space<semaphore_mem>>
      %dma_start3A_14 = tpu.memref_slice %arg5[%arg0, %mul3A_2] : memref<2x100352xf32, #tpu.memory_space<hbm>> -> memref<1x6272xf32, #tpu.memory_space<hbm>>
      %dma_start3A_15 = tpu.memref_squeeze %dma_start3A_14 : memref<1x6272xf32, #tpu.memory_space<hbm>> -> memref<6272xf32, #tpu.memory_space<hbm>>
      %dma_start3A_16 = tpu.memref_slice %arg9[%mul3A_2] : memref<100352xf32, #tpu.memory_space<vmem_shared>> -> memref<6272xf32, #tpu.memory_space<vmem_shared>>
      tpu.enqueue_dma source(%dma_start3A_16 : memref<6272xf32, #tpu.memory_space<vmem_shared>>) target(%dma_start3A_15 : memref<6272xf32, #tpu.memory_space<hbm>>) target_semaphore(%run_scoped3A : memref<!tpu.dma_semaphore, #tpu.memory_space<semaphore_mem>>)
      %dma_wait3A = tpu.memref_slice %arg5[%arg0, %mul3A_2] : memref<2x100352xf32, #tpu.memory_space<hbm>> -> memref<1x6272xf32, #tpu.memory_space<hbm>>
      %dma_wait3A_17 = tpu.memref_squeeze %dma_wait3A : memref<1x6272xf32, #tpu.memory_space<hbm>> -> memref<6272xf32, #tpu.memory_space<hbm>>
      %dma_wait3A_18 = tpu.memref_slice %arg9[%mul3A_2] : memref<100352xf32, #tpu.memory_space<vmem_shared>> -> memref<6272xf32, #tpu.memory_space<vmem_shared>>
      tpu.wait_dma2 semaphore(%run_scoped3A : memref<!tpu.dma_semaphore, #tpu.memory_space<semaphore_mem>>) src(%dma_wait3A_18 : memref<6272xf32, #tpu.memory_space<vmem_shared>>) dst(%dma_wait3A_17 : memref<6272xf32, #tpu.memory_space<hbm>>)
      tpu.yield
    }) : () -> ()
    return
  }
}

#map = affine_map<(d0, d1) -> (0, 0)>
#map1 = affine_map<(d0, d1) -> (0)>
module attributes {stable_mosaic.version = 14 : i64} {
  func.func @_sc_layer(%arg0: i32, %arg1: i32, %arg2: memref<2x3211264xi32, #tpu.memory_space<hbm>>, %arg3: memref<3211264xi32, #tpu.memory_space<hbm>>, %arg4: memref<200704x8xf32, #tpu.memory_space<hbm>>, %arg5: memref<2x100352xf32, #tpu.memory_space<hbm>>, %arg6: memref<100352x8xf32, #tpu.memory_space<hbm>>, %arg7: memref<200704x8xf32, #tpu.memory_space<hbm>>, %arg8: memref<6272xf32, #tpu.memory_space<vmem>>, %arg9: memref<6272xf32, #tpu.memory_space<vmem>>, %arg10: memref<6272xf32, #tpu.memory_space<vmem>>, %arg11: memref<784x8xf32, #tpu.memory_space<vmem>>, %arg12: memref<2048xi32, #tpu.memory_space<vmem>>, %arg13: memref<2048xi32, #tpu.memory_space<vmem>>, %arg14: memref<2048xi32, #tpu.memory_space<vmem>>, %arg15: memref<2048xi32, #tpu.memory_space<vmem>>, %arg16: memref<2048x8xf32, #tpu.memory_space<vmem>>, %arg17: memref<2048x8xf32, #tpu.memory_space<vmem>>, %arg18: memref<100352x8xf32, #tpu.memory_space<vmem_shared>>, %arg19: memref<!tpu.dma_semaphore, #tpu.memory_space<semaphore_mem>>, %arg20: memref<!tpu.dma_semaphore, #tpu.memory_space<semaphore_mem>>, %arg21: memref<!tpu.dma_semaphore, #tpu.memory_space<semaphore_mem>>) attributes {dimension_semantics = [#tpu.dimension_semantics<core_parallel>, #tpu.dimension_semantics<subcore_parallel>], iteration_bounds = array<i64: 2, 16>, scalar_prefetch = 0 : i64, scratch_operands = 14 : i64, tpu.core_type = #tpu.core_type<sc_vector_subcore>, window_params = [{transform_indices = #map}, {transform_indices = #map1}, {transform_indices = #map}, {transform_indices = #map}, {transform_indices = #map}, {transform_indices = #map}]} {
    %mul3A = arith.constant 6272 : i32
    %mul3A_0 = arith.muli %arg1, %mul3A : i32
    %iota3A = tpu.iota {dimensions = array<i32: 0>} : vector<16xi32>
    %jit3A = arith.constant 8 : i32
    %div3A = vector.broadcast %jit3A : i32 to vector<16xi32>
    %div3A_1 = arith.divsi %iota3A, %div3A : vector<16xi32>
    %sign3A = arith.constant 0 : i32
    %sign3A_2 = vector.broadcast %sign3A : i32 to vector<16xi32>
    %sign3A_3 = arith.cmpi sgt, %iota3A, %sign3A_2 : vector<16xi32>
    %sign3A_4 = arith.extui %sign3A_3 : vector<16xi1> to vector<16xi32>
    %sign3A_5 = arith.constant 0 : i32
    %sign3A_6 = vector.broadcast %sign3A_5 : i32 to vector<16xi32>
    %sign3A_7 = arith.cmpi slt, %iota3A, %sign3A_6 : vector<16xi32>
    %sign3A_8 = arith.extui %sign3A_7 : vector<16xi1> to vector<16xi32>
    %sign3A_9 = arith.subi %sign3A_4, %sign3A_8 : vector<16xi32>
    %sign3A_10 = arith.constant 0 : i32
    %sign3A_11 = arith.cmpi sgt, %jit3A, %sign3A_10 : i32
    %sign3A_12 = arith.extui %sign3A_11 : i1 to i32
    %sign3A_13 = arith.constant 0 : i32
    %sign3A_14 = arith.cmpi slt, %jit3A, %sign3A_13 : i32
    %sign3A_15 = arith.extui %sign3A_14 : i1 to i32
    %sign3A_16 = arith.subi %sign3A_12, %sign3A_15 : i32
    %ne3A = vector.broadcast %sign3A_16 : i32 to vector<16xi32>
    %ne3A_17 = arith.cmpi ne, %sign3A_9, %ne3A : vector<16xi32>
    %rem3A = vector.broadcast %jit3A : i32 to vector<16xi32>
    %rem3A_18 = arith.remsi %iota3A, %rem3A : vector<16xi32>
    %ne3A_19 = arith.constant 0 : i32
    %ne3A_20 = vector.broadcast %ne3A_19 : i32 to vector<16xi32>
    %ne3A_21 = arith.cmpi ne, %rem3A_18, %ne3A_20 : vector<16xi32>
    %and3A = arith.andi %ne3A_17, %ne3A_21 : vector<16xi1>
    %sub3A = arith.constant 1 : i32
    %sub3A_22 = vector.broadcast %sub3A : i32 to vector<16xi32>
    %sub3A_23 = arith.subi %div3A_1, %sub3A_22 : vector<16xi32>
    %select_n3A = arith.select %and3A, %sub3A_23, %div3A_1 : vector<16xi1>, vector<16xi32>
    %jit3A_24 = arith.constant 8 : i32
    %eq3A = arith.constant 0 : i32
    %eq3A_25 = arith.cmpi eq, %jit3A_24, %eq3A : i32
    %jit3A_26 = arith.constant 1 : i32
    %select_n3A_27 = arith.select %eq3A_25, %jit3A_26, %jit3A_24 : i32
    %rem3A_28 = vector.broadcast %select_n3A_27 : i32 to vector<16xi32>
    %rem3A_29 = arith.remsi %iota3A, %rem3A_28 : vector<16xi32>
    %ne3A_30 = arith.constant 0 : i32
    %ne3A_31 = vector.broadcast %ne3A_30 : i32 to vector<16xi32>
    %ne3A_32 = arith.cmpi ne, %rem3A_29, %ne3A_31 : vector<16xi32>
    %lt3A = arith.constant 0 : i32
    %lt3A_33 = vector.broadcast %lt3A : i32 to vector<16xi32>
    %lt3A_34 = arith.cmpi slt, %rem3A_29, %lt3A_33 : vector<16xi32>
    %lt3A_35 = arith.constant 0 : i32
    %lt3A_36 = arith.cmpi slt, %select_n3A_27, %lt3A_35 : i32
    %ne3A_37 = vector.broadcast %lt3A_36 : i1 to vector<16xi1>
    %ne3A_38 = vector.broadcast %ne3A_37 : vector<16xi1> to vector<16xi1>
    %ne3A_39 = arith.xori %lt3A_34, %ne3A_38 : vector<16xi1>
    %and3A_40 = arith.andi %ne3A_39, %ne3A_32 : vector<16xi1>
    %add3A = vector.broadcast %select_n3A_27 : i32 to vector<16xi32>
    %add3A_41 = arith.addi %rem3A_29, %add3A : vector<16xi32>
    %select_n3A_42 = arith.select %and3A_40, %add3A_41, %rem3A_29 : vector<16xi1>, vector<16xi32>
    %run_scoped3A = arith.constant 0 : i32
    "tpu.region"() ({
      %run_scoped3A_93 = tpu.sem_alloc : memref<!tpu.dma_semaphore, #tpu.memory_space<semaphore_mem>>
      %dma_start3A_94 = tpu.memref_slice %arg5[%run_scoped3A, %mul3A_0] : memref<2x100352xf32, #tpu.memory_space<hbm>> -> memref<1x6272xf32, #tpu.memory_space<hbm>>
      %dma_start3A_95 = tpu.memref_squeeze %dma_start3A_94 : memref<1x6272xf32, #tpu.memory_space<hbm>> -> memref<6272xf32, #tpu.memory_space<hbm>>
      %dma_start3A_96 = tpu.memref_slice %arg5[%run_scoped3A, %mul3A_0] : memref<2x100352xf32, #tpu.memory_space<hbm>> -> memref<1x6272xf32, #tpu.memory_space<hbm>>
      %dma_start3A_97 = tpu.memref_squeeze %dma_start3A_96 : memref<1x6272xf32, #tpu.memory_space<hbm>> -> memref<6272xf32, #tpu.memory_space<hbm>>
      tpu.enqueue_dma source(%dma_start3A_97 : memref<6272xf32, #tpu.memory_space<hbm>>) target(%arg8 : memref<6272xf32, #tpu.memory_space<vmem>>) target_semaphore(%run_scoped3A_93 : memref<!tpu.dma_semaphore, #tpu.memory_space<semaphore_mem>>)
      %dma_wait3A_98 = tpu.memref_slice %arg5[%run_scoped3A, %mul3A_0] : memref<2x100352xf32, #tpu.memory_space<hbm>> -> memref<1x6272xf32, #tpu.memory_space<hbm>>
      %dma_wait3A_99 = tpu.memref_squeeze %dma_wait3A_98 : memref<1x6272xf32, #tpu.memory_space<hbm>> -> memref<6272xf32, #tpu.memory_space<hbm>>
      %dma_wait3A_100 = tpu.memref_slice %arg5[%run_scoped3A, %mul3A_0] : memref<2x100352xf32, #tpu.memory_space<hbm>> -> memref<1x6272xf32, #tpu.memory_space<hbm>>
      %dma_wait3A_101 = tpu.memref_squeeze %dma_wait3A_100 : memref<1x6272xf32, #tpu.memory_space<hbm>> -> memref<6272xf32, #tpu.memory_space<hbm>>
      tpu.wait_dma2 semaphore(%run_scoped3A_93 : memref<!tpu.dma_semaphore, #tpu.memory_space<semaphore_mem>>) src(%dma_wait3A_101 : memref<6272xf32, #tpu.memory_space<hbm>>) dst(%arg8 : memref<6272xf32, #tpu.memory_space<vmem>>)
      tpu.yield
    }) : () -> ()
    %run_scoped3A_43 = arith.constant 1 : i32
    "tpu.region"() ({
      %run_scoped3A_93 = tpu.sem_alloc : memref<!tpu.dma_semaphore, #tpu.memory_space<semaphore_mem>>
      %dma_start3A_94 = tpu.memref_slice %arg5[%run_scoped3A_43, %mul3A_0] : memref<2x100352xf32, #tpu.memory_space<hbm>> -> memref<1x6272xf32, #tpu.memory_space<hbm>>
      %dma_start3A_95 = tpu.memref_squeeze %dma_start3A_94 : memref<1x6272xf32, #tpu.memory_space<hbm>> -> memref<6272xf32, #tpu.memory_space<hbm>>
      %dma_start3A_96 = tpu.memref_slice %arg5[%run_scoped3A_43, %mul3A_0] : memref<2x100352xf32, #tpu.memory_space<hbm>> -> memref<1x6272xf32, #tpu.memory_space<hbm>>
      %dma_start3A_97 = tpu.memref_squeeze %dma_start3A_96 : memref<1x6272xf32, #tpu.memory_space<hbm>> -> memref<6272xf32, #tpu.memory_space<hbm>>
      tpu.enqueue_dma source(%dma_start3A_97 : memref<6272xf32, #tpu.memory_space<hbm>>) target(%arg9 : memref<6272xf32, #tpu.memory_space<vmem>>) target_semaphore(%run_scoped3A_93 : memref<!tpu.dma_semaphore, #tpu.memory_space<semaphore_mem>>)
      %dma_wait3A_98 = tpu.memref_slice %arg5[%run_scoped3A_43, %mul3A_0] : memref<2x100352xf32, #tpu.memory_space<hbm>> -> memref<1x6272xf32, #tpu.memory_space<hbm>>
      %dma_wait3A_99 = tpu.memref_squeeze %dma_wait3A_98 : memref<1x6272xf32, #tpu.memory_space<hbm>> -> memref<6272xf32, #tpu.memory_space<hbm>>
      %dma_wait3A_100 = tpu.memref_slice %arg5[%run_scoped3A_43, %mul3A_0] : memref<2x100352xf32, #tpu.memory_space<hbm>> -> memref<1x6272xf32, #tpu.memory_space<hbm>>
      %dma_wait3A_101 = tpu.memref_squeeze %dma_wait3A_100 : memref<1x6272xf32, #tpu.memory_space<hbm>> -> memref<6272xf32, #tpu.memory_space<hbm>>
      tpu.wait_dma2 semaphore(%run_scoped3A_93 : memref<!tpu.dma_semaphore, #tpu.memory_space<semaphore_mem>>) src(%dma_wait3A_101 : memref<6272xf32, #tpu.memory_space<hbm>>) dst(%arg9 : memref<6272xf32, #tpu.memory_space<vmem>>)
      tpu.yield
    }) : () -> ()
    %scan3A = arith.constant 0 : i32
    %scan3A_44 = arith.constant 0 : i32
    %scan3A_45 = arith.constant 392 : i32
    %scan3A_46 = arith.addi %scan3A_44, %scan3A_45 : i32
    %scan3A_47 = arith.constant 1 : i32
    scf.for %scan3A_93 = %scan3A_44 to %scan3A_46 step %scan3A_47  : i32 {
      %mul3A_94 = arith.constant 16 : i32
      %mul3A_95 = arith.muli %scan3A_93, %mul3A_94 : i32
      %get3A = arith.index_cast %mul3A_95 : i32 to index
      %get3A_96 = tpu.vector_load %arg8[%get3A] {strides = array<i32>} : memref<6272xf32, #tpu.memory_space<vmem>>, vector<16xf32>,
      %get3A_97 = arith.index_cast %mul3A_95 : i32 to index
      %get3A_98 = tpu.vector_load %arg9[%get3A_97] {strides = array<i32>} : memref<6272xf32, #tpu.memory_space<vmem>>, vector<16xf32>,
      %add3A_99 = arith.addf %get3A_96, %get3A_98 : vector<16xf32>
      %add3A_100 = arith.constant 1.000000e+00 : f32
      %add3A_101 = vector.broadcast %add3A_100 : f32 to vector<16xf32>
      %add3A_102 = arith.addf %add3A_99, %add3A_101 : vector<16xf32>
      %bitcast3A = vector.bitcast %add3A_102 : vector<16xf32> to vector<16xi32>
      %shift_right_arithmetic3A = arith.constant 1 : i32
      %shift_right_arithmetic3A_103 = vector.broadcast %shift_right_arithmetic3A : i32 to vector<16xi32>
      %shift_right_arithmetic3A_104 = arith.shrsi %bitcast3A, %shift_right_arithmetic3A_103 : vector<16xi32>
      %sub3A_105 = arith.constant 1597463007 : i32
      %sub3A_106 = vector.broadcast %sub3A_105 : i32 to vector<16xi32>
      %sub3A_107 = arith.subi %sub3A_106, %shift_right_arithmetic3A_104 : vector<16xi32>
      %bitcast3A_108 = vector.bitcast %sub3A_107 : vector<16xi32> to vector<16xf32>
      %mul3A_109 = arith.constant 5.000000e-01 : f32
      %mul3A_110 = vector.broadcast %mul3A_109 : f32 to vector<16xf32>
      %mul3A_111 = arith.mulf %mul3A_110, %add3A_102 : vector<16xf32>
      %mul3A_112 = arith.mulf %mul3A_111, %bitcast3A_108 : vector<16xf32>
      %mul3A_113 = arith.mulf %mul3A_112, %bitcast3A_108 : vector<16xf32>
      %sub3A_114 = arith.constant 1.500000e+00 : f32
      %sub3A_115 = vector.broadcast %sub3A_114 : f32 to vector<16xf32>
      %sub3A_116 = arith.subf %sub3A_115, %mul3A_113 : vector<16xf32>
      %mul3A_117 = arith.mulf %bitcast3A_108, %sub3A_116 : vector<16xf32>
      %mul3A_118 = arith.constant 5.000000e-01 : f32
      %mul3A_119 = vector.broadcast %mul3A_118 : f32 to vector<16xf32>
      %mul3A_120 = arith.mulf %mul3A_119, %add3A_102 : vector<16xf32>
      %mul3A_121 = arith.mulf %mul3A_120, %mul3A_117 : vector<16xf32>
      %mul3A_122 = arith.mulf %mul3A_121, %mul3A_117 : vector<16xf32>
      %sub3A_123 = arith.constant 1.500000e+00 : f32
      %sub3A_124 = vector.broadcast %sub3A_123 : f32 to vector<16xf32>
      %sub3A_125 = arith.subf %sub3A_124, %mul3A_122 : vector<16xf32>
      %mul3A_126 = arith.mulf %mul3A_117, %sub3A_125 : vector<16xf32>
      %mul3A_127 = arith.constant 5.000000e-01 : f32
      %mul3A_128 = vector.broadcast %mul3A_127 : f32 to vector<16xf32>
      %mul3A_129 = arith.mulf %mul3A_128, %add3A_102 : vector<16xf32>
      %mul3A_130 = arith.mulf %mul3A_129, %mul3A_126 : vector<16xf32>
      %mul3A_131 = arith.mulf %mul3A_130, %mul3A_126 : vector<16xf32>
      %sub3A_132 = arith.constant 1.500000e+00 : f32
      %sub3A_133 = vector.broadcast %sub3A_132 : f32 to vector<16xf32>
      %sub3A_134 = arith.subf %sub3A_133, %mul3A_131 : vector<16xf32>
      %mul3A_135 = arith.mulf %mul3A_126, %sub3A_134 : vector<16xf32>
      %swap3A = arith.index_cast %mul3A_95 : i32 to index
      %swap3A_136 = tpu.vector_load %arg10[%swap3A] {strides = array<i32>} : memref<6272xf32, #tpu.memory_space<vmem>>, vector<16xf32>,
      tpu.vector_store %arg10[%swap3A], %mul3A_135 {strides = array<i32>} : memref<6272xf32, #tpu.memory_space<vmem>>, vector<16xf32>,
    }
    %scan3A_48 = arith.constant 392 : i32
    %scan3A_49 = arith.constant 0 : i32
    %scan3A_50 = arith.constant 0 : i32
    %scan3A_51 = arith.constant 8 : i32
    %scan3A_52 = arith.addi %scan3A_50, %scan3A_51 : i32
    %scan3A_53 = arith.constant 1 : i32
    scf.for %scan3A_93 = %scan3A_50 to %scan3A_52 step %scan3A_53  : i32 {
      %mul3A_94 = arith.constant 784 : i32
      %mul3A_95 = arith.muli %scan3A_93, %mul3A_94 : i32
      %add3A_96 = arith.addi %mul3A_0, %mul3A_95 : i32
      %mul3A_97 = arith.constant 100352 : i32
      %mul3A_98 = arith.muli %arg0, %mul3A_97 : i32
      %add3A_99 = arith.addi %mul3A_98, %add3A_96 : i32
      "tpu.region"() ({
        %run_scoped3A_109 = tpu.sem_alloc : memref<!tpu.dma_semaphore, #tpu.memory_space<semaphore_mem>>
        %dma_start3A_110 = arith.constant 0 : i32
        %dma_start3A_111 = tpu.memref_slice %arg4[%add3A_99, %dma_start3A_110] : memref<200704x8xf32, #tpu.memory_space<hbm>> -> memref<784x8xf32, #tpu.memory_space<hbm>>
        %dma_start3A_112 = arith.constant 0 : i32
        %dma_start3A_113 = tpu.memref_slice %arg4[%add3A_99, %dma_start3A_112] : memref<200704x8xf32, #tpu.memory_space<hbm>> -> memref<784x8xf32, #tpu.memory_space<hbm>>
        tpu.enqueue_dma source(%dma_start3A_113 : memref<784x8xf32, #tpu.memory_space<hbm>>) target(%arg11 : memref<784x8xf32, #tpu.memory_space<vmem>>) target_semaphore(%run_scoped3A_109 : memref<!tpu.dma_semaphore, #tpu.memory_space<semaphore_mem>>)
        %dma_wait3A_114 = arith.constant 0 : i32
        %dma_wait3A_115 = tpu.memref_slice %arg4[%add3A_99, %dma_wait3A_114] : memref<200704x8xf32, #tpu.memory_space<hbm>> -> memref<784x8xf32, #tpu.memory_space<hbm>>
        %dma_wait3A_116 = arith.constant 0 : i32
        %dma_wait3A_117 = tpu.memref_slice %arg4[%add3A_99, %dma_wait3A_116] : memref<200704x8xf32, #tpu.memory_space<hbm>> -> memref<784x8xf32, #tpu.memory_space<hbm>>
        tpu.wait_dma2 semaphore(%run_scoped3A_109 : memref<!tpu.dma_semaphore, #tpu.memory_space<semaphore_mem>>) src(%dma_wait3A_117 : memref<784x8xf32, #tpu.memory_space<hbm>>) dst(%arg11 : memref<784x8xf32, #tpu.memory_space<vmem>>)
        tpu.yield
      }) : () -> ()
      %scan3A_100 = arith.constant 0 : i32
      %scan3A_101 = arith.constant 0 : i32
      %scan3A_102 = arith.constant 392 : i32
      %scan3A_103 = arith.addi %scan3A_101, %scan3A_102 : i32
      %scan3A_104 = arith.constant 1 : i32
      scf.for %scan3A_109 = %scan3A_101 to %scan3A_103 step %scan3A_104  : i32 {
        %mul3A_110 = arith.constant 2 : i32
        %mul3A_111 = arith.muli %mul3A_110, %scan3A_109 : i32
        %add3A_112 = vector.broadcast %mul3A_111 : i32 to vector<16xi32>
        %add3A_113 = arith.addi %select_n3A, %add3A_112 : vector<16xi32>
        %gather3A = tpu.vector_load_idx %arg11[%add3A_113, %select_n3A_42] : memref<784x8xf32, #tpu.memory_space<vmem>>[vector<16xi32>, vector<16xi32>], vector<16xf32>,
        %mul3A_114 = arith.constant 784 : i32
        %mul3A_115 = arith.muli %scan3A_93, %mul3A_114 : i32
        %mul3A_116 = arith.constant 2 : i32
        %mul3A_117 = arith.muli %mul3A_116, %scan3A_109 : i32
        %add3A_118 = arith.addi %mul3A_115, %mul3A_117 : i32
        %add3A_119 = vector.broadcast %add3A_118 : i32 to vector<16xi32>
        %add3A_120 = arith.addi %select_n3A, %add3A_119 : vector<16xi32>
        %gather3A_121 = tpu.vector_load_idx %arg10[%add3A_120] : memref<6272xf32, #tpu.memory_space<vmem>>[vector<16xi32>], vector<16xf32>,
        %mul3A_122 = arith.mulf %gather3A, %gather3A_121 : vector<16xf32>
        tpu.vector_store_idx %arg11[%add3A_113, %select_n3A_42], %mul3A_122 : memref<784x8xf32, #tpu.memory_space<vmem>>[vector<16xi32>, vector<16xi32>], vector<16xf32>,
      }
      %scan3A_105 = arith.constant 392 : i32
      %mul3A_106 = arith.constant 100352 : i32
      %mul3A_107 = arith.muli %arg0, %mul3A_106 : i32
      %add3A_108 = arith.addi %mul3A_107, %add3A_96 : i32
      "tpu.region"() ({
        %run_scoped3A_109 = tpu.sem_alloc : memref<!tpu.dma_semaphore, #tpu.memory_space<semaphore_mem>>
        %dma_start3A_110 = arith.constant 0 : i32
        %dma_start3A_111 = tpu.memref_slice %arg7[%add3A_108, %dma_start3A_110] : memref<200704x8xf32, #tpu.memory_space<hbm>> -> memref<784x8xf32, #tpu.memory_space<hbm>>
        %dma_start3A_112 = arith.constant 0 : i32
        %dma_start3A_113 = tpu.memref_slice %arg7[%add3A_108, %dma_start3A_112] : memref<200704x8xf32, #tpu.memory_space<hbm>> -> memref<784x8xf32, #tpu.memory_space<hbm>>
        tpu.enqueue_dma source(%arg11 : memref<784x8xf32, #tpu.memory_space<vmem>>) target(%dma_start3A_113 : memref<784x8xf32, #tpu.memory_space<hbm>>) target_semaphore(%run_scoped3A_109 : memref<!tpu.dma_semaphore, #tpu.memory_space<semaphore_mem>>)
        %dma_wait3A_114 = arith.constant 0 : i32
        %dma_wait3A_115 = tpu.memref_slice %arg7[%add3A_108, %dma_wait3A_114] : memref<200704x8xf32, #tpu.memory_space<hbm>> -> memref<784x8xf32, #tpu.memory_space<hbm>>
        %dma_wait3A_116 = arith.constant 0 : i32
        %dma_wait3A_117 = tpu.memref_slice %arg7[%add3A_108, %dma_wait3A_116] : memref<200704x8xf32, #tpu.memory_space<hbm>> -> memref<784x8xf32, #tpu.memory_space<hbm>>
        tpu.wait_dma2 semaphore(%run_scoped3A_109 : memref<!tpu.dma_semaphore, #tpu.memory_space<semaphore_mem>>) src(%arg11 : memref<784x8xf32, #tpu.memory_space<vmem>>) dst(%dma_wait3A_117 : memref<784x8xf32, #tpu.memory_space<hbm>>)
        tpu.yield
      }) : () -> ()
      "tpu.region"() ({
        %run_scoped3A_109 = tpu.sem_alloc : memref<!tpu.dma_semaphore, #tpu.memory_space<semaphore_mem>>
        %dma_start3A_110 = arith.constant 0 : i32
        %dma_start3A_111 = tpu.memref_slice %arg18[%add3A_96, %dma_start3A_110] : memref<100352x8xf32, #tpu.memory_space<vmem_shared>> -> memref<784x8xf32, #tpu.memory_space<vmem_shared>>
        %dma_start3A_112 = arith.constant 0 : i32
        %dma_start3A_113 = tpu.memref_slice %arg18[%add3A_96, %dma_start3A_112] : memref<100352x8xf32, #tpu.memory_space<vmem_shared>> -> memref<784x8xf32, #tpu.memory_space<vmem_shared>>
        tpu.enqueue_dma source(%arg11 : memref<784x8xf32, #tpu.memory_space<vmem>>) target(%dma_start3A_113 : memref<784x8xf32, #tpu.memory_space<vmem_shared>>) target_semaphore(%run_scoped3A_109 : memref<!tpu.dma_semaphore, #tpu.memory_space<semaphore_mem>>)
        %dma_wait3A_114 = arith.constant 0 : i32
        %dma_wait3A_115 = tpu.memref_slice %arg18[%add3A_96, %dma_wait3A_114] : memref<100352x8xf32, #tpu.memory_space<vmem_shared>> -> memref<784x8xf32, #tpu.memory_space<vmem_shared>>
        %dma_wait3A_116 = arith.constant 0 : i32
        %dma_wait3A_117 = tpu.memref_slice %arg18[%add3A_96, %dma_wait3A_116] : memref<100352x8xf32, #tpu.memory_space<vmem_shared>> -> memref<784x8xf32, #tpu.memory_space<vmem_shared>>
        tpu.wait_dma2 semaphore(%run_scoped3A_109 : memref<!tpu.dma_semaphore, #tpu.memory_space<semaphore_mem>>) src(%arg11 : memref<784x8xf32, #tpu.memory_space<vmem>>) dst(%dma_wait3A_117 : memref<784x8xf32, #tpu.memory_space<vmem_shared>>)
        tpu.yield
      }) : () -> ()
    }
    %scan3A_54 = arith.constant 8 : i32
    %barrier3A = arith.constant 0 : index
    tpu.barrier barrier_id(%barrier3A)
    %mul3A_55 = arith.constant 98 : i32
    %mul3A_56 = arith.muli %arg1, %mul3A_55 : i32
    %add3A_57 = arith.constant 0 : i32
    %add3A_58 = arith.addi %mul3A_56, %add3A_57 : i32
    %mul3A_59 = arith.constant 2048 : i32
    %mul3A_60 = arith.muli %add3A_58, %mul3A_59 : i32
    %dma_start3A = tpu.memref_slice %arg2[%arg0, %mul3A_60] : memref<2x3211264xi32, #tpu.memory_space<hbm>> -> memref<1x2048xi32, #tpu.memory_space<hbm>>
    %dma_start3A_61 = tpu.memref_squeeze %dma_start3A : memref<1x2048xi32, #tpu.memory_space<hbm>> -> memref<2048xi32, #tpu.memory_space<hbm>>
    %dma_start3A_62 = tpu.memref_slice %arg2[%arg0, %mul3A_60] : memref<2x3211264xi32, #tpu.memory_space<hbm>> -> memref<1x2048xi32, #tpu.memory_space<hbm>>
    %dma_start3A_63 = tpu.memref_squeeze %dma_start3A_62 : memref<1x2048xi32, #tpu.memory_space<hbm>> -> memref<2048xi32, #tpu.memory_space<hbm>>
    tpu.enqueue_dma source(%dma_start3A_63 : memref<2048xi32, #tpu.memory_space<hbm>>) target(%arg12 : memref<2048xi32, #tpu.memory_space<vmem>>) target_semaphore(%arg21 : memref<!tpu.dma_semaphore, #tpu.memory_space<semaphore_mem>>)
    %mul3A_64 = arith.constant 98 : i32
    %mul3A_65 = arith.muli %arg1, %mul3A_64 : i32
    %add3A_66 = arith.constant 0 : i32
    %add3A_67 = arith.addi %mul3A_65, %add3A_66 : i32
    %mul3A_68 = arith.constant 2048 : i32
    %mul3A_69 = arith.muli %add3A_67, %mul3A_68 : i32
    %dma_start3A_70 = tpu.memref_slice %arg3[%mul3A_69] : memref<3211264xi32, #tpu.memory_space<hbm>> -> memref<2048xi32, #tpu.memory_space<hbm>>
    %dma_start3A_71 = tpu.memref_slice %arg3[%mul3A_69] : memref<3211264xi32, #tpu.memory_space<hbm>> -> memref<2048xi32, #tpu.memory_space<hbm>>
    tpu.enqueue_dma source(%dma_start3A_71 : memref<2048xi32, #tpu.memory_space<hbm>>) target(%arg13 : memref<2048xi32, #tpu.memory_space<vmem>>) target_semaphore(%arg21 : memref<!tpu.dma_semaphore, #tpu.memory_space<semaphore_mem>>)
    %dma_wait3A = tpu.memref_slice %arg2[%arg0, %mul3A_60] : memref<2x3211264xi32, #tpu.memory_space<hbm>> -> memref<1x2048xi32, #tpu.memory_space<hbm>>
    %dma_wait3A_72 = tpu.memref_squeeze %dma_wait3A : memref<1x2048xi32, #tpu.memory_space<hbm>> -> memref<2048xi32, #tpu.memory_space<hbm>>
    %dma_wait3A_73 = tpu.memref_slice %arg2[%arg0, %mul3A_60] : memref<2x3211264xi32, #tpu.memory_space<hbm>> -> memref<1x2048xi32, #tpu.memory_space<hbm>>
    %dma_wait3A_74 = tpu.memref_squeeze %dma_wait3A_73 : memref<1x2048xi32, #tpu.memory_space<hbm>> -> memref<2048xi32, #tpu.memory_space<hbm>>
    tpu.wait_dma2 semaphore(%arg21 : memref<!tpu.dma_semaphore, #tpu.memory_space<semaphore_mem>>) src(%dma_wait3A_74 : memref<2048xi32, #tpu.memory_space<hbm>>) dst(%arg12 : memref<2048xi32, #tpu.memory_space<vmem>>)
    %dma_wait3A_75 = tpu.memref_slice %arg3[%mul3A_69] : memref<3211264xi32, #tpu.memory_space<hbm>> -> memref<2048xi32, #tpu.memory_space<hbm>>
    %dma_wait3A_76 = tpu.memref_slice %arg3[%mul3A_69] : memref<3211264xi32, #tpu.memory_space<hbm>> -> memref<2048xi32, #tpu.memory_space<hbm>>
    tpu.wait_dma2 semaphore(%arg21 : memref<!tpu.dma_semaphore, #tpu.memory_space<semaphore_mem>>) src(%dma_wait3A_76 : memref<2048xi32, #tpu.memory_space<hbm>>) dst(%arg13 : memref<2048xi32, #tpu.memory_space<vmem>>)
    %dma_start3A_77 = arith.constant 0 : i32
    %dma_start3A_78 = arith.constant 0 : i32
    %dma_start3A_79 = tpu.memref_slice %arg7[%dma_start3A_77, %dma_start3A_78] : memref<200704x8xf32, #tpu.memory_space<hbm>> -> memref<200704x8xf32, #tpu.memory_space<hbm>>
    tpu.enqueue_indirect_dma source(%dma_start3A_79 : memref<200704x8xf32, #tpu.memory_space<hbm>>) target(%arg16 : memref<2048x8xf32, #tpu.memory_space<vmem>>) offsets(%arg12 : memref<2048xi32, #tpu.memory_space<vmem>>) semaphore(%arg19 : memref<!tpu.dma_semaphore, #tpu.memory_space<semaphore_mem>>)
    %scan3A_80 = arith.constant 0 : i32
    %scan3A_81 = arith.constant 0 : i32
    %scan3A_82 = arith.constant 49 : i32
    %scan3A_83 = arith.addi %scan3A_81, %scan3A_82 : i32
    %scan3A_84 = arith.constant 1 : i32
    scf.for %scan3A_93 = %scan3A_81 to %scan3A_83 step %scan3A_84  : i32 {
      %mul3A_94 = arith.constant 2 : i32
      %mul3A_95 = arith.muli %mul3A_94, %scan3A_93 : i32
      %add3A_96 = arith.constant 1 : i32
      %add3A_97 = arith.addi %mul3A_95, %add3A_96 : i32
      %mul3A_98 = arith.constant 98 : i32
      %mul3A_99 = arith.muli %arg1, %mul3A_98 : i32
      %add3A_100 = arith.addi %mul3A_99, %add3A_97 : i32
      %mul3A_101 = arith.constant 2048 : i32
      %mul3A_102 = arith.muli %add3A_100, %mul3A_101 : i32
      %dma_start3A_103 = tpu.memref_slice %arg2[%arg0, %mul3A_102] : memref<2x3211264xi32, #tpu.memory_space<hbm>> -> memref<1x2048xi32, #tpu.memory_space<hbm>>
      %dma_start3A_104 = tpu.memref_squeeze %dma_start3A_103 : memref<1x2048xi32, #tpu.memory_space<hbm>> -> memref<2048xi32, #tpu.memory_space<hbm>>
      %dma_start3A_105 = tpu.memref_slice %arg2[%arg0, %mul3A_102] : memref<2x3211264xi32, #tpu.memory_space<hbm>> -> memref<1x2048xi32, #tpu.memory_space<hbm>>
      %dma_start3A_106 = tpu.memref_squeeze %dma_start3A_105 : memref<1x2048xi32, #tpu.memory_space<hbm>> -> memref<2048xi32, #tpu.memory_space<hbm>>
      tpu.enqueue_dma source(%dma_start3A_106 : memref<2048xi32, #tpu.memory_space<hbm>>) target(%arg14 : memref<2048xi32, #tpu.memory_space<vmem>>) target_semaphore(%arg21 : memref<!tpu.dma_semaphore, #tpu.memory_space<semaphore_mem>>)
      %mul3A_107 = arith.constant 98 : i32
      %mul3A_108 = arith.muli %arg1, %mul3A_107 : i32
      %add3A_109 = arith.addi %mul3A_108, %add3A_97 : i32
      %mul3A_110 = arith.constant 2048 : i32
      %mul3A_111 = arith.muli %add3A_109, %mul3A_110 : i32
      %dma_start3A_112 = tpu.memref_slice %arg3[%mul3A_111] : memref<3211264xi32, #tpu.memory_space<hbm>> -> memref<2048xi32, #tpu.memory_space<hbm>>
      %dma_start3A_113 = tpu.memref_slice %arg3[%mul3A_111] : memref<3211264xi32, #tpu.memory_space<hbm>> -> memref<2048xi32, #tpu.memory_space<hbm>>
      tpu.enqueue_dma source(%dma_start3A_113 : memref<2048xi32, #tpu.memory_space<hbm>>) target(%arg15 : memref<2048xi32, #tpu.memory_space<vmem>>) target_semaphore(%arg21 : memref<!tpu.dma_semaphore, #tpu.memory_space<semaphore_mem>>)
      %dma_wait3A_114 = arith.constant 0 : i32
      %dma_wait3A_115 = arith.constant 0 : i32
      %dma_wait3A_116 = tpu.memref_slice %arg4[%dma_wait3A_114, %dma_wait3A_115] : memref<200704x8xf32, #tpu.memory_space<hbm>> -> memref<2048x8xf32, #tpu.memory_space<hbm>>
      %dma_wait3A_117 = arith.constant 0 : i32
      %dma_wait3A_118 = arith.constant 0 : i32
      %dma_wait3A_119 = tpu.memref_slice %arg4[%dma_wait3A_117, %dma_wait3A_118] : memref<200704x8xf32, #tpu.memory_space<hbm>> -> memref<2048x8xf32, #tpu.memory_space<hbm>>
      tpu.wait_dma2 semaphore(%arg19 : memref<!tpu.dma_semaphore, #tpu.memory_space<semaphore_mem>>) src(%dma_wait3A_119 : memref<2048x8xf32, #tpu.memory_space<hbm>>) dst(%arg16 : memref<2048x8xf32, #tpu.memory_space<vmem>>)
      %dma_start3A_120 = arith.constant 0 : i32
      %dma_start3A_121 = arith.constant 0 : i32
      %dma_start3A_122 = tpu.memref_slice %arg18[%dma_start3A_120, %dma_start3A_121] : memref<100352x8xf32, #tpu.memory_space<vmem_shared>> -> memref<100352x8xf32, #tpu.memory_space<vmem_shared>>
      tpu.enqueue_indirect_dma source(%arg16 : memref<2048x8xf32, #tpu.memory_space<vmem>>) target(%dma_start3A_122 : memref<100352x8xf32, #tpu.memory_space<vmem_shared>>) offsets(%arg13 : memref<2048xi32, #tpu.memory_space<vmem>>) semaphore(%arg20 : memref<!tpu.dma_semaphore, #tpu.memory_space<semaphore_mem>>) {add = true}
      %dma_wait3A_123 = tpu.memref_slice %arg2[%arg0, %mul3A_102] : memref<2x3211264xi32, #tpu.memory_space<hbm>> -> memref<1x2048xi32, #tpu.memory_space<hbm>>
      %dma_wait3A_124 = tpu.memref_squeeze %dma_wait3A_123 : memref<1x2048xi32, #tpu.memory_space<hbm>> -> memref<2048xi32, #tpu.memory_space<hbm>>
      %dma_wait3A_125 = tpu.memref_slice %arg2[%arg0, %mul3A_102] : memref<2x3211264xi32, #tpu.memory_space<hbm>> -> memref<1x2048xi32, #tpu.memory_space<hbm>>
      %dma_wait3A_126 = tpu.memref_squeeze %dma_wait3A_125 : memref<1x2048xi32, #tpu.memory_space<hbm>> -> memref<2048xi32, #tpu.memory_space<hbm>>
      tpu.wait_dma2 semaphore(%arg21 : memref<!tpu.dma_semaphore, #tpu.memory_space<semaphore_mem>>) src(%dma_wait3A_126 : memref<2048xi32, #tpu.memory_space<hbm>>) dst(%arg14 : memref<2048xi32, #tpu.memory_space<vmem>>)
      %dma_wait3A_127 = tpu.memref_slice %arg3[%mul3A_111] : memref<3211264xi32, #tpu.memory_space<hbm>> -> memref<2048xi32, #tpu.memory_space<hbm>>
      %dma_wait3A_128 = tpu.memref_slice %arg3[%mul3A_111] : memref<3211264xi32, #tpu.memory_space<hbm>> -> memref<2048xi32, #tpu.memory_space<hbm>>
      tpu.wait_dma2 semaphore(%arg21 : memref<!tpu.dma_semaphore, #tpu.memory_space<semaphore_mem>>) src(%dma_wait3A_128 : memref<2048xi32, #tpu.memory_space<hbm>>) dst(%arg15 : memref<2048xi32, #tpu.memory_space<vmem>>)
      %dma_start3A_129 = arith.constant 0 : i32
      %dma_start3A_130 = arith.constant 0 : i32
      %dma_start3A_131 = tpu.memref_slice %arg7[%dma_start3A_129, %dma_start3A_130] : memref<200704x8xf32, #tpu.memory_space<hbm>> -> memref<200704x8xf32, #tpu.memory_space<hbm>>
      tpu.enqueue_indirect_dma source(%dma_start3A_131 : memref<200704x8xf32, #tpu.memory_space<hbm>>) target(%arg17 : memref<2048x8xf32, #tpu.memory_space<vmem>>) offsets(%arg14 : memref<2048xi32, #tpu.memory_space<vmem>>) semaphore(%arg19 : memref<!tpu.dma_semaphore, #tpu.memory_space<semaphore_mem>>)
      %dma_wait3A_132 = arith.constant 0 : i32
      %dma_wait3A_133 = arith.constant 0 : i32
      %dma_wait3A_134 = tpu.memref_slice %arg18[%dma_wait3A_132, %dma_wait3A_133] : memref<100352x8xf32, #tpu.memory_space<vmem_shared>> -> memref<100352x8xf32, #tpu.memory_space<vmem_shared>>
      tpu.wait_indirect_dma semaphore(%arg20 : memref<!tpu.dma_semaphore, #tpu.memory_space<semaphore_mem>>) src(%arg16 : memref<2048x8xf32, #tpu.memory_space<vmem>>) dst(%dma_wait3A_134 : memref<100352x8xf32, #tpu.memory_space<vmem_shared>>)
      %lt3A_135 = arith.constant 48 : i32
      %lt3A_136 = arith.cmpi slt, %scan3A_93, %lt3A_135 : i32
      %convert_element_type3A = arith.extui %lt3A_136 : i1 to i32
      %cond3A = arith.constant 0 : i32
      %cond3A_137 = arith.cmpi ne, %convert_element_type3A, %cond3A : i32
      scf.if %cond3A_137 {
        %add3A_147 = arith.constant 2 : i32
        %add3A_148 = arith.addi %mul3A_95, %add3A_147 : i32
        %mul3A_149 = arith.constant 98 : i32
        %mul3A_150 = arith.muli %arg1, %mul3A_149 : i32
        %add3A_151 = arith.addi %mul3A_150, %add3A_148 : i32
        %mul3A_152 = arith.constant 2048 : i32
        %mul3A_153 = arith.muli %add3A_151, %mul3A_152 : i32
        %dma_start3A_154 = tpu.memref_slice %arg2[%arg0, %mul3A_153] : memref<2x3211264xi32, #tpu.memory_space<hbm>> -> memref<1x2048xi32, #tpu.memory_space<hbm>>
        %dma_start3A_155 = tpu.memref_squeeze %dma_start3A_154 : memref<1x2048xi32, #tpu.memory_space<hbm>> -> memref<2048xi32, #tpu.memory_space<hbm>>
        %dma_start3A_156 = tpu.memref_slice %arg2[%arg0, %mul3A_153] : memref<2x3211264xi32, #tpu.memory_space<hbm>> -> memref<1x2048xi32, #tpu.memory_space<hbm>>
        %dma_start3A_157 = tpu.memref_squeeze %dma_start3A_156 : memref<1x2048xi32, #tpu.memory_space<hbm>> -> memref<2048xi32, #tpu.memory_space<hbm>>
        tpu.enqueue_dma source(%dma_start3A_157 : memref<2048xi32, #tpu.memory_space<hbm>>) target(%arg12 : memref<2048xi32, #tpu.memory_space<vmem>>) target_semaphore(%arg21 : memref<!tpu.dma_semaphore, #tpu.memory_space<semaphore_mem>>)
        %mul3A_158 = arith.constant 98 : i32
        %mul3A_159 = arith.muli %arg1, %mul3A_158 : i32
        %add3A_160 = arith.addi %mul3A_159, %add3A_148 : i32
        %mul3A_161 = arith.constant 2048 : i32
        %mul3A_162 = arith.muli %add3A_160, %mul3A_161 : i32
        %dma_start3A_163 = tpu.memref_slice %arg3[%mul3A_162] : memref<3211264xi32, #tpu.memory_space<hbm>> -> memref<2048xi32, #tpu.memory_space<hbm>>
        %dma_start3A_164 = tpu.memref_slice %arg3[%mul3A_162] : memref<3211264xi32, #tpu.memory_space<hbm>> -> memref<2048xi32, #tpu.memory_space<hbm>>
        tpu.enqueue_dma source(%dma_start3A_164 : memref<2048xi32, #tpu.memory_space<hbm>>) target(%arg13 : memref<2048xi32, #tpu.memory_space<vmem>>) target_semaphore(%arg21 : memref<!tpu.dma_semaphore, #tpu.memory_space<semaphore_mem>>)
        %dma_wait3A_165 = tpu.memref_slice %arg2[%arg0, %mul3A_153] : memref<2x3211264xi32, #tpu.memory_space<hbm>> -> memref<1x2048xi32, #tpu.memory_space<hbm>>
        %dma_wait3A_166 = tpu.memref_squeeze %dma_wait3A_165 : memref<1x2048xi32, #tpu.memory_space<hbm>> -> memref<2048xi32, #tpu.memory_space<hbm>>
        %dma_wait3A_167 = tpu.memref_slice %arg2[%arg0, %mul3A_153] : memref<2x3211264xi32, #tpu.memory_space<hbm>> -> memref<1x2048xi32, #tpu.memory_space<hbm>>
        %dma_wait3A_168 = tpu.memref_squeeze %dma_wait3A_167 : memref<1x2048xi32, #tpu.memory_space<hbm>> -> memref<2048xi32, #tpu.memory_space<hbm>>
        tpu.wait_dma2 semaphore(%arg21 : memref<!tpu.dma_semaphore, #tpu.memory_space<semaphore_mem>>) src(%dma_wait3A_168 : memref<2048xi32, #tpu.memory_space<hbm>>) dst(%arg12 : memref<2048xi32, #tpu.memory_space<vmem>>)
        %dma_wait3A_169 = tpu.memref_slice %arg3[%mul3A_162] : memref<3211264xi32, #tpu.memory_space<hbm>> -> memref<2048xi32, #tpu.memory_space<hbm>>
        %dma_wait3A_170 = tpu.memref_slice %arg3[%mul3A_162] : memref<3211264xi32, #tpu.memory_space<hbm>> -> memref<2048xi32, #tpu.memory_space<hbm>>
        tpu.wait_dma2 semaphore(%arg21 : memref<!tpu.dma_semaphore, #tpu.memory_space<semaphore_mem>>) src(%dma_wait3A_170 : memref<2048xi32, #tpu.memory_space<hbm>>) dst(%arg13 : memref<2048xi32, #tpu.memory_space<vmem>>)
        %dma_start3A_171 = arith.constant 0 : i32
        %dma_start3A_172 = arith.constant 0 : i32
        %dma_start3A_173 = tpu.memref_slice %arg7[%dma_start3A_171, %dma_start3A_172] : memref<200704x8xf32, #tpu.memory_space<hbm>> -> memref<200704x8xf32, #tpu.memory_space<hbm>>
        tpu.enqueue_indirect_dma source(%dma_start3A_173 : memref<200704x8xf32, #tpu.memory_space<hbm>>) target(%arg16 : memref<2048x8xf32, #tpu.memory_space<vmem>>) offsets(%arg12 : memref<2048xi32, #tpu.memory_space<vmem>>) semaphore(%arg19 : memref<!tpu.dma_semaphore, #tpu.memory_space<semaphore_mem>>)
      } else {
      }
      %dma_wait3A_138 = arith.constant 0 : i32
      %dma_wait3A_139 = arith.constant 0 : i32
      %dma_wait3A_140 = tpu.memref_slice %arg7[%dma_wait3A_138, %dma_wait3A_139] : memref<200704x8xf32, #tpu.memory_space<hbm>> -> memref<200704x8xf32, #tpu.memory_space<hbm>>
      tpu.wait_indirect_dma semaphore(%arg19 : memref<!tpu.dma_semaphore, #tpu.memory_space<semaphore_mem>>) src(%dma_wait3A_140 : memref<200704x8xf32, #tpu.memory_space<hbm>>) dst(%arg17 : memref<2048x8xf32, #tpu.memory_space<vmem>>)
      %dma_start3A_141 = arith.constant 0 : i32
      %dma_start3A_142 = arith.constant 0 : i32
      %dma_start3A_143 = tpu.memref_slice %arg18[%dma_start3A_141, %dma_start3A_142] : memref<100352x8xf32, #tpu.memory_space<vmem_shared>> -> memref<100352x8xf32, #tpu.memory_space<vmem_shared>>
      tpu.enqueue_indirect_dma source(%arg17 : memref<2048x8xf32, #tpu.memory_space<vmem>>) target(%dma_start3A_143 : memref<100352x8xf32, #tpu.memory_space<vmem_shared>>) offsets(%arg15 : memref<2048xi32, #tpu.memory_space<vmem>>) semaphore(%arg20 : memref<!tpu.dma_semaphore, #tpu.memory_space<semaphore_mem>>) {add = true}
      %dma_wait3A_144 = arith.constant 0 : i32
      %dma_wait3A_145 = arith.constant 0 : i32
      %dma_wait3A_146 = tpu.memref_slice %arg18[%dma_wait3A_144, %dma_wait3A_145] : memref<100352x8xf32, #tpu.memory_space<vmem_shared>> -> memref<100352x8xf32, #tpu.memory_space<vmem_shared>>
      tpu.wait_indirect_dma semaphore(%arg20 : memref<!tpu.dma_semaphore, #tpu.memory_space<semaphore_mem>>) src(%arg17 : memref<2048x8xf32, #tpu.memory_space<vmem>>) dst(%dma_wait3A_146 : memref<100352x8xf32, #tpu.memory_space<vmem_shared>>)
    }
    %scan3A_85 = arith.constant 49 : i32
    %barrier3A_86 = arith.constant 0 : index
    tpu.barrier barrier_id(%barrier3A_86)
    %scan3A_87 = arith.constant 0 : i32
    %scan3A_88 = arith.constant 0 : i32
    %scan3A_89 = arith.constant 8 : i32
    %scan3A_90 = arith.addi %scan3A_88, %scan3A_89 : i32
    %scan3A_91 = arith.constant 1 : i32
    scf.for %scan3A_93 = %scan3A_88 to %scan3A_90 step %scan3A_91  : i32 {
      %mul3A_94 = arith.constant 784 : i32
      %mul3A_95 = arith.muli %scan3A_93, %mul3A_94 : i32
      %add3A_96 = arith.addi %mul3A_0, %mul3A_95 : i32
      "tpu.region"() ({
        %run_scoped3A_106 = tpu.sem_alloc : memref<!tpu.dma_semaphore, #tpu.memory_space<semaphore_mem>>
        %dma_start3A_107 = arith.constant 0 : i32
        %dma_start3A_108 = tpu.memref_slice %arg18[%add3A_96, %dma_start3A_107] : memref<100352x8xf32, #tpu.memory_space<vmem_shared>> -> memref<784x8xf32, #tpu.memory_space<vmem_shared>>
        %dma_start3A_109 = arith.constant 0 : i32
        %dma_start3A_110 = tpu.memref_slice %arg18[%add3A_96, %dma_start3A_109] : memref<100352x8xf32, #tpu.memory_space<vmem_shared>> -> memref<784x8xf32, #tpu.memory_space<vmem_shared>>
        tpu.enqueue_dma source(%dma_start3A_110 : memref<784x8xf32, #tpu.memory_space<vmem_shared>>) target(%arg11 : memref<784x8xf32, #tpu.memory_space<vmem>>) target_semaphore(%run_scoped3A_106 : memref<!tpu.dma_semaphore, #tpu.memory_space<semaphore_mem>>)
        %dma_wait3A_111 = arith.constant 0 : i32
        %dma_wait3A_112 = tpu.memref_slice %arg18[%add3A_96, %dma_wait3A_111] : memref<100352x8xf32, #tpu.memory_space<vmem_shared>> -> memref<784x8xf32, #tpu.memory_space<vmem_shared>>
        %dma_wait3A_113 = arith.constant 0 : i32
        %dma_wait3A_114 = tpu.memref_slice %arg18[%add3A_96, %dma_wait3A_113] : memref<100352x8xf32, #tpu.memory_space<vmem_shared>> -> memref<784x8xf32, #tpu.memory_space<vmem_shared>>
        tpu.wait_dma2 semaphore(%run_scoped3A_106 : memref<!tpu.dma_semaphore, #tpu.memory_space<semaphore_mem>>) src(%dma_wait3A_114 : memref<784x8xf32, #tpu.memory_space<vmem_shared>>) dst(%arg11 : memref<784x8xf32, #tpu.memory_space<vmem>>)
        tpu.yield
      }) : () -> ()
      %scan3A_97 = arith.constant 0 : i32
      %scan3A_98 = arith.constant 0 : i32
      %scan3A_99 = arith.constant 392 : i32
      %scan3A_100 = arith.addi %scan3A_98, %scan3A_99 : i32
      %scan3A_101 = arith.constant 1 : i32
      scf.for %scan3A_106 = %scan3A_98 to %scan3A_100 step %scan3A_101  : i32 {
        %mul3A_107 = arith.constant 2 : i32
        %mul3A_108 = arith.muli %mul3A_107, %scan3A_106 : i32
        %add3A_109 = vector.broadcast %mul3A_108 : i32 to vector<16xi32>
        %add3A_110 = arith.addi %select_n3A, %add3A_109 : vector<16xi32>
        %gather3A = tpu.vector_load_idx %arg11[%add3A_110, %select_n3A_42] : memref<784x8xf32, #tpu.memory_space<vmem>>[vector<16xi32>, vector<16xi32>], vector<16xf32>,
        %mul3A_111 = arith.constant 784 : i32
        %mul3A_112 = arith.muli %scan3A_93, %mul3A_111 : i32
        %mul3A_113 = arith.constant 2 : i32
        %mul3A_114 = arith.muli %mul3A_113, %scan3A_106 : i32
        %add3A_115 = arith.addi %mul3A_112, %mul3A_114 : i32
        %add3A_116 = vector.broadcast %add3A_115 : i32 to vector<16xi32>
        %add3A_117 = arith.addi %select_n3A, %add3A_116 : vector<16xi32>
        %gather3A_118 = tpu.vector_load_idx %arg10[%add3A_117] : memref<6272xf32, #tpu.memory_space<vmem>>[vector<16xi32>], vector<16xf32>,
        %mul3A_119 = arith.mulf %gather3A, %gather3A_118 : vector<16xf32>
        tpu.vector_store_idx %arg11[%add3A_110, %select_n3A_42], %mul3A_119 : memref<784x8xf32, #tpu.memory_space<vmem>>[vector<16xi32>, vector<16xi32>], vector<16xf32>,
      }
      %scan3A_102 = arith.constant 392 : i32
      %mul3A_103 = arith.constant 100352 : i32
      %mul3A_104 = arith.muli %arg0, %mul3A_103 : i32
      %add3A_105 = arith.addi %mul3A_104, %add3A_96 : i32
      "tpu.region"() ({
        %run_scoped3A_106 = tpu.sem_alloc : memref<!tpu.dma_semaphore, #tpu.memory_space<semaphore_mem>>
        %dma_start3A_107 = arith.constant 0 : i32
        %dma_start3A_108 = tpu.memref_slice %arg7[%add3A_105, %dma_start3A_107] : memref<200704x8xf32, #tpu.memory_space<hbm>> -> memref<784x8xf32, #tpu.memory_space<hbm>>
        %dma_start3A_109 = arith.constant 0 : i32
        %dma_start3A_110 = tpu.memref_slice %arg7[%add3A_105, %dma_start3A_109] : memref<200704x8xf32, #tpu.memory_space<hbm>> -> memref<784x8xf32, #tpu.memory_space<hbm>>
        tpu.enqueue_dma source(%arg11 : memref<784x8xf32, #tpu.memory_space<vmem>>) target(%dma_start3A_110 : memref<784x8xf32, #tpu.memory_space<hbm>>) target_semaphore(%run_scoped3A_106 : memref<!tpu.dma_semaphore, #tpu.memory_space<semaphore_mem>>)
        %dma_wait3A_111 = arith.constant 0 : i32
        %dma_wait3A_112 = tpu.memref_slice %arg7[%add3A_105, %dma_wait3A_111] : memref<200704x8xf32, #tpu.memory_space<hbm>> -> memref<784x8xf32, #tpu.memory_space<hbm>>
        %dma_wait3A_113 = arith.constant 0 : i32
        %dma_wait3A_114 = tpu.memref_slice %arg7[%add3A_105, %dma_wait3A_113] : memref<200704x8xf32, #tpu.memory_space<hbm>> -> memref<784x8xf32, #tpu.memory_space<hbm>>
        tpu.wait_dma2 semaphore(%run_scoped3A_106 : memref<!tpu.dma_semaphore, #tpu.memory_space<semaphore_mem>>) src(%arg11 : memref<784x8xf32, #tpu.memory_space<vmem>>) dst(%dma_wait3A_114 : memref<784x8xf32, #tpu.memory_space<hbm>>)
        tpu.yield
      }) : () -> ()
    }
    %scan3A_92 = arith.constant 8 : i32
    return
  }
}

module attributes {stable_mosaic.version = 14 : i64} {
  func.func @_dense1_body(%arg0: i32, %arg1: memref<448x48xf32, #tpu.memory_space<vmem>>, %arg2: memref<48x128xf32, #tpu.memory_space<vmem>>, %arg3: memref<48x128xf32, #tpu.memory_space<vmem>>, %arg4: memref<2x448x128xf32, #tpu.memory_space<vmem>>) attributes {dimension_semantics = [#tpu.dimension_semantics<arbitrary>], iteration_bounds = array<i64: 14>, scalar_prefetch = 0 : i64, scratch_operands = 0 : i64, tpu.core_type = #tpu.core_type<tc>, window_params = [{transform_indices = @transform_0, window_bounds = array<i64: 448, 48>}, {pipeline_mode = #tpu.pipeline_mode<synchronous>, transform_indices = @transform_1, window_bounds = array<i64: 48, 128>}, {pipeline_mode = #tpu.pipeline_mode<synchronous>, transform_indices = @transform_2, window_bounds = array<i64: 48, 128>}, {transform_indices = @transform_3, window_bounds = array<i64: 2, 448, 128>}]} {
    %get3A = arith.constant 0 : index
    %get3A_0 = arith.constant 0 : index
    %get3A_1 = vector.load %arg1[%get3A, %get3A_0] : memref<448x48xf32, #tpu.memory_space<vmem>>, vector<448x48xf32>
    %get3A_2 = arith.constant 0 : index
    %get3A_3 = arith.constant 0 : index
    %get3A_4 = vector.load %arg2[%get3A_2, %get3A_3] : memref<48x128xf32, #tpu.memory_space<vmem>>, vector<48x128xf32>
    %dot_general3A = arith.constant dense<0.000000e+00> : vector<448x128xf32>
    %dot_general3A_5 = tpu.matmul %get3A_1, %get3A_4, %dot_general3A {dimension_numbers = #tpu.dot_dimension_numbers<[1], [0], [0], [1], [0, 0, 1, 1], [], []>, transpose_lhs_hint = false} : vector<448x48xf32>, vector<48x128xf32>, vector<448x128xf32> -> vector<448x128xf32>
    %swap3A = arith.constant 0 : index
    %swap3A_6 = arith.constant 0 : index
    %swap3A_7 = arith.constant 0 : index
    %swap3A_8 = vector.load %arg4[%swap3A, %swap3A_6, %swap3A_7] : memref<2x448x128xf32, #tpu.memory_space<vmem>>, vector<1x448x128xf32>
    %swap3A_9 = vector.shape_cast %swap3A_8 : vector<1x448x128xf32> to vector<448x128xf32>
    %swap3A_10 = vector.shape_cast %dot_general3A_5 : vector<448x128xf32> to vector<1x448x128xf32>
    tpu.vector_store %arg4[%swap3A, %swap3A_6, %swap3A_7], %swap3A_10 {strides = array<i32>} : memref<2x448x128xf32, #tpu.memory_space<vmem>>, vector<1x448x128xf32>,
    %get3A_11 = arith.constant 0 : index
    %get3A_12 = arith.constant 0 : index
    %get3A_13 = vector.load %arg3[%get3A_11, %get3A_12] : memref<48x128xf32, #tpu.memory_space<vmem>>, vector<48x128xf32>
    %dot_general3A_14 = arith.constant dense<0.000000e+00> : vector<448x128xf32>
    %dot_general3A_15 = tpu.matmul %get3A_1, %get3A_13, %dot_general3A_14 {dimension_numbers = #tpu.dot_dimension_numbers<[1], [0], [0], [1], [0, 0, 1, 1], [], []>, transpose_lhs_hint = false} : vector<448x48xf32>, vector<48x128xf32>, vector<448x128xf32> -> vector<448x128xf32>
    %swap3A_16 = arith.constant 1 : index
    %swap3A_17 = arith.constant 0 : index
    %swap3A_18 = arith.constant 0 : index
    %swap3A_19 = vector.load %arg4[%swap3A_16, %swap3A_17, %swap3A_18] : memref<2x448x128xf32, #tpu.memory_space<vmem>>, vector<1x448x128xf32>
    %swap3A_20 = vector.shape_cast %swap3A_19 : vector<1x448x128xf32> to vector<448x128xf32>
    %swap3A_21 = vector.shape_cast %dot_general3A_15 : vector<448x128xf32> to vector<1x448x128xf32>
    tpu.vector_store %arg4[%swap3A_16, %swap3A_17, %swap3A_18], %swap3A_21 {strides = array<i32>} : memref<2x448x128xf32, #tpu.memory_space<vmem>>, vector<1x448x128xf32>,
    return
  }
  func.func @transform_0(%arg0: i32) -> (i32, i32) {
    %c0_i32 = arith.constant 0 : i32
    %c0_i32_0 = arith.constant 0 : i32
    return %arg0, %c0_i32 : i32, i32
  }
  func.func @transform_1(%arg0: i32) -> (i32, i32) {
    %c0_i32 = arith.constant 0 : i32
    %c0_i32_0 = arith.constant 0 : i32
    %c0_i32_1 = arith.constant 0 : i32
    return %c0_i32, %c0_i32_0 : i32, i32
  }
  func.func @transform_2(%arg0: i32) -> (i32, i32) {
    %c0_i32 = arith.constant 0 : i32
    %c0_i32_0 = arith.constant 0 : i32
    %c0_i32_1 = arith.constant 0 : i32
    return %c0_i32, %c0_i32_0 : i32, i32
  }
  func.func @transform_3(%arg0: i32) -> (i32, i32, i32) {
    %c0_i32 = arith.constant 0 : i32
    %c0_i32_0 = arith.constant 0 : i32
    %c0_i32_1 = arith.constant 0 : i32
    return %c0_i32, %arg0, %c0_i32_0 : i32, i32, i32
  }
}

module attributes {stable_mosaic.version = 14 : i64} {
  func.func @_dense2_body(%arg0: i32, %arg1: memref<2x448x128xf32, #tpu.memory_space<vmem>>, %arg2: memref<2x128xf32, #tpu.memory_space<vmem>>, %arg3: memref<128x128xf32, #tpu.memory_space<vmem>>, %arg4: memref<128x128xf32, #tpu.memory_space<vmem>>, %arg5: memref<448x128xf32, #tpu.memory_space<vmem>>) attributes {dimension_semantics = [#tpu.dimension_semantics<arbitrary>], iteration_bounds = array<i64: 14>, scalar_prefetch = 0 : i64, scratch_operands = 0 : i64, tpu.core_type = #tpu.core_type<tc>, window_params = [{transform_indices = @transform_0, window_bounds = array<i64: 2, 448, 128>}, {pipeline_mode = #tpu.pipeline_mode<synchronous>, transform_indices = @transform_1, window_bounds = array<i64: 2, 128>}, {pipeline_mode = #tpu.pipeline_mode<synchronous>, transform_indices = @transform_2, window_bounds = array<i64: 128, 128>}, {pipeline_mode = #tpu.pipeline_mode<synchronous>, transform_indices = @transform_3, window_bounds = array<i64: 128, 128>}, {transform_indices = @transform_4, window_bounds = array<i64: 448, 128>}]} {
    %get3A = arith.constant 0 : index
    %get3A_0 = arith.constant 0 : index
    %get3A_1 = arith.constant 0 : index
    %get3A_2 = vector.load %arg1[%get3A, %get3A_0, %get3A_1] : memref<2x448x128xf32, #tpu.memory_space<vmem>>, vector<1x448x128xf32>
    %get3A_3 = vector.shape_cast %get3A_2 : vector<1x448x128xf32> to vector<448x128xf32>
    %get3A_4 = arith.constant 0 : index
    %get3A_5 = arith.constant 0 : index
    %get3A_6 = vector.load %arg2[%get3A_4, %get3A_5] : memref<2x128xf32, #tpu.memory_space<vmem>>, vector<1x128xf32>
    %get3A_7 = vector.shape_cast %get3A_6 : vector<1x128xf32> to vector<128xf32>
    %broadcast_in_dim3A = vector.shape_cast %get3A_7 : vector<128xf32> to vector<1x128xf32>
    %add3A = vector.broadcast %broadcast_in_dim3A : vector<1x128xf32> to vector<448x128xf32>
    %add3A_8 = arith.addf %get3A_3, %add3A : vector<448x128xf32>
    %max3A = arith.constant 0.000000e+00 : f32
    %max3A_9 = vector.broadcast %max3A : f32 to vector<448x128xf32>
    %max3A_10 = arith.maximumf %add3A_8, %max3A_9 : vector<448x128xf32>
    %get3A_11 = arith.constant 1 : index
    %get3A_12 = arith.constant 0 : index
    %get3A_13 = arith.constant 0 : index
    %get3A_14 = vector.load %arg1[%get3A_11, %get3A_12, %get3A_13] : memref<2x448x128xf32, #tpu.memory_space<vmem>>, vector<1x448x128xf32>
    %get3A_15 = vector.shape_cast %get3A_14 : vector<1x448x128xf32> to vector<448x128xf32>
    %get3A_16 = arith.constant 1 : index
    %get3A_17 = arith.constant 0 : index
    %get3A_18 = vector.load %arg2[%get3A_16, %get3A_17] : memref<2x128xf32, #tpu.memory_space<vmem>>, vector<1x128xf32>
    %get3A_19 = vector.shape_cast %get3A_18 : vector<1x128xf32> to vector<128xf32>
    %broadcast_in_dim3A_20 = vector.shape_cast %get3A_19 : vector<128xf32> to vector<1x128xf32>
    %add3A_21 = vector.broadcast %broadcast_in_dim3A_20 : vector<1x128xf32> to vector<448x128xf32>
    %add3A_22 = arith.addf %get3A_15, %add3A_21 : vector<448x128xf32>
    %max3A_23 = arith.constant 0.000000e+00 : f32
    %max3A_24 = vector.broadcast %max3A_23 : f32 to vector<448x128xf32>
    %max3A_25 = arith.maximumf %add3A_22, %max3A_24 : vector<448x128xf32>
    %get3A_26 = arith.constant 0 : index
    %get3A_27 = arith.constant 0 : index
    %get3A_28 = vector.load %arg3[%get3A_26, %get3A_27] : memref<128x128xf32, #tpu.memory_space<vmem>>, vector<128x128xf32>
    %dot_general3A = arith.constant dense<0.000000e+00> : vector<448x128xf32>
    %dot_general3A_29 = tpu.matmul %max3A_10, %get3A_28, %dot_general3A {dimension_numbers = #tpu.dot_dimension_numbers<[1], [0], [0], [1], [0, 0, 1, 1], [], []>, transpose_lhs_hint = false} : vector<448x128xf32>, vector<128x128xf32>, vector<448x128xf32> -> vector<448x128xf32>
    %get3A_30 = arith.constant 0 : index
    %get3A_31 = arith.constant 0 : index
    %get3A_32 = vector.load %arg4[%get3A_30, %get3A_31] : memref<128x128xf32, #tpu.memory_space<vmem>>, vector<128x128xf32>
    %dot_general3A_33 = arith.constant dense<0.000000e+00> : vector<448x128xf32>
    %dot_general3A_34 = tpu.matmul %max3A_25, %get3A_32, %dot_general3A_33 {dimension_numbers = #tpu.dot_dimension_numbers<[1], [0], [0], [1], [0, 0, 1, 1], [], []>, transpose_lhs_hint = false} : vector<448x128xf32>, vector<128x128xf32>, vector<448x128xf32> -> vector<448x128xf32>
    %add3A_35 = arith.addf %dot_general3A_29, %dot_general3A_34 : vector<448x128xf32>
    %swap3A = arith.constant 0 : index
    %swap3A_36 = arith.constant 0 : index
    %swap3A_37 = vector.load %arg5[%swap3A, %swap3A_36] : memref<448x128xf32, #tpu.memory_space<vmem>>, vector<448x128xf32>
    tpu.vector_store %arg5[%swap3A, %swap3A_36], %add3A_35 {strides = array<i32>} : memref<448x128xf32, #tpu.memory_space<vmem>>, vector<448x128xf32>,
    return
  }
  func.func @transform_0(%arg0: i32) -> (i32, i32, i32) {
    %c0_i32 = arith.constant 0 : i32
    %c0_i32_0 = arith.constant 0 : i32
    %c0_i32_1 = arith.constant 0 : i32
    return %c0_i32, %arg0, %c0_i32_0 : i32, i32, i32
  }
  func.func @transform_1(%arg0: i32) -> (i32, i32) {
    %c0_i32 = arith.constant 0 : i32
    %c0_i32_0 = arith.constant 0 : i32
    %c0_i32_1 = arith.constant 0 : i32
    return %c0_i32, %c0_i32_0 : i32, i32
  }
  func.func @transform_2(%arg0: i32) -> (i32, i32) {
    %c0_i32 = arith.constant 0 : i32
    %c0_i32_0 = arith.constant 0 : i32
    %c0_i32_1 = arith.constant 0 : i32
    return %c0_i32, %c0_i32_0 : i32, i32
  }
  func.func @transform_3(%arg0: i32) -> (i32, i32) {
    %c0_i32 = arith.constant 0 : i32
    %c0_i32_0 = arith.constant 0 : i32
    %c0_i32_1 = arith.constant 0 : i32
    return %c0_i32, %c0_i32_0 : i32, i32
  }
  func.func @transform_4(%arg0: i32) -> (i32, i32) {
    %c0_i32 = arith.constant 0 : i32
    %c0_i32_0 = arith.constant 0 : i32
    return %arg0, %c0_i32 : i32, i32
  }
}

</mosaic_0001>

<sc_bundles>
// kernel: kernel.10.cloned.1.call-start
scs
__scs_entry_jumppad:
0x0: {  	(pc) =	sbr.rel $0x88, $3  }
0x1: {  	(tag) =	ssettag $0x0;
	lr =	simm.s32 $0x1  }
0x2: {  	[smem:$0x3F9B] =	sst lr;
	_ =	strace $0xD0000000  }
0x3: {  	_ = 	snop  }
0x4: {  	_ = 	snop  }
0x5: {  	_ = 	snop  }
0x6: {  	_ = 	snop  }
0x7: {  	_ = 	snop  }
__scs_overlays_trampoline_lowered:
0x8: {  	[smem:$0x3FAA] =	sst s0  }
0x9: {  	[smem:$0x3FAB] =	sst s1  }
0xa: {  	[smem:$0x3FAC] =	sst s2  }
0xb: {  	[smem:$0x3FAD] =	sst s3  }
0xc: {  	[smem:$0x3FAE] =	sst s4  }
0xd: {  	[smem:$0x3FAF] =	sst s5  }
0xe: {  	[smem:$0x3FB0] =	sst s6  }
0xf: {  	[smem:$0x3FB1] =	sst s7  }
0x10: {  	[smem:$0x3FB2] =	sst s8  }
0x11: {  	[smem:$0x3FB3] =	sst s9;
	s0 =	simm.s32 @!p0 $0x0  }
0x12: {  	s1 =	sld [smem:$0x3F99];
	s0 =	simm.s32 @p0 $0x1  }
0x13: {  	[smem:$0x3FB4] =	sst s0;
	s0 =	simm.s32 @!p1 $0x0  }
0x14: {  	s2 =	sld [smem:$0x3F98];
	s0 =	simm.s32 @p1 $0x1  }
0x15: {  	[smem:$0x3FB5] =	sst s0;
	s0 =	simm.s32 @!p2 $0x0  }
0x16: {  	s3 =	sld [smem:$0x3FDB];
	s0 =	simm.s32 @p2 $0x1  }
0x17: {  	s4 =	simm.s32 $0x1BF5;
	[smem:$0x3FB7] =	sst s0  }
0x18: {  	s0 =	sld [smem:$0x3F9A];
	_ =	swait.ge [sflag:s4], $0x0  }
0x19: {  	s7 =	sld [smem:$0x3F9B]  }
0x1a: {  	s8 =	sadd.s32 $0xFFFFE003, lr  }
0x1b: {  	s9 =	sadd.s32 $0xFFFFFEF7, lr;
	s5 =	simm.s32 $0xFFFFFFFF;
	p2 =	slt.u32 s8, $0xFFFFF086  }
0x1c: {  	p1 =	slt.u32 s9, $0xF7A;
	s5 =	simm.s32 @!p2 $0x0  }
0x1d: {  	s5 =	simm.s32 @p1 $0x1;
	p0 =	seq.s32 s7, s2  }
0x1e: {  	s7 =	smul.u32 @!p0 $0xF7A, s2;
	p2 =	seq.s32 @!p0 s5, $0x0  }
0x1f: {  	s9 =	smul.u32 $0xF7A, s1;
	s8 =	simm.s32 @!p0 $0x1BF5;
	p2 =	por !p2, p0  }
0x20: {  	[sflag:s8] =	ssyncset.s32 @!p0 $0xFFFFF086;
	s6 =	sadd.s32 @!p0 s3, s7;
	s7 =	simm.s32 @!p0 $0x108  }
0x21: {  	s3 =	sadd.s32 s3, s9;
	s6 =	sadd.s32 @!p0 $0x88, s6;
	s7 =	simm.s32 @p2 $0x1082  }
0x22: {  	[simem:s7], [sflag:s8] =	dma.local @!p0 [hbm:s6], $0xF7A  }
0x23: {  	s9 =	sor.u32 $0xD0000000, s2;
	s6 =	simm.s32 $0x108;
	_ =	swait.ge @!p0 [sflag:s8], $0x0  }
0x24: {  	s3 =	sadd.s32 $0x88, s3;
	s6 =	simm.s32 @!p1 $0x1082;
	[sflag:s4] =	ssyncset.s32 $0xFFFFF086  }
0x25: {  	[simem:s6], [sflag:s4] =	dma.local [hbm:s3], $0xF7A  }
0x26: {  	[smem:$0x3F9B] =	sst s1;
	(tag) =	ssettag s2;
	_ =	strace s9  }
0x27: {  	s1 =	sld [smem:$0x3FAB]  }
0x28: {  	s2 =	sld [smem:$0x3FAC]  }
0x29: {  	s4 =	sld [smem:$0x3FAE]  }
0x2a: {  	p0 =	seq.s32 s5, $0x0;
	s5 =	sld [smem:$0x3FAF]  }
0x2b: {  	s6 =	sld [smem:$0x3FB0]  }
0x2c: {  	s7 =	sld [smem:$0x3FB1]  }
0x2d: {  	s3 =	simm.s32 $0x108;
	s8 =	sld [smem:$0x3FB2]  }
0x2e: {  	s3 =	simm.s32 @!p0 $0x1082;
	s9 =	sld [smem:$0x3FB3]  }
0x2f: {  	lr =	sadd.s32 s0, s3;
	s0 =	sld [smem:$0x3FAA]  }
0x30: {  	s3 =	sld [smem:$0x3FAD]  }
0x31: {  	[smem:$0x3FB6] =	sst s10  }
0x32: {  	s10 =	sld [smem:$0x3FB4];
	_ =	sdelay $0x3  }
0x33: {  	p0 =	seq.s32 s10, $0x1;
	s10 =	sld [smem:$0x3FB6];
	_ =	sdelay $0x3  }
0x34: {  	[smem:$0x3FB6] =	sst s10  }
0x35: {  	s10 =	sld [smem:$0x3FB5];
	_ =	sdelay $0x3  }
0x36: {  	p1 =	seq.s32 s10, $0x1;
	s10 =	sld [smem:$0x3FB6];
	_ =	sdelay $0x3  }
0x37: {  	[smem:$0x3FB6] =	sst s10  }
0x38: {  	s10 =	sld [smem:$0x3FB7]  }
0x39: {  	_ = 	snop;
	(pc) =	sbr.ind lr, $3  }
0x3a: {  	_ = 	snop  }
0x3b: {  	_ = 	snop  }
0x3c: {  	p2 =	seq.s32 s10, $0x1;
	s10 =	sld [smem:$0x3FB6]  }
0x3d: {  	_ =	shalt  }
0x3e: {  	_ =	shalt  }
0x3f: {  	_ =	shalt  }
0x40: {  	_ =	shalt  }
0x41: {  	_ =	shalt  }
0x42: {  	_ =	shalt  }
0x43: {  	_ =	shalt  }
0x44: {  	_ =	shalt  }
0x45: {  	_ =	shalt  }
0x46: {  	_ =	shalt  }
0x47: {  	_ =	shalt  }
0x48: {  	_ =	shalt  }
0x49: {  	_ =	shalt  }
0x4a: {  	_ =	shalt  }
0x4b: {  	_ =	shalt  }
0x4c: {  	_ =	shalt  }
0x4d: {  	_ =	shalt  }
0x4e: {  	_ =	shalt  }
0x4f: {  	_ =	shalt  }
0x50: {  	_ =	shalt  }
0x51: {  	_ =	shalt  }
0x52: {  	_ =	shalt  }
0x53: {  	_ =	shalt  }
0x54: {  	_ =	shalt  }
0x55: {  	_ =	shalt  }
0x56: {  	_ =	shalt  }
0x57: {  	_ =	shalt  }
0x58: {  	_ =	shalt  }
0x59: {  	_ =	shalt  }
0x5a: {  	_ =	shalt  }
0x5b: {  	_ =	shalt  }
0x5c: {  	_ =	shalt  }
0x5d: {  	_ =	shalt  }
0x5e: {  	_ =	shalt  }
0x5f: {  	_ =	shalt  }
0x60: {  	_ =	shalt  }
0x61: {  	_ =	shalt  }
0x62: {  	_ =	shalt  }
0x63: {  	_ =	shalt  }
0x64: {  	_ =	shalt  }
0x65: {  	_ =	shalt  }
0x66: {  	_ =	shalt  }
0x67: {  	_ =	shalt  }
0x68: {  	_ =	shalt  }
0x69: {  	_ =	shalt  }
0x6a: {  	_ =	shalt  }
0x6b: {  	_ =	shalt  }
0x6c: {  	_ =	shalt  }
0x6d: {  	_ =	shalt  }
0x6e: {  	_ =	shalt  }
0x6f: {  	_ =	shalt  }
0x70: {  	_ =	shalt  }
0x71: {  	_ =	shalt  }
0x72: {  	_ =	shalt  }
0x73: {  	_ =	shalt  }
0x74: {  	_ =	shalt  }
0x75: {  	_ =	shalt  }
0x76: {  	_ =	shalt  }
0x77: {  	_ =	shalt  }
0x78: {  	_ =	shalt  }
0x79: {  	_ =	shalt  }
0x7a: {  	_ =	shalt  }
0x7b: {  	_ =	shalt  }
0x7c: {  	_ =	shalt  }
0x7d: {  	_ =	shalt  }
0x7e: {  	_ =	shalt  }
0x7f: {  	_ =	shalt  }
0x80: {  	_ =	shalt  }
0x81: {  	_ =	shalt  }
0x82: {  	_ =	shalt  }
0x83: {  	_ =	shalt  }
0x84: {  	_ =	shalt  }
0x85: {  	_ =	shalt  }
0x86: {  	_ =	shalt  }
0x87: {  	_ =	shalt  }
.Lfunc_end0:
.L_simem_size_0:
called_computation.1_lowered:
.L_overlay_start_0:
0x88: {  	s2 =	sld [smem:$0x3FD9]  }
0x89: {  	s3 =	sld [smem:$0x3FFE];
	_ =	sdelay $0x1  }
0x8a: {  	s1 =	srdreg.scid  }
0x8b: {  	s0 =	sand.u32 $0x1, s1  }
0x8c: {  	s17 =	sshll.u32 s0, $0xA;
	s2 =	sadd.s32 s3, s2  }
0x8d: {  	s2 =	sadd.s32 s2, s17  }
0x8e: {  	[smem:$0x3FC2] =	sst s2  }
0x8f: {  	_ = 	snop  }
0x90: {  	s2 =	sld [smem:$0x3FD0];
	(tm) =	ssettm $0x1  }
0x91: {  	s18 =	sld [smem:$0x3FFB];
	_ =	sdelay $0x3  }
0x92: {  	_ =	strace s18  }
0x93: {  	s3 =	sld [smem:$0x3FFC];
	_ =	sdelay $0x3  }
0x94: {  	_ =	strace s3  }
0x95: {  	s3 =	sld [smem:$0x3FFD];
	_ =	sdelay $0x3  }
0x96: {  	_ =	strace s3  }
0x97: {  	_ =	strace $0x8FFFFFFF  }
0x98: {  	s19 =	sld [smem:$0x3FDB];
	_ =	sdelay $0x1  }
0x99: {  	s4 =	simm.s32 $_scs_section_size  }
0x9a: {  	s5 =	simm.s32 $_size__tile_overlayer_lowered;
	s6 =	simm.s32 $_tile_overlayer_lowered  }
0x9b: {  	s22 =	simm.s32 $0x1BFF;
	s21 =	sshll.u32 s6, $0x1;
	s3 =	sadd.s32 s4, s19  }
0x9c: {  	s7 =	simm.s32 $0x0;
	s20 =	sshll.u32 s5, $0x1;
	s5 =	sadd.s32 s21, s3  }
0x9d: {  	[timem:s7], [sflag:s22] =	dma.local [hbm:s5], s20  }
0x9e: {  	_ =	swait.ge [sflag:s22], s20  }
0x9f: {  	s4 =	ssub.s32 $0x0, s20;
	[sflag:s22] =	ssyncset.done $0x0  }
0xa0: {  	[sflag:s22] =	ssyncadd.s32 s4;
	_ =	sdelay $0x1  }
0xa1: {  	s23 =	simm.s32 $0x1B8B  }
0xa2: {  	_ =	swait.ge [sflag:s23], $0x1  }
0xa3: {  	[sflag:s23] =	ssyncset.done $0x0  }
0xa4: {  	s25 =	simm.s32 $0x1B8E;
	s24 =	sld [smem:$0x3FFE];
	[sflag:s23] =	ssyncadd.s32 $0xFFFFFFFF  }
0xa5: {  	s26 =	simm.s32 $execute0_lowered;
	[smem:$0x3FD2] =	sst s25  }
0xa6: {  	s5 =	sshll.u32 s26, $0x1;
	_ =	strace $0x80000049;
	[dreg:$0x1] =	wrdreg $0xFFFFFFFF  }
0xa7: {  	s28 =	simm.s32 $_size_execute0_lowered;
	s3 =	sadd.s32 s3, s5;
	[dreg:$0x0] =	wrdreg $0x0  }
0xa8: {  	s5 =	sshll.u32 s28, $0x1;
	[dreg:$0x2] =	wrdreg s3  }
0xa9: {  	[dreg:$0x3] =	wrdreg s5  }
0xaa: {  	[dreg:$0x4] =	wrdreg $0xC0  }
0xab: {  	_ =	task [dreg:s7], $0x5FFFF  }
0xac: {  	[dreg:$0x1] =	wrdreg $0xFFFFFFFF  }
0xad: {  	[dreg:$0x0] =	wrdreg $0x60  }
0xae: {  	[dreg:$0x2] =	wrdreg s24  }
0xaf: {  	[dreg:$0x3] =	wrdreg s2  }
0xb0: {  	[dreg:$0x4] =	wrdreg $0x102000  }
0xb1: {  	[dreg:$0x5] =	wrdreg $0x9  }
0xb2: {  	_ =	task.clear_ibuf [dreg:s7], $0x6FFFF;
	_ =	strace $0x90000049  }
0xb3: {  	s29 =	simm.s32 $0x9;
	_ =	strace $0x8000004B  }
0xb4: {  	_ =	swait.ge [sflag:s29], $0x1  }
0xb5: {  	[sflag:s29] =	ssyncadd.s32 $0xFFFFFFFF  }
0xb6: {  	_ =	strace $0x9000004B  }
0xb7: {  	_ =	sfence  }
0xb8: {  	s30 =	sld [smem:$0x0];
	_ =	sdelay $0x2  }
0xb9: {  	s31 =	sshll.u32 s1, $0xD;
	s1 =	sshrl.u32 s1, $0x2  }
0xba: {  	s3 =	sand.u32 $0x4000, s31;
	s1 =	sadd.s32 s1, s30  }
0xbb: {  	s0 =	sor.u32 s3, s0;
	s1 =	sshll.u32 s1, $0x11  }
0xbc: {  	s0 =	sor.u32 s1, s0  }
0xbd: {  	s0 =	sadd.s32 $0x8F2B, s0  }
0xbe: {  	[sflag:s0] =	ssyncadd.remote.s32 $0x1  }
0xbf: {  	_ =	sfence.sel $0xFFFF  }
0xc0: {  	[dreg:$0x0] =	wrdreg $0xFFFFFFFF;
	(pc) =	sbr.abs _section_cstart, $3  }
0xc1: {  	[dreg:$0x1] =	wrdreg $0xFFFFFFFF  }
0xc2: {  	_ =	task.clear_ibuf [dreg:s7], $0x2FFFF;
	_ =	strace $0x9FFFFFFF  }
0xc3: {  	(tm) =	ssettm $0x7FFFFFFF  }
tec
execute0_lowered:
.L_overlay_start_1:
0x0: {  	(tag) =	ssettag $0x1  }
0x1: {  	s0 =	rddreg [dreg:$0x0]  }
0x2: {  	s2 =	rddreg [dreg:$0x1]  }
0x3: {  	s1 =	rddreg [dreg:$0x2];
	s3 =	simm.s32 $0x0  }
0x4: {  	s6 =	stileid.u32;
	s8 =	srdreg.scid;
	s28 =	simm.s32 $0x800  }
0x5: {  	s29 =	simm.s32 $0x8200;
	s30 =	simm.s32 $0x7200;
	s31 =	simm.s32 $0x7A00  }
0x6: {  	[smem:$0x7FF] =	sst s3;
	s4 =	sadd.s32 $0x6AC00, s0;
	s5 =	smul.u32 $0x1880, s6  }
0x7: {  	s7 =	sadd.s32 $0x2800, s0;
	s18 =	sadd.s32 $0x12EC00, s0;
	s11 =	smul.u32 $0x31000, s6  }
0x8: {  	s9 =	sand.u32 $0x1, s8;
	s25 =	smul.u32 $0x62, s6;
	s8 =	sadd.s32 $0x178400, s0  }
0x9: {  	s22 =	smul.u32 $0x6200, s6;
	_ =	strace $0x8000004A;
	s10 =	ssub.s32 $0x2, s9  }
0xa: {  	s12 =	smul.u32 $0x310000, s9;
	s24 =	sshrl.u32 s5, $0x3;
	s13 =	sshrl.u32 s10, $0x1  }
0xb: {  	[dreg:$0x4] =	wrdreg s18;
	s14 =	sadd.s32 s2, s24;
	s26 =	ssub.s32 s10, s13  }
0xc: {  	s10 =	smul.u32 $0x18800, s9;
	s16 =	sadd.s32 s11, s12;
	s2 =	sadd.s32 $0x61, s25  }
0xd: {  	s11 =	sshrl.u32 s11, $0x3;
	[dreg:$0x5] =	wrdreg s14;
	s15 =	sadd.s32 $0x3100, s14  }
0xe: {  	s17 =	sshrl.u32 s16, $0x3;
	s19 =	sshll.u32 s2, $0xB;
	s11 =	sadd.s32 s7, s11  }
0xf: {  	s0 =	smax.u32 s26, $0x1;
	s2 =	sshll.u32 s2, $0x8;
	[dreg:$0x6] =	wrdreg s15  }
0x10: {  	s23 =	sor.u32 $0x800, s16;
	s26 =	sadd.s32 $0x1000, s16;
	[dreg:$0x8] =	wrdreg s11  }
0x11: {  	s13 =	sadd.s32 s4, s17;
	s20 =	sadd.s32 s12, s19;
	[dreg:$0x9] =	wrdreg s0  }
0x12: {  	s24 =	sadd.s32 s7, s2;
	s25 =	sshrl.u32 s23, $0x3;
	s17 =	sadd.s32 s22, s7  }
0x13: {  	[dreg:$0xc] =	wrdreg s26;
	s22 =	simm.s32 $0x4980;
	s23 =	simm.s32 $0x3100  }
0x14: {  	s26 =	simm.s32 $0x3;
	s2 =	simm.s32 $0xC200;
	s7 =	simm.s32 $0x0  }
0x15: {  	[dreg:$0x7] =	wrdreg s13;
	s13 =	sadd.s32 s8, s10;
	s21 =	sshrl.u32 s20, $0x3  }
0x16: {  	v2 =	vlaneseq.u32;
	[dreg:$0xb] =	wrdreg s24;
	s19 =	sadd.s32 s25, s4;
	s20 =	simm.s32 $0x4  }
0x17: {  	v0 =	vshrl.u32 v2, $0x3;
	s24 =	simm.s32 $0x6200;
	s25 =	simm.s32 $0x6A00;
	s0 =	sadd.s32 s4, s21  }
0x18: {  	v2 =	vand.u32 $0x7, v2;
	v1 =	vmul.u32 $0x8, v0;
	s21 =	simm.s32 $0x2;
	[dreg:$0xa] =	wrdreg s0;
	s0 =	simm.s32 $0x1  }
.LBB2_1:
0x19: {  	[dreg:$0xd] =	wrdreg s7  }
0x1a: {  	s6 =	rddreg [dreg:$0x5]  }
0x1b: {  	[tilespmem:s3], [sflag:$0x4] =	stream.linear.gather [hbm4b:s6+s3], $0x1880, $0x38;
	[tilespmem:$0x1C600] =	vst v63  }
0x1c: {  	_ =	swait.ge [sflag:s20], $0x1880  }
0x1d: {  	[sflag:s20] =	ssyncset.done $0x0  }
0x1e: {  	s18 =	simm.s32 $0x1880;
	s16 =	rddreg [dreg:$0x6];
	[sflag:s20] =	ssyncadd.s32 $0xFFFFE780  }
0x1f: {  	[tilespmem:s18], [sflag:$0x4] =	stream.linear.gather [hbm4b:s16+s3], $0x1880, $0x38;
	[tilespmem:$0x1C600] =	vst v63  }
0x20: {  	_ =	swait.ge [sflag:s20], $0x1880  }
0x21: {  	[sflag:s20] =	ssyncset.done $0x0  }
0x22: {  	s12 =	simm.s32 $0x0;
	[sflag:s20] =	ssyncadd.s32 $0xFFFFE780  }
0x23: {  	v3 =	vld [tilespmem:s12+$0x1880]  }
0x24: {  	v4 =	vld [tilespmem:s12+$0x0];
	_ =	sdelay $0x2  }
0x25: {  	s11 =	simm.s32 $0x10  }
0x26: {  	v5 =	vld [tilespmem:s11+$0x1880]  }
0x27: {  	v3 =	vadd.f32 v3, v4;
	v4 =	vld [tilespmem:s11+$0x0];
	_ =	sdelay $0x1  }
0x28: {  	v3 =	vadd.f32 $1.000000000e+00, v3;
	_ =	sdelay $0x1  }
0x29: {  	s14 =	simm.s32 $0x20;
	v6 =	vshra.s32 v3, $0x1;
	v7 =	vmul.f32 $5.000000000e-01, v3  }
0x2a: {  	v8 =	vld [tilespmem:s14+$0x0];
	v3 =	vsub.s32 $0x5F3759DF, v6;
	v4 =	vadd.f32 v5, v4  }
0x2b: {  	v6 =	vld [tilespmem:s14+$0x1880];
	v5 =	vmul.f32 v3, v7  }
0x2c: {  	v4 =	vadd.f32 $1.000000000e+00, v4  }
0x2d: {  	v5 =	vmul.f32 v3, v5  }
0x2e: {  	s7 =	simm.s32 $0x30;
	v9 =	vshra.s32 v4, $0x1;
	v11 =	vmul.f32 $5.000000000e-01, v4  }
0x2f: {  	v10 =	vld [tilespmem:s7+$0x0];
	v4 =	vsub.f32 $1.500000000e+00, v5;
	v5 =	vsub.s32 $0x5F3759DF, v9  }
0x30: {  	v9 =	vld [tilespmem:s7+$0x1880];
	v6 =	vadd.f32 v6, v8;
	v8 =	vmul.f32 v5, v11  }
0x31: {  	s15 =	simm.s32 $0x40;
	v4 =	vmul.f32 v3, v4  }
0x32: {  	v13 =	vld [tilespmem:s15+$0x1880];
	v3 =	vadd.f32 $1.000000000e+00, v6;
	v6 =	vmul.f32 v5, v8  }
0x33: {  	v14 =	vld [tilespmem:s15+$0x0];
	v8 =	vmul.f32 v4, v7  }
0x34: {  	v12 =	vshra.s32 v3, $0x1;
	v3 =	vmul.f32 $5.000000000e-01, v3;
	v6 =	vsub.f32 $1.500000000e+00, v6  }
0x35: {  	v12 =	vsub.s32 $0x5F3759DF, v12;
	v9 =	vadd.f32 v9, v10;
	v8 =	vmul.f32 v8, v4  }
0x36: {  	v10 =	vmul.f32 v12, v3;
	v5 =	vmul.f32 v5, v6  }
0x37: {  	v6 =	vsub.f32 $1.500000000e+00, v8;
	v8 =	vadd.f32 $1.000000000e+00, v9  }
0x38: {  	v13 =	vadd.f32 v13, v14;
	v9 =	vmul.f32 v12, v10;
	v10 =	vmul.f32 v5, v11  }
0x39: {  	v6 =	vmul.f32 v6, v4;
	v15 =	vshra.s32 v8, $0x1;
	v4 =	vmul.f32 $5.000000000e-01, v8  }
0x3a: {  	s16 =	simm.s32 $0x50;
	v9 =	vsub.f32 $1.500000000e+00, v9;
	v8 =	vsub.s32 $0x5F3759DF, v15;
	v10 =	vmul.f32 v10, v5  }
0x3b: {  	v16 =	vld [tilespmem:s16+$0x0];
	v15 =	vmul.f32 v6, v7;
	v14 =	vmul.f32 v8, v4  }
0x3c: {  	v13 =	vadd.f32 $1.000000000e+00, v13;
	v7 =	vmul.f32 v12, v9;
	v12 =	vld [tilespmem:s16+$0x1880];
	v9 =	vsub.f32 $1.500000000e+00, v10  }
0x3d: {  	v10 =	vmul.f32 v15, v6;
	v14 =	vmul.f32 v8, v14  }
0x3e: {  	v18 =	vshra.s32 v13, $0x1;
	v17 =	vmul.f32 v7, v3;
	v5 =	vmul.f32 v9, v5  }
0x3f: {  	v9 =	vmul.f32 $5.000000000e-01, v13;
	v10 =	vsub.f32 $1.500000000e+00, v10;
	v15 =	vsub.f32 $1.500000000e+00, v14  }
0x40: {  	s9 =	simm.s32 $0x1C0;
	s18 =	simm.s32 $0x60;
	v14 =	vsub.s32 $0x5F3759DF, v18;
	v13 =	vmul.f32 v17, v7;
	v11 =	vmul.f32 v5, v11  }
.LBB2_2:
0x41: {  	s6 =	sshra.s32 s9, $0x2;
	p0 =	sne.s32 s9, $0x61C0;
	s9 =	sadd.s32 $0x40, s9;
	v17 =	vadd.f32 v12, v16;
	v12 =	vld [tilespmem:s18+$0x1880];
	v18 =	vmul.f32 v14, v9;
	v15 =	vmul.f32 v8, v15;
	v19 =	vmovc v9  }
.Ltmp0:
0x42: {  	v8 =	vmovc v14;
	v16 =	vld [tilespmem:s18+$0x0];
	v9 =	vsub.f32 $1.500000000e+00, v13;
	v11 =	vmul.f32 v11, v5;
	v13 =	vmul.f32 v10, v6;
	v6 =	vmovc v5;
	(pc) =	sbr.rel @p0 .LBB2_2-.Ltmp0, $4  }
0x43: {  	v14 =	vadd.f32 $1.000000000e+00, v17;
	v17 =	vmul.f32 v8, v18;
	v18 =	vmul.f32 v15, v4  }
0x44: {  	v5 =	vmul.f32 v9, v7;
	v10 =	vsub.f32 $1.500000000e+00, v11;
	[tilespmem:s12+$0x3100] =	vst v13;
	v7 =	vmov v15;
	s12 =	smov.u32 s11;
	s11 =	smov.u32 s14;
	s14 =	smov.u32 s7  }
0x45: {  	s7 =	smov.u32 s15;
	s15 =	smov.u32 s16;
	s16 =	smov.u32 s18;
	v11 =	vshra.s32 v14, $0x1;
	v9 =	vmul.f32 $5.000000000e-01, v14;
	v15 =	vsub.f32 $1.500000000e+00, v17  }
0x46: {  	s18 =	smov.u32 s6;
	v13 =	vmul.f32 v18, v7;
	v14 =	vsub.s32 $0x5F3759DF, v11;
	v11 =	vmul.f32 v5, v3;
	v3 =	vmovc v4;
	v4 =	vmovc v19  }
0x47: {  	v17 =	vld [tilespmem:s18+$0x1880]  }
0x48: {  	v18 =	vld [tilespmem:s18+$0x0];
	_ =	sdelay $0x3  }
0x49: {  	v12 =	vadd.f32 v12, v16  }
0x4a: {  	v43 =	vadd.f32 v17, v18  }
0x4b: {  	v12 =	vadd.f32 $1.000000000e+00, v12  }
0x4c: {  	v16 =	vadd.f32 $1.000000000e+00, v43  }
0x4d: {  	v44 =	vmul.f32 v14, v9;
	v45 =	vshra.s32 v12, $0x1;
	v12 =	vmul.f32 $5.000000000e-01, v12  }
0x4e: {  	v18 =	vsub.s32 $0x5F3759DF, v45;
	v19 =	vshra.s32 v16, $0x1;
	v16 =	vmul.f32 $5.000000000e-01, v16  }
0x4f: {  	v20 =	vmul.f32 v18, v12;
	v19 =	vsub.s32 $0x5F3759DF, v19  }
0x50: {  	v17 =	vmul.f32 v14, v44;
	v21 =	vmul.f32 v19, v16  }
0x51: {  	v20 =	vmul.f32 v18, v20  }
0x52: {  	v8 =	vmul.f32 v8, v15;
	v17 =	vsub.f32 $1.500000000e+00, v17;
	v46 =	vmul.f32 v19, v21  }
0x53: {  	v6 =	vmul.f32 v10, v6;
	v13 =	vsub.f32 $1.500000000e+00, v13;
	v48 =	vsub.f32 $1.500000000e+00, v20  }
0x54: {  	v49 =	vmul.f32 v8, v4;
	v47 =	vmul.f32 v14, v17;
	v15 =	vsub.f32 $1.500000000e+00, v46  }
0x55: {  	v7 =	vmul.f32 v13, v7;
	v17 =	vmul.f32 v18, v48  }
0x56: {  	v50 =	vmul.f32 v47, v9;
	v15 =	vmul.f32 v19, v15  }
0x57: {  	v10 =	vmul.f32 v49, v8;
	v51 =	vmul.f32 v17, v12  }
0x58: {  	v18 =	vmul.f32 v50, v47;
	v52 =	vmul.f32 v15, v16  }
0x59: {  	v10 =	vsub.f32 $1.500000000e+00, v10;
	v19 =	vmul.f32 v51, v17  }
0x5a: {  	v3 =	vmul.f32 v7, v3;
	v18 =	vsub.f32 $1.500000000e+00, v18;
	v13 =	vmul.f32 v52, v15  }
0x5b: {  	v11 =	vmul.f32 v11, v5;
	v8 =	vmul.f32 v10, v8;
	v54 =	vsub.f32 $1.500000000e+00, v19  }
0x5c: {  	v3 =	vmul.f32 v3, v7;
	v53 =	vmul.f32 v18, v47;
	v13 =	vsub.f32 $1.500000000e+00, v13  }
0x5d: {  	v55 =	vmul.f32 v8, v4;
	v14 =	vmul.f32 v54, v17  }
0x5e: {  	v56 =	vmul.f32 v53, v9;
	v13 =	vmul.f32 v13, v15  }
0x5f: {  	v11 =	vsub.f32 $1.500000000e+00, v11;
	v4 =	vmul.f32 v55, v8;
	v12 =	vmul.f32 v14, v12  }
0x60: {  	v3 =	vsub.f32 $1.500000000e+00, v3;
	v9 =	vmul.f32 v56, v53;
	v15 =	vmul.f32 v13, v16  }
0x61: {  	v57 =	vmul.f32 v11, v5;
	v4 =	vsub.f32 $1.500000000e+00, v4;
	v58 =	vmul.f32 v12, v14  }
0x62: {  	[tilespmem:s12+$0x3100] =	vst v6;
	v3 =	vmul.f32 v3, v7;
	v59 =	vsub.f32 $1.500000000e+00, v9;
	v60 =	vmul.f32 v15, v13  }
0x63: {  	[tilespmem:s11+$0x3100] =	vst v57;
	v4 =	vmul.f32 v4, v8;
	v61 =	vsub.f32 $1.500000000e+00, v58  }
0x64: {  	[tilespmem:s14+$0x3100] =	vst v3;
	v3 =	vmul.f32 v59, v53;
	v62 =	vsub.f32 $1.500000000e+00, v60  }
0x65: {  	[tilespmem:s7+$0x3100] =	vst v4;
	v63 =	vmul.f32 v61, v14  }
0x66: {  	[tilespmem:s15+$0x3100] =	vst v3;
	v3 =	vmul.f32 v62, v13  }
0x67: {  	s12 =	simm.s32 $0x0;
	[tilespmem:s16+$0x3100] =	vst v63  }
0x68: {  	s11 =	simm.s32 $0x0;
	s7 =	simm.s32 $0x0;
	[tilespmem:s18+$0x3100] =	vst v3;
	s18 =	rddreg [dreg:$0x4]  }
.LBB2_4:
0x69: {  	s6 =	smul.u32 $0x310, s12;
	_ =	sdelay $0x1  }
0x6a: {  	s14 =	sadd.s32 s5, s6  }
0x6b: {  	p1 =	por $0x1, $0x1;
	s15 =	sadd.s32 s10, s14  }
.Ltmp1:
0x6c: {  	s16 =	sadd.s32 s18, s15;
	(pc) =	sbr.rel @!p1 .LBB2_5-.Ltmp1, $4  }
0x6d: {  	[tilespmem:s22], [sflag:$0x4] =	stream.linear.gather [hbm4b:s16+s7], $0x1880, $0x38;
	[tilespmem:$0x1C600] =	vst v63  }
0x6e: {  	_ =	swait.ge [sflag:s20], $0x1880  }
0x6f: {  	[sflag:s20] =	ssyncset.done $0x0  }
0x70: {  	v6 =	vmov s7;
	p0 =	por $0x0, $0x0;
	s16 =	simm.s32 $0x2;
	[sflag:s20] =	ssyncadd.s32 $0xFFFFE780  }
0x71: {  	v3 =	vshll.u32 v6, $0x3;
	s6 =	sadd.s32 $0x0, s11  }
0x72: {  	v3 =	vor.u32 v1, v3;
	v4 =	vor.u32 s6, v0  }
0x73: {  	v3 =	vor.u32 v2, v3  }
0x74: {  	p1 =	por $0x1, $0x1  }
.Ltmp2:
0x75: {  	_ = 	snop;
	(pc) =	sbr.rel @!p1 .LBB2_8-.Ltmp2, $4  }
0x76: {  	_ = 	snop  }
0x77: {  	v4 =	vld.idx.msk [tilespmem:v4+s23+$0x0], $0xffff  }
0x78: {  	v5 =	vld.idx.msk [tilespmem:v3+s22+$0x0], $0xffff  }
0x79: {  	v6 =	vmov s16;
	s9 =	simm.s32 $0x4;
	p0 =	por $0x1, $0x1  }
.LBB2_7:
0x7a: {  	p1 =	sne.s32 s9, $0x30E;
	v6 =	vshll.u32 v6, $0x3;
	s6 =	sadd.s32 s16, s11;
	s16 =	smov.u32 s9  }
0x7b: {  	v6 =	vor.u32 v1, v6;
	v7 =	vor.u32 s6, v0  }
0x7c: {  	v6 =	vor.u32 v2, v6  }
0x7d: {  	v4 =	vmul.f32 v4, v5;
	_ =	sdelay $0x1  }
.Ltmp3:
0x7e: {  	[tilespmem:v3+s22+$0x0] =	vst.idx.msk $0xffff, v4;
	v3 =	vmov v6;
	(pc) =	sbr.rel @p1 .LBB2_7-.Ltmp3, $3  }
0x7f: {  	v4 =	vld.idx.msk [tilespmem:v7+s23+$0x0], $0xffff  }
0x80: {  	v5 =	vld.idx.msk [tilespmem:v6+s22+$0x0], $0xffff;
	_ =	sdelay $0x1  }
0x81: {  	s9 =	sadd.s32 $0x2, s9;
	v6 =	vmov s16  }
.LBB2_8:
0x82: {  	v6 =	vshll.u32 v6, $0x3;
	s6 =	sadd.s32 s16, s11  }
0x83: {  	v6 =	vor.u32 v1, v6;
	v7 =	vor.u32 s6, v0  }
0x84: {  	v6 =	vor.u32 v2, v6  }
0x85: {  	v4 =	vmul.f32 @p0 v4, v5;
	_ =	sdelay $0x1  }
0x86: {  	[tilespmem:v3+s22+$0x0] =	vst.idx.msk @p0 $0xffff, v4  }
0x87: {  	v3 =	vld.idx.msk [tilespmem:v7+s23+$0x0], $0xffff  }
0x88: {  	v4 =	vld.idx.msk [tilespmem:v6+s22+$0x0], $0xffff;
	_ =	sdelay $0x4  }
0x89: {  	v3 =	vmul.f32 v3, v4;
	_ =	sdelay $0x1  }
0x8a: {  	s15 =	sadd.s32 s8, s15;
	[tilespmem:v6+s22+$0x0] =	vst.idx.msk $0xffff, v3  }
0x8b: {  	[hbm4b:s15+s3] =	stream.linear.scatter [tilespmem:s22], [sflag:$0x4], $0x1880, $0x38;
	[tilespmem:$0x1C600] =	vst v63  }
0x8c: {  	s16 =	sshll.u32 s14, $0x3;
	_ =	swait.ge [sflag:s20], $0x1880  }
0x8d: {  	s12 =	sadd.s32 $0x1, s12;
	s6 =	sand.u32 $0x3FFFFFF8, s16;
	[sflag:s20] =	ssyncset.done $0x0  }
0x8e: {  	s6 =	sadd.s32 s6, s1;
	p0 =	sne.s32 s12, $0x8;
	[sflag:s20] =	ssyncadd.s32 $0xFFFFE780  }
0x8f: {  	[spmem:s6] =	stream.linear.scatter [tilespmem:s22], [sflag:$0x4], $0x1880, $0x38;
	[tilespmem:$0x1C600] =	vst v63  }
.Ltmp4:
0x90: {  	_ = 	snop;
	(pc) =	sbr.rel @p0 .LBB2_4-.Ltmp4, $4  }
.Ltmp5:
0x91: {  	_ = 	snop;
	(pc) =	sbr.rel @!p0 .LBB2_9-.Ltmp5, $4  }
0x92: {  	_ =	swait.ge [sflag:s20], $0x1880  }
0x93: {  	[sflag:s20] =	ssyncset.done $0x0  }
0x94: {  	s11 =	sadd.s32 $0x310, s11;
	[sflag:s20] =	ssyncadd.s32 $0xFFFFE780  }
0x95: {  	_ = 	snop  }
.LBB2_5:
.Ltmp6:
0x96: {  	(pc) =	sbr.rel .LBB2_8-.Ltmp6, $2  }
0x97: {  	_ =	sdelay $0x2  }
0x98: {  	s16 =	simm.s32 $0x0  }
.LBB2_9:
0x99: {  	[bflag:$0x0] =	sbarrier.arrive $0xFFFF  }
0x9a: {  	s6 =	simm.s32 $0x0;
	s7 =	rddreg [dreg:$0x7]  }
0x9b: {  	[tilespmem:s24], [sflag:$0x3] =	stream.linear.gather [hbm4b:s7+s6], $0x800, $0x38;
	[tilespmem:$0x1C600] =	vst v63  }
0x9c: {  	s11 =	rddreg [dreg:$0x8]  }
0x9d: {  	[tilespmem:s25], [sflag:$0x3] =	stream.linear.gather [hbm4b:s11+s6], $0x800, $0x38;
	[tilespmem:$0x1C600] =	vst v63  }
0x9e: {  	_ =	swait.ge [sflag:s26], $0x800  }
0x9f: {  	[sflag:s26] =	ssyncset.done $0x0  }
0xa0: {  	[sflag:s26] =	ssyncadd.s32 $0xFFFFF800  }
0xa1: {  	_ =	swait.ge [sflag:s26], $0x800  }
0xa2: {  	[sflag:s26] =	ssyncset.done $0x0  }
0xa3: {  	[sflag:s26] =	ssyncadd.s32 $0xFFFFF800  }
0xa4: {  	[tilespmem:s29], [sflag:$0x1] =	stream.indirect.gather [hbm4b:s8+s28], $0x8, s24, s28, $0xb8;
	[tilespmem:$0x1C600] =	vst v63  }
0xa5: {  	s12 =	sadd.s32 $0x0, s19;
	s14 =	sadd.s32 $0x0, s17  }
0xa6: {  	[tilespmem:s30], [sflag:$0x3] =	stream.linear.gather [hbm4b:s12+s3], $0x800, $0x38;
	[tilespmem:$0x1C600] =	vst v63  }
0xa7: {  	s15 =	sadd.s32 $0x100, s14  }
0xa8: {  	[tilespmem:s31], [sflag:$0x3] =	stream.linear.gather [hbm4b:s15+s3], $0x800, $0x38;
	[tilespmem:$0x1C600] =	vst v63  }
0xa9: {  	_ =	swait.ge [sflag:s0], $0x4000  }
0xaa: {  	[sflag:s0] =	ssyncset.done $0x0  }
0xab: {  	[sflag:s0] =	ssyncadd.s32 $0xFFFFC000  }
0xac: {  	[spmem:s1] =	stream.indirect.scatter.add.f32 [tilespmem:s29], [sflag:$0x2], $0x8, s25, s28, $0xb8;
	[tilespmem:$0x1C600] =	vst v63  }
0xad: {  	_ =	swait.ge [sflag:s26], $0x800  }
0xae: {  	[sflag:s26] =	ssyncset.done $0x0  }
0xaf: {  	[sflag:s26] =	ssyncadd.s32 $0xFFFFF800  }
0xb0: {  	_ =	swait.ge [sflag:s26], $0x800  }
0xb1: {  	[sflag:s26] =	ssyncset.done $0x0  }
0xb2: {  	[sflag:s26] =	ssyncadd.s32 $0xFFFFF800  }
0xb3: {  	[tilespmem:s2], [sflag:$0x1] =	stream.indirect.gather [hbm4b:s8+s28], $0x8, s30, s28, $0xb8;
	[tilespmem:$0x1C600] =	vst v63  }
0xb4: {  	_ =	swait.ge [sflag:s21], $0x4000  }
0xb5: {  	s9 =	rddreg [dreg:$0xc]  }
0xb6: {  	[sflag:s21] =	ssyncset.done $0x0;
	s16 =	sshrl.u32 s9, $0x3  }
0xb7: {  	[sflag:s21] =	ssyncadd.s32 $0xFFFFC000;
	s6 =	sadd.s32 s4, s16  }
0xb8: {  	[tilespmem:s24], [sflag:$0x3] =	stream.linear.gather [hbm4b:s6+s3], $0x800, $0x38;
	[tilespmem:$0x1C600] =	vst v63  }
0xb9: {  	s18 =	sadd.s32 $0x200, s14  }
0xba: {  	[tilespmem:s25], [sflag:$0x3] =	stream.linear.gather [hbm4b:s18+s3], $0x800, $0x38;
	[tilespmem:$0x1C600] =	vst v63  }
0xbb: {  	_ =	swait.ge [sflag:s26], $0x800  }
0xbc: {  	[sflag:s26] =	ssyncset.done $0x0  }
0xbd: {  	[sflag:s26] =	ssyncadd.s32 $0xFFFFF800  }
0xbe: {  	_ =	swait.ge [sflag:s26], $0x800  }
0xbf: {  	[sflag:s26] =	ssyncset.done $0x0  }
0xc0: {  	[sflag:s26] =	ssyncadd.s32 $0xFFFFF800  }
0xc1: {  	[tilespmem:s29], [sflag:$0x1] =	stream.indirect.gather [hbm4b:s8+s28], $0x8, s24, s28, $0xb8;
	[tilespmem:$0x1C600] =	vst v63  }
0xc2: {  	_ =	swait.ge [sflag:s0], $0x4000  }
0xc3: {  	[sflag:s0] =	ssyncset.done $0x0  }
0xc4: {  	[sflag:s0] =	ssyncadd.s32 $0xFFFFC000  }
0xc5: {  	[spmem:s1] =	stream.indirect.scatter.add.f32 [tilespmem:s2], [sflag:$0x2], $0x8, s31, s28, $0xb8;
	[tilespmem:$0x1C600] =	vst v63  }
0xc6: {  	s11 =	simm.s32 $0x200;
	_ =	swait.ge [sflag:s21], $0x4000  }
0xc7: {  	s12 =	simm.s32 $0x400;
	s7 =	sadd.s32 $0x1000, s9;
	[sflag:s21] =	ssyncset.done $0x0  }
.LBB2_10:
0xc8: {  	s6 =	sadd.s32 s11, s19  }
0xc9: {  	s9 =	sadd.s32 s11, s17;
	[sflag:s21] =	ssyncadd.s32 $0xFFFFC000;
	s11 =	smov.u32 s12  }
0xca: {  	[tilespmem:s30], [sflag:$0x3] =	stream.linear.gather [hbm4b:s6+s3], $0x800, $0x38;
	[tilespmem:$0x1C600] =	vst v63  }
0xcb: {  	p0 =	sne.s32 s12, $0x5E00;
	s12 =	sadd.s32 $0x200, s12;
	s6 =	sadd.s32 $0x100, s9  }
0xcc: {  	[tilespmem:s31], [sflag:$0x3] =	stream.linear.gather [hbm4b:s6+s3], $0x800, $0x38;
	[tilespmem:$0x1C600] =	vst v63  }
0xcd: {  	_ =	swait.ge [sflag:s0], $0x4000  }
0xce: {  	[sflag:s0] =	ssyncset.done $0x0  }
0xcf: {  	[sflag:s0] =	ssyncadd.s32 $0xFFFFC000  }
0xd0: {  	[spmem:s1] =	stream.indirect.scatter.add.f32 [tilespmem:s29], [sflag:$0x2], $0x8, s25, s28, $0xb8;
	[tilespmem:$0x1C600] =	vst v63  }
0xd1: {  	_ =	swait.ge [sflag:s26], $0x800  }
0xd2: {  	[sflag:s26] =	ssyncset.done $0x0  }
0xd3: {  	[sflag:s26] =	ssyncadd.s32 $0xFFFFF800  }
0xd4: {  	_ =	swait.ge [sflag:s26], $0x800  }
0xd5: {  	[sflag:s26] =	ssyncset.done $0x0  }
0xd6: {  	[sflag:s26] =	ssyncadd.s32 $0xFFFFF800  }
0xd7: {  	[tilespmem:s2], [sflag:$0x1] =	stream.indirect.gather [hbm4b:s8+s28], $0x8, s30, s28, $0xb8;
	[tilespmem:$0x1C600] =	vst v63  }
0xd8: {  	_ =	swait.ge [sflag:s21], $0x4000  }
0xd9: {  	s6 =	sshrl.u32 s7, $0x3;
	[sflag:s21] =	ssyncset.done $0x0  }
0xda: {  	s6 =	sadd.s32 s4, s6;
	[sflag:s21] =	ssyncadd.s32 $0xFFFFC000  }
0xdb: {  	[tilespmem:s24], [sflag:$0x3] =	stream.linear.gather [hbm4b:s6+s3], $0x800, $0x38;
	[tilespmem:$0x1C600] =	vst v63  }
0xdc: {  	s6 =	sadd.s32 $0x200, s9  }
0xdd: {  	[tilespmem:s25], [sflag:$0x3] =	stream.linear.gather [hbm4b:s6+s3], $0x800, $0x38;
	[tilespmem:$0x1C600] =	vst v63  }
0xde: {  	_ =	swait.ge [sflag:s26], $0x800  }
0xdf: {  	[sflag:s26] =	ssyncset.done $0x0  }
0xe0: {  	[sflag:s26] =	ssyncadd.s32 $0xFFFFF800  }
0xe1: {  	_ =	swait.ge [sflag:s26], $0x800  }
0xe2: {  	[sflag:s26] =	ssyncset.done $0x0  }
0xe3: {  	[sflag:s26] =	ssyncadd.s32 $0xFFFFF800  }
0xe4: {  	[tilespmem:s29], [sflag:$0x1] =	stream.indirect.gather [hbm4b:s8+s28], $0x8, s24, s28, $0xb8;
	[tilespmem:$0x1C600] =	vst v63  }
0xe5: {  	_ =	swait.ge [sflag:s0], $0x4000  }
.Ltmp7:
0xe6: {  	[sflag:s0] =	ssyncset.done $0x0;
	(pc) =	sbr.rel @p0 .LBB2_10-.Ltmp7, $4  }
0xe7: {  	[sflag:s0] =	ssyncadd.s32 $0xFFFFC000  }
0xe8: {  	[spmem:s1] =	stream.indirect.scatter.add.f32 [tilespmem:s2], [sflag:$0x2], $0x8, s31, s28, $0xb8;
	[tilespmem:$0x1C600] =	vst v63  }
0xe9: {  	_ =	swait.ge [sflag:s21], $0x4000  }
0xea: {  	s7 =	sadd.s32 $0x1000, s7;
	[sflag:s21] =	ssyncset.done $0x0  }
0xeb: {  	s6 =	sadd.s32 s11, s19;
	s9 =	sadd.s32 s11, s17;
	[sflag:s21] =	ssyncadd.s32 $0xFFFFC000  }
0xec: {  	[tilespmem:s30], [sflag:$0x3] =	stream.linear.gather [hbm4b:s6+s3], $0x800, $0x38;
	[tilespmem:$0x1C600] =	vst v63  }
0xed: {  	s12 =	sadd.s32 $0x100, s9  }
0xee: {  	[tilespmem:s31], [sflag:$0x3] =	stream.linear.gather [hbm4b:s12+s3], $0x800, $0x38;
	[tilespmem:$0x1C600] =	vst v63  }
0xef: {  	_ =	swait.ge [sflag:s0], $0x4000  }
0xf0: {  	[sflag:s0] =	ssyncset.done $0x0  }
0xf1: {  	[sflag:s0] =	ssyncadd.s32 $0xFFFFC000  }
0xf2: {  	[spmem:s1] =	stream.indirect.scatter.add.f32 [tilespmem:s29], [sflag:$0x2], $0x8, s25, s28, $0xb8;
	[tilespmem:$0x1C600] =	vst v63  }
0xf3: {  	_ =	swait.ge [sflag:s26], $0x800  }
0xf4: {  	[sflag:s26] =	ssyncset.done $0x0  }
0xf5: {  	[sflag:s26] =	ssyncadd.s32 $0xFFFFF800  }
0xf6: {  	_ =	swait.ge [sflag:s26], $0x800  }
0xf7: {  	[sflag:s26] =	ssyncset.done $0x0  }
0xf8: {  	[sflag:s26] =	ssyncadd.s32 $0xFFFFF800  }
0xf9: {  	[tilespmem:s2], [sflag:$0x1] =	stream.indirect.gather [hbm4b:s8+s28], $0x8, s30, s28, $0xb8;
	[tilespmem:$0x1C600] =	vst v63  }
0xfa: {  	_ =	swait.ge [sflag:s21], $0x4000  }
0xfb: {  	s14 =	sshrl.u32 s7, $0x3;
	[sflag:s21] =	ssyncset.done $0x0  }
0xfc: {  	s6 =	sadd.s32 s4, s14;
	[sflag:s21] =	ssyncadd.s32 $0xFFFFC000  }
0xfd: {  	[tilespmem:s24], [sflag:$0x3] =	stream.linear.gather [hbm4b:s6+s3], $0x800, $0x38;
	[tilespmem:$0x1C600] =	vst v63  }
0xfe: {  	s15 =	sadd.s32 $0x200, s9  }
0xff: {  	[tilespmem:s25], [sflag:$0x3] =	stream.linear.gather [hbm4b:s15+s3], $0x800, $0x38;
	[tilespmem:$0x1C600] =	vst v63  }
0x100: {  	_ =	swait.ge [sflag:s26], $0x800  }
0x101: {  	[sflag:s26] =	ssyncset.done $0x0  }
0x102: {  	[sflag:s26] =	ssyncadd.s32 $0xFFFFF800  }
0x103: {  	_ =	swait.ge [sflag:s26], $0x800  }
0x104: {  	[sflag:s26] =	ssyncset.done $0x0  }
0x105: {  	[sflag:s26] =	ssyncadd.s32 $0xFFFFF800  }
0x106: {  	[tilespmem:s29], [sflag:$0x1] =	stream.indirect.gather [hbm4b:s8+s28], $0x8, s24, s28, $0xb8;
	[tilespmem:$0x1C600] =	vst v63  }
0x107: {  	_ =	swait.ge [sflag:s0], $0x4000  }
0x108: {  	[sflag:s0] =	ssyncset.done $0x0  }
0x109: {  	[sflag:s0] =	ssyncadd.s32 $0xFFFFC000  }
0x10a: {  	[spmem:s1] =	stream.indirect.scatter.add.f32 [tilespmem:s2], [sflag:$0x2], $0x8, s31, s28, $0xb8;
	[tilespmem:$0x1C600] =	vst v63  }
0x10b: {  	_ =	swait.ge [sflag:s21], $0x4000  }
0x10c: {  	[sflag:s21] =	ssyncset.done $0x0  }
0x10d: {  	s7 =	simm.s32 $0x0;
	s16 =	rddreg [dreg:$0xa];
	[sflag:s21] =	ssyncadd.s32 $0xFFFFC000  }
0x10e: {  	[tilespmem:s30], [sflag:$0x3] =	stream.linear.gather [hbm4b:s16+s7], $0x800, $0x38;
	[tilespmem:$0x1C600] =	vst v63  }
0x10f: {  	s18 =	rddreg [dreg:$0xb]  }
0x110: {  	[tilespmem:s31], [sflag:$0x3] =	stream.linear.gather [hbm4b:s18+s7], $0x800, $0x38;
	[tilespmem:$0x1C600] =	vst v63  }
0x111: {  	_ =	swait.ge [sflag:s0], $0x4000  }
0x112: {  	[sflag:s0] =	ssyncset.done $0x0  }
0x113: {  	[sflag:s0] =	ssyncadd.s32 $0xFFFFC000  }
0x114: {  	[spmem:s1] =	stream.indirect.scatter.add.f32 [tilespmem:s29], [sflag:$0x2], $0x8, s25, s28, $0xb8;
	[tilespmem:$0x1C600] =	vst v63  }
0x115: {  	_ =	swait.ge [sflag:s26], $0x800  }
0x116: {  	[sflag:s26] =	ssyncset.done $0x0  }
0x117: {  	[sflag:s26] =	ssyncadd.s32 $0xFFFFF800  }
0x118: {  	_ =	swait.ge [sflag:s26], $0x800  }
0x119: {  	[sflag:s26] =	ssyncset.done $0x0  }
0x11a: {  	[sflag:s26] =	ssyncadd.s32 $0xFFFFF800  }
0x11b: {  	[tilespmem:s2], [sflag:$0x1] =	stream.indirect.gather [hbm4b:s8+s28], $0x8, s30, s28, $0xb8;
	[tilespmem:$0x1C600] =	vst v63  }
0x11c: {  	_ =	swait.ge [sflag:s21], $0x4000  }
0x11d: {  	[sflag:s21] =	ssyncset.done $0x0  }
0x11e: {  	[sflag:s21] =	ssyncadd.s32 $0xFFFFC000  }
0x11f: {  	_ =	swait.ge [sflag:s0], $0x4000  }
0x120: {  	[sflag:s0] =	ssyncset.done $0x0  }
0x121: {  	[sflag:s0] =	ssyncadd.s32 $0xFFFFC000  }
0x122: {  	[spmem:s1] =	stream.indirect.scatter.add.f32 [tilespmem:s2], [sflag:$0x2], $0x8, s31, s28, $0xb8;
	[tilespmem:$0x1C600] =	vst v63  }
0x123: {  	_ =	swait.ge [sflag:s21], $0x4000  }
0x124: {  	[sflag:s21] =	ssyncset.done $0x0  }
0x125: {  	[sflag:s21] =	ssyncadd.s32 $0xFFFFC000  }
0x126: {  	s11 =	simm.s32 $0x0;
	s12 =	simm.s32 $0x0;
	[bflag:$0x0] =	sbarrier.arrive $0xFFFF  }
.LBB2_12:
0x127: {  	s6 =	smul.u32 $0x310, s12;
	_ =	sdelay $0x1  }
0x128: {  	s14 =	sadd.s32 s5, s6  }
0x129: {  	v3 =	vmov s7;
	s6 =	sshll.u32 s14, $0x3  }
0x12a: {  	s9 =	sadd.s32 $0x0, s11;
	v3 =	vshll.u32 v3, $0x3;
	s6 =	sand.u32 $0x3FFFFFF8, s6  }
0x12b: {  	v4 =	vor.u32 s9, v0;
	v3 =	vor.u32 v1, v3;
	s6 =	sadd.s32 s6, s1  }
0x12c: {  	v3 =	vor.u32 v2, v3;
	[tilespmem:s22], [sflag:$0x4] =	stream.linear.gather [spmem:s6], $0x1880, $0x38;
	[tilespmem:$0x1C600] =	vst v63  }
0x12d: {  	_ =	swait.ge [sflag:s20], $0x1880  }
0x12e: {  	[sflag:s20] =	ssyncset.done $0x0  }
0x12f: {  	[sflag:s20] =	ssyncadd.s32 $0xFFFFE780  }
0x130: {  	v4 =	vld.idx.msk [tilespmem:v4+s23+$0x0], $0xffff  }
0x131: {  	s9 =	simm.s32 $0x2;
	v5 =	vld.idx.msk [tilespmem:v3+s22+$0x0], $0xffff  }
0x132: {  	s15 =	simm.s32 $0x4;
	v6 =	vmov s9  }
.LBB2_13:
0x133: {  	p0 =	sne.s32 s15, $0x30E;
	v6 =	vshll.u32 v6, $0x3;
	s6 =	sadd.s32 s9, s11;
	s9 =	smov.u32 s15  }
0x134: {  	v6 =	vor.u32 v1, v6;
	v7 =	vor.u32 s6, v0  }
0x135: {  	v6 =	vor.u32 v2, v6  }
0x136: {  	v4 =	vmul.f32 v4, v5;
	_ =	sdelay $0x1  }
.Ltmp8:
0x137: {  	[tilespmem:v3+s22+$0x0] =	vst.idx.msk $0xffff, v4;
	v3 =	vmov v6;
	(pc) =	sbr.rel @p0 .LBB2_13-.Ltmp8, $3  }
0x138: {  	v4 =	vld.idx.msk [tilespmem:v7+s23+$0x0], $0xffff  }
0x139: {  	v5 =	vld.idx.msk [tilespmem:v6+s22+$0x0], $0xffff;
	_ =	sdelay $0x1  }
0x13a: {  	s15 =	sadd.s32 $0x2, s15;
	v6 =	vmov s9  }
0x13b: {  	v6 =	vshll.u32 v6, $0x3;
	s6 =	sadd.s32 s9, s11  }
0x13c: {  	v6 =	vor.u32 v1, v6;
	v7 =	vor.u32 s6, v0  }
0x13d: {  	v6 =	vor.u32 v2, v6  }
0x13e: {  	v4 =	vmul.f32 v4, v5;
	_ =	sdelay $0x1  }
0x13f: {  	[tilespmem:v3+s22+$0x0] =	vst.idx.msk $0xffff, v4  }
0x140: {  	v3 =	vld.idx.msk [tilespmem:v7+s23+$0x0], $0xffff  }
0x141: {  	v4 =	vld.idx.msk [tilespmem:v6+s22+$0x0], $0xffff;
	_ =	sdelay $0x4  }
0x142: {  	s12 =	sadd.s32 $0x1, s12;
	v3 =	vmul.f32 v3, v4  }
0x143: {  	p0 =	sne.s32 s12, $0x8  }
.Ltmp9:
0x144: {  	s18 =	sadd.s32 s14, s13;
	[tilespmem:v6+s22+$0x0] =	vst.idx.msk $0xffff, v3;
	(pc) =	sbr.rel @p0 .LBB2_12-.Ltmp9, $4  }
0x145: {  	[hbm4b:s18+s3] =	stream.linear.scatter [tilespmem:s22], [sflag:$0x4], $0x1880, $0x38;
	[tilespmem:$0x1C600] =	vst v63  }
0x146: {  	_ =	swait.ge [sflag:s20], $0x1880  }
0x147: {  	[sflag:s20] =	ssyncset.done $0x0  }
0x148: {  	s11 =	sadd.s32 $0x310, s11;
	[sflag:s20] =	ssyncadd.s32 $0xFFFFE780  }
0x149: {  	s7 =	rddreg [dreg:$0xd]  }
0x14a: {  	s6 =	rddreg [dreg:$0x9];
	s7 =	sadd.s32 $0x1, s7  }
0x14b: {  	p0 =	sne.s32 s7, s6  }
.Ltmp10:
0x14c: {  	_ = 	snop;
	(pc) =	sbr.rel @p0 .LBB2_1-.Ltmp10, $1  }
0x14d: {  	_ =	sdelay $0x3  }
0x14e: {  	_ =	sfence.sel $0x180000  }
0x14f: {  	[bflag:$0x0] =	sbarrier.arrive $0xFFFF  }
0x150: {  	_ =	strace $0x9000004A  }
0x151: {  	s0 =	stileid.u32;
	[bflag:$0x2] =	sbarrier.arrive $0xFFFF  }
0x152: {  	p0 =	sne.s32 s0, $0x0;
	s0 =	rddreg [dreg:$0x3]  }
0x153: {  	s0 =	sadd.s32 @!p0 $0x100000, s0  }
0x154: {  	[sflag:s0] =	ssyncadd.tile.s32 @!p0 $0x1;
	_ =	shalt  }
.Lfunc_end2:
_tile_overlayer_lowered:
.L_overlay_start_2:
0x155: {  	(tag) =	ssettag $0x2  }
0x156: {  	s0 =	rddreg [dreg:$0x0];
	s2 =	stileid.u32  }
0x157: {  	s1 =	rddreg [dreg:$0x1];
	p0 =	sne.s32 s2, $0x0  }
0x158: {  	s3 =	rddreg [dreg:$0x2];
	[bflag:$0x3] =	sbarrier.arrive $0xFFFF;
	s2 =	simm.s32 @!p0 $0x1C04  }
0x159: {  	[timem:s3], [sflag:s2] =	dma.local @!p0 [hbm:s0], s1  }
0x15a: {  	s0 =	simm.s32 @!p0 $0x4  }
0x15b: {  	_ =	swait.ge @!p0 [sflag:s0], s1  }
0x15c: {  	s1 =	ssub.s32 @!p0 $0x0, s1;
	[sflag:s0] =	ssyncset.done @!p0 $0x0  }
0x15d: {  	[sflag:s0] =	ssyncadd.s32 @!p0 s1  }
0x15e: {  	[bflag:$0x3] =	sbarrier.arrive $0xFFFF  }
0x15f: {  	_ =	shalt  }

// kernel: kernel.13.cloned.1.call-start
scs
__scs_entry_jumppad:
0x0: {  	(pc) =	sbr.rel $0x88, $3  }
0x1: {  	(tag) =	ssettag $0x0;
	lr =	simm.s32 $0x1  }
0x2: {  	[smem:$0x3F9B] =	sst lr;
	_ =	strace $0xD0000000  }
0x3: {  	_ = 	snop  }
0x4: {  	_ = 	snop  }
0x5: {  	_ = 	snop  }
0x6: {  	_ = 	snop  }
0x7: {  	_ = 	snop  }
__scs_overlays_trampoline_lowered:
0x8: {  	[smem:$0x3FAA] =	sst s0  }
0x9: {  	[smem:$0x3FAB] =	sst s1  }
0xa: {  	[smem:$0x3FAC] =	sst s2  }
0xb: {  	[smem:$0x3FAD] =	sst s3  }
0xc: {  	[smem:$0x3FAE] =	sst s4  }
0xd: {  	[smem:$0x3FAF] =	sst s5  }
0xe: {  	[smem:$0x3FB0] =	sst s6  }
0xf: {  	[smem:$0x3FB1] =	sst s7  }
0x10: {  	[smem:$0x3FB2] =	sst s8  }
0x11: {  	[smem:$0x3FB3] =	sst s9;
	s0 =	simm.s32 @!p0 $0x0  }
0x12: {  	s1 =	sld [smem:$0x3F99];
	s0 =	simm.s32 @p0 $0x1  }
0x13: {  	[smem:$0x3FB4] =	sst s0;
	s0 =	simm.s32 @!p1 $0x0  }
0x14: {  	s2 =	sld [smem:$0x3F98];
	s0 =	simm.s32 @p1 $0x1  }
0x15: {  	[smem:$0x3FB5] =	sst s0;
	s0 =	simm.s32 @!p2 $0x0  }
0x16: {  	s3 =	sld [smem:$0x3FDB];
	s0 =	simm.s32 @p2 $0x1  }
0x17: {  	s4 =	simm.s32 $0x1BF5;
	[smem:$0x3FB7] =	sst s0  }
0x18: {  	s0 =	sld [smem:$0x3F9A];
	_ =	swait.ge [sflag:s4], $0x0  }
0x19: {  	s7 =	sld [smem:$0x3F9B]  }
0x1a: {  	s8 =	sadd.s32 $0xFFFFE003, lr  }
0x1b: {  	s9 =	sadd.s32 $0xFFFFFEF7, lr;
	s5 =	simm.s32 $0xFFFFFFFF;
	p2 =	slt.u32 s8, $0xFFFFF086  }
0x1c: {  	p1 =	slt.u32 s9, $0xF7A;
	s5 =	simm.s32 @!p2 $0x0  }
0x1d: {  	s5 =	simm.s32 @p1 $0x1;
	p0 =	seq.s32 s7, s2  }
0x1e: {  	s7 =	smul.u32 @!p0 $0xF7A, s2;
	p2 =	seq.s32 @!p0 s5, $0x0  }
0x1f: {  	s9 =	smul.u32 $0xF7A, s1;
	s8 =	simm.s32 @!p0 $0x1BF5;
	p2 =	por !p2, p0  }
0x20: {  	[sflag:s8] =	ssyncset.s32 @!p0 $0xFFFFF086;
	s6 =	sadd.s32 @!p0 s3, s7;
	s7 =	simm.s32 @!p0 $0x108  }
0x21: {  	s3 =	sadd.s32 s3, s9;
	s6 =	sadd.s32 @!p0 $0x88, s6;
	s7 =	simm.s32 @p2 $0x1082  }
0x22: {  	[simem:s7], [sflag:s8] =	dma.local @!p0 [hbm:s6], $0xF7A  }
0x23: {  	s9 =	sor.u32 $0xD0000000, s2;
	s6 =	simm.s32 $0x108;
	_ =	swait.ge @!p0 [sflag:s8], $0x0  }
0x24: {  	s3 =	sadd.s32 $0x88, s3;
	s6 =	simm.s32 @!p1 $0x1082;
	[sflag:s4] =	ssyncset.s32 $0xFFFFF086  }
0x25: {  	[simem:s6], [sflag:s4] =	dma.local [hbm:s3], $0xF7A  }
0x26: {  	[smem:$0x3F9B] =	sst s1;
	(tag) =	ssettag s2;
	_ =	strace s9  }
0x27: {  	s1 =	sld [smem:$0x3FAB]  }
0x28: {  	s2 =	sld [smem:$0x3FAC]  }
0x29: {  	s4 =	sld [smem:$0x3FAE]  }
0x2a: {  	p0 =	seq.s32 s5, $0x0;
	s5 =	sld [smem:$0x3FAF]  }
0x2b: {  	s6 =	sld [smem:$0x3FB0]  }
0x2c: {  	s7 =	sld [smem:$0x3FB1]  }
0x2d: {  	s3 =	simm.s32 $0x108;
	s8 =	sld [smem:$0x3FB2]  }
0x2e: {  	s3 =	simm.s32 @!p0 $0x1082;
	s9 =	sld [smem:$0x3FB3]  }
0x2f: {  	lr =	sadd.s32 s0, s3;
	s0 =	sld [smem:$0x3FAA]  }
0x30: {  	s3 =	sld [smem:$0x3FAD]  }
0x31: {  	[smem:$0x3FB6] =	sst s10  }
0x32: {  	s10 =	sld [smem:$0x3FB4];
	_ =	sdelay $0x3  }
0x33: {  	p0 =	seq.s32 s10, $0x1;
	s10 =	sld [smem:$0x3FB6];
	_ =	sdelay $0x3  }
0x34: {  	[smem:$0x3FB6] =	sst s10  }
0x35: {  	s10 =	sld [smem:$0x3FB5];
	_ =	sdelay $0x3  }
0x36: {  	p1 =	seq.s32 s10, $0x1;
	s10 =	sld [smem:$0x3FB6];
	_ =	sdelay $0x3  }
0x37: {  	[smem:$0x3FB6] =	sst s10  }
0x38: {  	s10 =	sld [smem:$0x3FB7]  }
0x39: {  	_ = 	snop;
	(pc) =	sbr.ind lr, $3  }
0x3a: {  	_ = 	snop  }
0x3b: {  	_ = 	snop  }
0x3c: {  	p2 =	seq.s32 s10, $0x1;
	s10 =	sld [smem:$0x3FB6]  }
0x3d: {  	_ =	shalt  }
0x3e: {  	_ =	shalt  }
0x3f: {  	_ =	shalt  }
0x40: {  	_ =	shalt  }
0x41: {  	_ =	shalt  }
0x42: {  	_ =	shalt  }
0x43: {  	_ =	shalt  }
0x44: {  	_ =	shalt  }
0x45: {  	_ =	shalt  }
0x46: {  	_ =	shalt  }
0x47: {  	_ =	shalt  }
0x48: {  	_ =	shalt  }
0x49: {  	_ =	shalt  }
0x4a: {  	_ =	shalt  }
0x4b: {  	_ =	shalt  }
0x4c: {  	_ =	shalt  }
0x4d: {  	_ =	shalt  }
0x4e: {  	_ =	shalt  }
0x4f: {  	_ =	shalt  }
0x50: {  	_ =	shalt  }
0x51: {  	_ =	shalt  }
0x52: {  	_ =	shalt  }
0x53: {  	_ =	shalt  }
0x54: {  	_ =	shalt  }
0x55: {  	_ =	shalt  }
0x56: {  	_ =	shalt  }
0x57: {  	_ =	shalt  }
0x58: {  	_ =	shalt  }
0x59: {  	_ =	shalt  }
0x5a: {  	_ =	shalt  }
0x5b: {  	_ =	shalt  }
0x5c: {  	_ =	shalt  }
0x5d: {  	_ =	shalt  }
0x5e: {  	_ =	shalt  }
0x5f: {  	_ =	shalt  }
0x60: {  	_ =	shalt  }
0x61: {  	_ =	shalt  }
0x62: {  	_ =	shalt  }
0x63: {  	_ =	shalt  }
0x64: {  	_ =	shalt  }
0x65: {  	_ =	shalt  }
0x66: {  	_ =	shalt  }
0x67: {  	_ =	shalt  }
0x68: {  	_ =	shalt  }
0x69: {  	_ =	shalt  }
0x6a: {  	_ =	shalt  }
0x6b: {  	_ =	shalt  }
0x6c: {  	_ =	shalt  }
0x6d: {  	_ =	shalt  }
0x6e: {  	_ =	shalt  }
0x6f: {  	_ =	shalt  }
0x70: {  	_ =	shalt  }
0x71: {  	_ =	shalt  }
0x72: {  	_ =	shalt  }
0x73: {  	_ =	shalt  }
0x74: {  	_ =	shalt  }
0x75: {  	_ =	shalt  }
0x76: {  	_ =	shalt  }
0x77: {  	_ =	shalt  }
0x78: {  	_ =	shalt  }
0x79: {  	_ =	shalt  }
0x7a: {  	_ =	shalt  }
0x7b: {  	_ =	shalt  }
0x7c: {  	_ =	shalt  }
0x7d: {  	_ =	shalt  }
0x7e: {  	_ =	shalt  }
0x7f: {  	_ =	shalt  }
0x80: {  	_ =	shalt  }
0x81: {  	_ =	shalt  }
0x82: {  	_ =	shalt  }
0x83: {  	_ =	shalt  }
0x84: {  	_ =	shalt  }
0x85: {  	_ =	shalt  }
0x86: {  	_ =	shalt  }
0x87: {  	_ =	shalt  }
.Lfunc_end0:
.L_simem_size_0:
called_computation.2_lowered:
.L_overlay_start_0:
0x88: {  	s2 =	sld [smem:$0x3FD9]  }
0x89: {  	s3 =	sld [smem:$0x3FFE];
	_ =	sdelay $0x1  }
0x8a: {  	s1 =	srdreg.scid  }
0x8b: {  	s0 =	sand.u32 $0x1, s1  }
0x8c: {  	s17 =	sshll.u32 s0, $0xA;
	s2 =	sadd.s32 s3, s2  }
0x8d: {  	s2 =	sadd.s32 s2, s17  }
0x8e: {  	[smem:$0x3FC2] =	sst s2  }
0x8f: {  	_ = 	snop  }
0x90: {  	s2 =	sld [smem:$0x3FD0];
	(tm) =	ssettm $0x1  }
0x91: {  	s18 =	sld [smem:$0x3FFB];
	_ =	sdelay $0x3  }
0x92: {  	_ =	strace s18  }
0x93: {  	s3 =	sld [smem:$0x3FFC];
	_ =	sdelay $0x3  }
0x94: {  	_ =	strace s3  }
0x95: {  	s3 =	sld [smem:$0x3FFD];
	_ =	sdelay $0x3  }
0x96: {  	_ =	strace s3  }
0x97: {  	_ =	strace $0x8FFFFFFF  }
0x98: {  	s19 =	sld [smem:$0x3FDB];
	_ =	sdelay $0x1  }
0x99: {  	s4 =	simm.s32 $_scs_section_size  }
0x9a: {  	s5 =	simm.s32 $_size__tile_overlayer_lowered;
	s6 =	simm.s32 $_tile_overlayer_lowered  }
0x9b: {  	s22 =	simm.s32 $0x1BFF;
	s21 =	sshll.u32 s6, $0x1;
	s3 =	sadd.s32 s4, s19  }
0x9c: {  	s7 =	simm.s32 $0x0;
	s20 =	sshll.u32 s5, $0x1;
	s5 =	sadd.s32 s21, s3  }
0x9d: {  	[timem:s7], [sflag:s22] =	dma.local [hbm:s5], s20  }
0x9e: {  	_ =	swait.ge [sflag:s22], s20  }
0x9f: {  	s4 =	ssub.s32 $0x0, s20;
	[sflag:s22] =	ssyncset.done $0x0  }
0xa0: {  	[sflag:s22] =	ssyncadd.s32 s4;
	_ =	sdelay $0x1  }
0xa1: {  	s23 =	simm.s32 $0x1B8B  }
0xa2: {  	_ =	swait.ge [sflag:s23], $0x1  }
0xa3: {  	[sflag:s23] =	ssyncset.done $0x0  }
0xa4: {  	s25 =	simm.s32 $0x1B8E;
	s24 =	sld [smem:$0x3FFE];
	[sflag:s23] =	ssyncadd.s32 $0xFFFFFFFF  }
0xa5: {  	s26 =	simm.s32 $execute0_lowered;
	[smem:$0x3FD2] =	sst s25  }
0xa6: {  	s5 =	sshll.u32 s26, $0x1;
	_ =	strace $0x8000004C;
	[dreg:$0x1] =	wrdreg $0xFFFFFFFF  }
0xa7: {  	s28 =	simm.s32 $_size_execute0_lowered;
	s3 =	sadd.s32 s3, s5;
	[dreg:$0x0] =	wrdreg $0x0  }
0xa8: {  	s5 =	sshll.u32 s28, $0x1;
	[dreg:$0x2] =	wrdreg s3  }
0xa9: {  	[dreg:$0x3] =	wrdreg s5  }
0xaa: {  	[dreg:$0x4] =	wrdreg $0xC0  }
0xab: {  	_ =	task [dreg:s7], $0x5FFFF  }
0xac: {  	[dreg:$0x1] =	wrdreg $0xFFFFFFFF  }
0xad: {  	[dreg:$0x0] =	wrdreg $0x60  }
0xae: {  	[dreg:$0x2] =	wrdreg s24  }
0xaf: {  	[dreg:$0x3] =	wrdreg s2  }
0xb0: {  	[dreg:$0x4] =	wrdreg $0xB2000  }
0xb1: {  	[dreg:$0x5] =	wrdreg $0x9  }
0xb2: {  	_ =	task.clear_ibuf [dreg:s7], $0x6FFFF;
	_ =	strace $0x9000004C  }
0xb3: {  	s29 =	simm.s32 $0x9;
	_ =	strace $0x8000004E  }
0xb4: {  	_ =	swait.ge [sflag:s29], $0x1  }
0xb5: {  	[sflag:s29] =	ssyncadd.s32 $0xFFFFFFFF  }
0xb6: {  	_ =	strace $0x9000004E  }
0xb7: {  	_ =	sfence  }
0xb8: {  	s30 =	sld [smem:$0x0];
	_ =	sdelay $0x2  }
0xb9: {  	s31 =	sshll.u32 s1, $0xD;
	s1 =	sshrl.u32 s1, $0x2  }
0xba: {  	s3 =	sand.u32 $0x4000, s31;
	s1 =	sadd.s32 s1, s30  }
0xbb: {  	s0 =	sor.u32 s3, s0;
	s1 =	sshll.u32 s1, $0x11  }
0xbc: {  	s0 =	sor.u32 s1, s0  }
0xbd: {  	s0 =	sadd.s32 $0x8F2B, s0  }
0xbe: {  	[sflag:s0] =	ssyncadd.remote.s32 $0x1  }
0xbf: {  	_ =	sfence.sel $0xFFFF  }
0xc0: {  	[dreg:$0x0] =	wrdreg $0xFFFFFFFF;
	(pc) =	sbr.abs _section_cstart, $3  }
0xc1: {  	[dreg:$0x1] =	wrdreg $0xFFFFFFFF  }
0xc2: {  	_ =	task.clear_ibuf [dreg:s7], $0x2FFFF;
	_ =	strace $0x9FFFFFFF  }
0xc3: {  	(tm) =	ssettm $0x7FFFFFFF  }
tec
execute0_lowered:
.L_overlay_start_1:
0x0: {  	(tag) =	ssettag $0x1  }
0x1: {  	s0 =	rddreg [dreg:$0x0]  }
0x2: {  	s3 =	rddreg [dreg:$0x1]  }
0x3: {  	s1 =	rddreg [dreg:$0x2]  }
0x4: {  	s2 =	simm.s32 $0x0;
	s5 =	srdreg.scid;
	s15 =	stileid.u32  }
0x5: {  	s28 =	simm.s32 $0x3;
	s29 =	simm.s32 $0x400;
	s30 =	simm.s32 $0x7200  }
0x6: {  	s31 =	simm.s32 $0x6A00;
	[smem:$0x7FF] =	sst s2;
	s6 =	smul.u32 $0x1880, s15  }
0x7: {  	s5 =	sand.u32 $0x1, s5;
	s18 =	sadd.s32 $0x12EC00, s0;
	s19 =	smul.u32 $0x18800, s15  }
0x8: {  	s4 =	sadd.s32 $0x6AC00, s0;
	s21 =	sadd.s32 $0x15FC00, s0;
	s13 =	smul.u32 $0x310000, s5  }
0x9: {  	s9 =	sadd.s32 $0x2800, s0;
	s8 =	sadd.s32 $0x178400, s0;
	s25 =	smul.u32 $0x18800, s5  }
0xa: {  	_ =	strace $0x8000004D;
	s7 =	sshll.u32 s5, $0x4;
	s16 =	smul.u32 $0x498000, s5  }
0xb: {  	[dreg:$0x5] =	wrdreg s21;
	s11 =	ssub.s32 $0x2, s5;
	s21 =	smul.u32 $0x31000, s5  }
0xc: {  	p0 =	sne.s32 s5, $0x0;
	s5 =	simm.s32 $0x0;
	s10 =	sor.u32 s15, s7  }
0xd: {  	[dreg:$0x4] =	wrdreg s18;
	s22 =	sshrl.u32 s11, $0x1;
	s12 =	smul.u32 $0x18800, s10  }
0xe: {  	s23 =	sshrl.u32 s6, $0x3;
	s0 =	ssub.s32 s11, s22;
	s10 =	smul.u32 $0x62, s10  }
0xf: {  	s24 =	sadd.s32 s3, s23;
	s11 =	sadd.s32 s8, s25;
	s23 =	smul.u32 $0x3100, s15  }
0x10: {  	[dreg:$0x6] =	wrdreg s24;
	s7 =	sadd.s32 $0x3100, s24;
	s0 =	smax.u32 s0, $0x1  }
0x11: {  	s26 =	sadd.s32 s13, s12;
	[dreg:$0x7] =	wrdreg s7;
	s10 =	sadd.s32 $0x61, s10  }
0x12: {  	s12 =	sshrl.u32 s12, $0x3;
	[dreg:$0xa] =	wrdreg s0;
	s0 =	sadd.s32 s21, s9  }
0x13: {  	s21 =	simm.s32 $0x1;
	s14 =	sshrl.u32 s26, $0x3;
	s17 =	sadd.s32 s9, s12  }
0x14: {  	s22 =	sshll.u32 s10, $0x7;
	s12 =	sadd.s32 s19, s16;
	s7 =	sadd.s32 s4, s14  }
0x15: {  	s14 =	sshll.u32 s10, $0xA;
	[dreg:$0x9] =	wrdreg s17;
	s24 =	sor.u32 $0x400, s12  }
0x16: {  	s17 =	sadd.s32 s23, s0;
	s25 =	sadd.s32 $0x800, s12;
	s23 =	simm.s32 $0x5  }
0x17: {  	s0 =	simm.s32 $0x6E00;
	s10 =	simm.s32 $0x9200;
	[dreg:$0x8] =	wrdreg s7  }
0x18: {  	s12 =	simm.s32 $0x2;
	s3 =	sadd.s32 s13, s14;
	[dreg:$0xd] =	wrdreg s25  }
0x19: {  	s26 =	sshrl.u32 s24, $0x3;
	s24 =	simm.s32 $0x3100;
	s3 =	sshrl.u32 s3, $0x3  }
0x1a: {  	v2 =	vlaneseq.u32;
	s25 =	simm.s32 $0x6200;
	s19 =	sadd.s32 s26, s4;
	s20 =	sadd.s32 s4, s3  }
0x1b: {  	v0 =	vshrl.u32 v2, $0x3;
	s26 =	simm.s32 $0x6600;
	s3 =	sadd.s32 s9, s22;
	[dreg:$0xb] =	wrdreg s20  }
0x1c: {  	v2 =	vand.u32 $0x7, v2;
	v1 =	vmul.u32 $0x8, v0;
	s22 =	simm.s32 $0x4980;
	[dreg:$0xc] =	wrdreg s3;
	s20 =	simm.s32 $0x4  }
.LBB2_1:
0x1d: {  	[dreg:$0xe] =	wrdreg s5  }
0x1e: {  	s3 =	rddreg [dreg:$0x6]  }
0x1f: {  	[tilespmem:s2], [sflag:$0x4] =	stream.linear.gather [hbm4b:s3+s2], $0x1880, $0x38;
	[tilespmem:$0x17600] =	vst v63  }
0x20: {  	_ =	swait.ge [sflag:s20], $0x1880  }
0x21: {  	[sflag:s20] =	ssyncset.done $0x0  }
0x22: {  	s18 =	simm.s32 $0x1880;
	s16 =	rddreg [dreg:$0x7];
	[sflag:s20] =	ssyncadd.s32 $0xFFFFE780  }
0x23: {  	[tilespmem:s18], [sflag:$0x4] =	stream.linear.gather [hbm4b:s16+s2], $0x1880, $0x38;
	[tilespmem:$0x17600] =	vst v63  }
0x24: {  	_ =	swait.ge [sflag:s20], $0x1880  }
0x25: {  	[sflag:s20] =	ssyncset.done $0x0  }
0x26: {  	s15 =	simm.s32 $0x0;
	[sflag:s20] =	ssyncadd.s32 $0xFFFFE780  }
0x27: {  	v3 =	vld [tilespmem:s15+$0x1880]  }
0x28: {  	v4 =	vld [tilespmem:s15+$0x0];
	_ =	sdelay $0x2  }
0x29: {  	s14 =	simm.s32 $0x10  }
0x2a: {  	v5 =	vld [tilespmem:s14+$0x1880]  }
0x2b: {  	v3 =	vadd.f32 v3, v4;
	v4 =	vld [tilespmem:s14+$0x0];
	_ =	sdelay $0x1  }
0x2c: {  	v3 =	vadd.f32 $1.000000000e+00, v3;
	_ =	sdelay $0x1  }
0x2d: {  	s9 =	simm.s32 $0x20;
	v6 =	vshra.s32 v3, $0x1;
	v7 =	vmul.f32 $5.000000000e-01, v3  }
0x2e: {  	v8 =	vld [tilespmem:s9+$0x0];
	v3 =	vsub.s32 $0x5F3759DF, v6;
	v4 =	vadd.f32 v5, v4  }
0x2f: {  	v6 =	vld [tilespmem:s9+$0x1880];
	v5 =	vmul.f32 v3, v7  }
0x30: {  	v4 =	vadd.f32 $1.000000000e+00, v4  }
0x31: {  	v5 =	vmul.f32 v3, v5  }
0x32: {  	s16 =	simm.s32 $0x30;
	v9 =	vshra.s32 v4, $0x1;
	v11 =	vmul.f32 $5.000000000e-01, v4  }
0x33: {  	v10 =	vld [tilespmem:s16+$0x0];
	v4 =	vsub.f32 $1.500000000e+00, v5;
	v5 =	vsub.s32 $0x5F3759DF, v9  }
0x34: {  	v9 =	vld [tilespmem:s16+$0x1880];
	v6 =	vadd.f32 v6, v8;
	v8 =	vmul.f32 v5, v11  }
0x35: {  	s18 =	simm.s32 $0x40;
	v4 =	vmul.f32 v3, v4  }
0x36: {  	v13 =	vld [tilespmem:s18+$0x1880];
	v3 =	vadd.f32 $1.000000000e+00, v6;
	v6 =	vmul.f32 v5, v8  }
0x37: {  	v14 =	vld [tilespmem:s18+$0x0];
	v8 =	vmul.f32 v4, v7  }
0x38: {  	v12 =	vshra.s32 v3, $0x1;
	v3 =	vmul.f32 $5.000000000e-01, v3;
	v6 =	vsub.f32 $1.500000000e+00, v6  }
0x39: {  	v12 =	vsub.s32 $0x5F3759DF, v12;
	v9 =	vadd.f32 v9, v10;
	v8 =	vmul.f32 v8, v4  }
0x3a: {  	v10 =	vmul.f32 v12, v3;
	v5 =	vmul.f32 v5, v6  }
0x3b: {  	v6 =	vsub.f32 $1.500000000e+00, v8;
	v8 =	vadd.f32 $1.000000000e+00, v9  }
0x3c: {  	v13 =	vadd.f32 v13, v14;
	v9 =	vmul.f32 v12, v10;
	v10 =	vmul.f32 v5, v11  }
0x3d: {  	v6 =	vmul.f32 v6, v4;
	v15 =	vshra.s32 v8, $0x1;
	v4 =	vmul.f32 $5.000000000e-01, v8  }
0x3e: {  	s13 =	simm.s32 $0x50;
	v9 =	vsub.f32 $1.500000000e+00, v9;
	v8 =	vsub.s32 $0x5F3759DF, v15;
	v10 =	vmul.f32 v10, v5  }
0x3f: {  	v16 =	vld [tilespmem:s13+$0x0];
	v15 =	vmul.f32 v6, v7;
	v14 =	vmul.f32 v8, v4  }
0x40: {  	v13 =	vadd.f32 $1.000000000e+00, v13;
	v7 =	vmul.f32 v12, v9;
	v12 =	vld [tilespmem:s13+$0x1880];
	v9 =	vsub.f32 $1.500000000e+00, v10  }
0x41: {  	v10 =	vmul.f32 v15, v6;
	v14 =	vmul.f32 v8, v14  }
0x42: {  	v18 =	vshra.s32 v13, $0x1;
	v17 =	vmul.f32 v7, v3;
	v5 =	vmul.f32 v9, v5  }
0x43: {  	v9 =	vmul.f32 $5.000000000e-01, v13;
	v10 =	vsub.f32 $1.500000000e+00, v10;
	v15 =	vsub.f32 $1.500000000e+00, v14  }
0x44: {  	s5 =	simm.s32 $0x1C0;
	s3 =	simm.s32 $0x60;
	v14 =	vsub.s32 $0x5F3759DF, v18;
	v13 =	vmul.f32 v17, v7;
	v11 =	vmul.f32 v5, v11  }
.LBB2_2:
0x45: {  	s7 =	sshra.s32 s5, $0x2;
	p1 =	seq.s32 s5, $0x61C0;
	s5 =	sadd.s32 $0x40, s5;
	v17 =	vadd.f32 v12, v16;
	v12 =	vld [tilespmem:s3+$0x1880];
	v18 =	vmul.f32 v14, v9;
	v15 =	vmul.f32 v8, v15;
	v19 =	vmovc v9  }
.Ltmp0:
0x46: {  	v8 =	vmovc v14;
	v16 =	vld [tilespmem:s3+$0x0];
	v9 =	vsub.f32 $1.500000000e+00, v13;
	v11 =	vmul.f32 v11, v5;
	v13 =	vmul.f32 v10, v6;
	v6 =	vmovc v5;
	(pc) =	sbr.rel @!p1 .LBB2_2-.Ltmp0, $4  }
0x47: {  	v14 =	vadd.f32 $1.000000000e+00, v17;
	v17 =	vmul.f32 v8, v18;
	v18 =	vmul.f32 v15, v4  }
0x48: {  	v5 =	vmul.f32 v9, v7;
	v10 =	vsub.f32 $1.500000000e+00, v11;
	[tilespmem:s15+$0x3100] =	vst v13;
	v7 =	vmov v15;
	s15 =	smov.u32 s14;
	s14 =	smov.u32 s9;
	s9 =	smov.u32 s16  }
0x49: {  	s16 =	smov.u32 s18;
	s18 =	smov.u32 s13;
	s13 =	smov.u32 s3;
	v11 =	vshra.s32 v14, $0x1;
	v9 =	vmul.f32 $5.000000000e-01, v14;
	v15 =	vsub.f32 $1.500000000e+00, v17  }
0x4a: {  	s3 =	smov.u32 s7;
	v13 =	vmul.f32 v18, v7;
	v14 =	vsub.s32 $0x5F3759DF, v11;
	v11 =	vmul.f32 v5, v3;
	v3 =	vmovc v4;
	v4 =	vmovc v19  }
0x4b: {  	v17 =	vld [tilespmem:s3+$0x1880]  }
0x4c: {  	v18 =	vld [tilespmem:s3+$0x0];
	_ =	sdelay $0x3  }
0x4d: {  	v12 =	vadd.f32 v12, v16  }
0x4e: {  	v43 =	vadd.f32 v17, v18  }
0x4f: {  	v12 =	vadd.f32 $1.000000000e+00, v12  }
0x50: {  	v16 =	vadd.f32 $1.000000000e+00, v43  }
0x51: {  	v44 =	vmul.f32 v14, v9;
	v45 =	vshra.s32 v12, $0x1;
	v12 =	vmul.f32 $5.000000000e-01, v12  }
0x52: {  	v18 =	vsub.s32 $0x5F3759DF, v45;
	v19 =	vshra.s32 v16, $0x1;
	v16 =	vmul.f32 $5.000000000e-01, v16  }
0x53: {  	v20 =	vmul.f32 v18, v12;
	v19 =	vsub.s32 $0x5F3759DF, v19  }
0x54: {  	v17 =	vmul.f32 v14, v44;
	v21 =	vmul.f32 v19, v16  }
0x55: {  	v20 =	vmul.f32 v18, v20  }
0x56: {  	v8 =	vmul.f32 v8, v15;
	v17 =	vsub.f32 $1.500000000e+00, v17;
	v46 =	vmul.f32 v19, v21  }
0x57: {  	v6 =	vmul.f32 v10, v6;
	v13 =	vsub.f32 $1.500000000e+00, v13;
	v48 =	vsub.f32 $1.500000000e+00, v20  }
0x58: {  	v49 =	vmul.f32 v8, v4;
	v47 =	vmul.f32 v14, v17;
	v15 =	vsub.f32 $1.500000000e+00, v46  }
0x59: {  	v7 =	vmul.f32 v13, v7;
	v17 =	vmul.f32 v18, v48  }
0x5a: {  	v50 =	vmul.f32 v47, v9;
	v15 =	vmul.f32 v19, v15  }
0x5b: {  	v10 =	vmul.f32 v49, v8;
	v51 =	vmul.f32 v17, v12  }
0x5c: {  	v18 =	vmul.f32 v50, v47;
	v52 =	vmul.f32 v15, v16  }
0x5d: {  	v10 =	vsub.f32 $1.500000000e+00, v10;
	v19 =	vmul.f32 v51, v17  }
0x5e: {  	v3 =	vmul.f32 v7, v3;
	v18 =	vsub.f32 $1.500000000e+00, v18;
	v13 =	vmul.f32 v52, v15  }
0x5f: {  	v11 =	vmul.f32 v11, v5;
	v8 =	vmul.f32 v10, v8;
	v54 =	vsub.f32 $1.500000000e+00, v19  }
0x60: {  	v3 =	vmul.f32 v3, v7;
	v53 =	vmul.f32 v18, v47;
	v13 =	vsub.f32 $1.500000000e+00, v13  }
0x61: {  	v55 =	vmul.f32 v8, v4;
	v14 =	vmul.f32 v54, v17  }
0x62: {  	v56 =	vmul.f32 v53, v9;
	v13 =	vmul.f32 v13, v15  }
0x63: {  	v11 =	vsub.f32 $1.500000000e+00, v11;
	v4 =	vmul.f32 v55, v8;
	v12 =	vmul.f32 v14, v12  }
0x64: {  	v3 =	vsub.f32 $1.500000000e+00, v3;
	v9 =	vmul.f32 v56, v53;
	v15 =	vmul.f32 v13, v16  }
0x65: {  	v57 =	vmul.f32 v11, v5;
	v4 =	vsub.f32 $1.500000000e+00, v4;
	v58 =	vmul.f32 v12, v14  }
0x66: {  	[tilespmem:s15+$0x3100] =	vst v6;
	v3 =	vmul.f32 v3, v7;
	v59 =	vsub.f32 $1.500000000e+00, v9;
	v60 =	vmul.f32 v15, v13  }
0x67: {  	[tilespmem:s14+$0x3100] =	vst v57;
	v4 =	vmul.f32 v4, v8;
	v61 =	vsub.f32 $1.500000000e+00, v58  }
0x68: {  	[tilespmem:s9+$0x3100] =	vst v3;
	v3 =	vmul.f32 v59, v53;
	v62 =	vsub.f32 $1.500000000e+00, v60  }
0x69: {  	[tilespmem:s16+$0x3100] =	vst v4;
	v63 =	vmul.f32 v61, v14  }
0x6a: {  	[tilespmem:s18+$0x3100] =	vst v3;
	v3 =	vmul.f32 v62, v13  }
0x6b: {  	s9 =	simm.s32 $0x0;
	s16 =	stileid.u32;
	[tilespmem:s13+$0x3100] =	vst v63  }
0x6c: {  	s18 =	rddreg [dreg:$0x4];
	s13 =	simm.s32 $0x0;
	[tilespmem:s3+$0x3100] =	vst v3;
	s3 =	simm.s32 $0x0  }
.LBB2_4:
0x6d: {  	s5 =	smul.u32 $0x310, s13  }
0x6e: {  	v3 =	vmov s3  }
0x6f: {  	s15 =	sadd.s32 $0x0, s9;
	v3 =	vshll.u32 v3, $0x3;
	s14 =	sadd.s32 s6, s5  }
0x70: {  	v4 =	vor.u32 s15, v0;
	v3 =	vor.u32 v1, v3;
	s7 =	sadd.s32 s18, s14  }
0x71: {  	v3 =	vor.u32 v2, v3;
	[tilespmem:s22], [sflag:$0x5] =	stream.linear.gather [hbm4b:s7+s3], $0x1880, $0x38;
	[tilespmem:$0x17600] =	vst v63  }
0x72: {  	_ =	swait.ge [sflag:s23], $0x1880  }
0x73: {  	[sflag:s23] =	ssyncset.done $0x0  }
0x74: {  	[sflag:s23] =	ssyncadd.s32 $0xFFFFE780  }
0x75: {  	v4 =	vld.idx.msk [tilespmem:v4+s24+$0x0], $0xffff  }
0x76: {  	s5 =	simm.s32 $0x2;
	v5 =	vld.idx.msk [tilespmem:v3+s22+$0x0], $0xffff  }
0x77: {  	s15 =	simm.s32 $0x4;
	v6 =	vmov s5  }
.LBB2_5:
0x78: {  	p1 =	sne.s32 s15, $0x30E;
	v6 =	vshll.u32 v6, $0x3;
	s7 =	sadd.s32 s5, s9;
	s5 =	smov.u32 s15  }
0x79: {  	v6 =	vor.u32 v1, v6;
	v7 =	vor.u32 s7, v0  }
0x7a: {  	v6 =	vor.u32 v2, v6  }
0x7b: {  	v4 =	vmul.f32 v4, v5;
	_ =	sdelay $0x1  }
.Ltmp1:
0x7c: {  	[tilespmem:v3+s22+$0x0] =	vst.idx.msk $0xffff, v4;
	v3 =	vmov v6;
	(pc) =	sbr.rel @p1 .LBB2_5-.Ltmp1, $3  }
0x7d: {  	v4 =	vld.idx.msk [tilespmem:v7+s24+$0x0], $0xffff  }
0x7e: {  	v5 =	vld.idx.msk [tilespmem:v6+s22+$0x0], $0xffff;
	_ =	sdelay $0x1  }
0x7f: {  	s15 =	sadd.s32 $0x2, s15;
	v6 =	vmov s5  }
0x80: {  	v6 =	vshll.u32 v6, $0x3;
	s5 =	sadd.s32 s5, s9  }
0x81: {  	v6 =	vor.u32 v1, v6;
	v7 =	vor.u32 s5, v0  }
0x82: {  	v6 =	vor.u32 v2, v6  }
0x83: {  	v4 =	vmul.f32 v4, v5;
	_ =	sdelay $0x1  }
0x84: {  	[tilespmem:v3+s22+$0x0] =	vst.idx.msk $0xffff, v4  }
0x85: {  	v3 =	vld.idx.msk [tilespmem:v7+s24+$0x0], $0xffff  }
0x86: {  	v4 =	vld.idx.msk [tilespmem:v6+s22+$0x0], $0xffff;
	_ =	sdelay $0x4  }
0x87: {  	v3 =	vmul.f32 v3, v4  }
0x88: {  	s15 =	sshll.u32 s14, $0x5  }
0x89: {  	s7 =	sadd.s32 s14, s11;
	s5 =	sshra.s32 s15, $0x2;
	[tilespmem:v6+s22+$0x0] =	vst.idx.msk $0xffff, v3  }
0x8a: {  	[hbm4b:s7+s2] =	stream.linear.scatter [tilespmem:s22], [sflag:$0x5], $0x1880, $0x38;
	[tilespmem:$0x17600] =	vst v63  }
0x8b: {  	s5 =	sadd.s32 s5, s1;
	s7 =	sshll.u32 @p0 s16, $0x6;
	_ =	swait.ge [sflag:s23], $0x1880  }
0x8c: {  	s7 =	sor.u32 @p0 $0x1C04, s7;
	[sflag:s23] =	ssyncset.done $0x0;
	s15 =	rddreg [dreg:$0x5]  }
0x8d: {  	[sflag:s23] =	ssyncadd.s32 $0xFFFFE780;
	s14 =	sadd.s32 @p0 s15, s14;
	s15 =	sshrl.u32 @p0 s5, $0x3  }
0x8e: {  	[spmem:s15], [sflag:s7] =	dma.local @p0 [hbm:s14], $0x310  }
0x8f: {  	s7 =	simm.s32 @p0 $0x4  }
0x90: {  	_ =	swait.ge @p0 [sflag:s7], $0x310  }
0x91: {  	s13 =	sadd.s32 $0x1, s13;
	[sflag:s7] =	ssyncset.done @p0 $0x0  }
0x92: {  	p1 =	sne.s32 s13, $0x8;
	[sflag:s7] =	ssyncadd.s32 @p0 $0xFFFFFCF0;
	s7 =	simm.s32 @!p0 $0x4980  }
0x93: {  	[spmem:s5] =	stream.linear.scatter @!p0 [tilespmem:s7], [sflag:$0x5], $0x1880, $0x38;
	[tilespmem:$0x17600] =	vst v63  }
.Ltmp2:
0x94: {  	_ = 	snop;
	(pc) =	sbr.rel @p1 .LBB2_4-.Ltmp2, $4  }
0x95: {  	s5 =	simm.s32 @!p0 $0x5  }
0x96: {  	_ =	swait.ge @!p0 [sflag:s5], $0x1880  }
0x97: {  	[sflag:s5] =	ssyncset.done @!p0 $0x0  }
0x98: {  	s9 =	sadd.s32 $0x310, s9;
	[sflag:s5] =	ssyncadd.s32 @!p0 $0xFFFFE780  }
0x99: {  	[bflag:$0x0] =	sbarrier.arrive $0xFFFF  }
0x9a: {  	s3 =	simm.s32 $0x0;
	s5 =	rddreg [dreg:$0x8]  }
0x9b: {  	[tilespmem:s25], [sflag:$0x3] =	stream.linear.gather [hbm4b:s5+s3], $0x400, $0x38;
	[tilespmem:$0x17600] =	vst v63  }
0x9c: {  	s7 =	rddreg [dreg:$0x9]  }
0x9d: {  	[tilespmem:s26], [sflag:$0x3] =	stream.linear.gather [hbm4b:s7+s3], $0x400, $0x38;
	[tilespmem:$0x17600] =	vst v63  }
0x9e: {  	_ =	swait.ge [sflag:s28], $0x400  }
0x9f: {  	[sflag:s28] =	ssyncset.done $0x0  }
0xa0: {  	[sflag:s28] =	ssyncadd.s32 $0xFFFFFC00  }
0xa1: {  	_ =	swait.ge [sflag:s28], $0x400  }
0xa2: {  	[sflag:s28] =	ssyncset.done $0x0  }
0xa3: {  	[sflag:s28] =	ssyncadd.s32 $0xFFFFFC00  }
0xa4: {  	[tilespmem:s30], [sflag:$0x1] =	stream.indirect.gather [hbm4b:s8+s29], $0x8, s25, s29, $0xb8;
	[tilespmem:$0x17600] =	vst v63  }
0xa5: {  	s9 =	sadd.s32 $0x0, s19;
	s13 =	sadd.s32 $0x0, s17  }
0xa6: {  	[tilespmem:s31], [sflag:$0x3] =	stream.linear.gather [hbm4b:s9+s2], $0x400, $0x38;
	[tilespmem:$0x17600] =	vst v63  }
0xa7: {  	s14 =	sadd.s32 $0x80, s13  }
0xa8: {  	[tilespmem:s0], [sflag:$0x3] =	stream.linear.gather [hbm4b:s14+s2], $0x400, $0x38;
	[tilespmem:$0x17600] =	vst v63  }
0xa9: {  	_ =	swait.ge [sflag:s21], $0x2000  }
0xaa: {  	[sflag:s21] =	ssyncset.done $0x0  }
0xab: {  	[sflag:s21] =	ssyncadd.s32 $0xFFFFE000  }
0xac: {  	[spmem:s1] =	stream.indirect.scatter.add.f32 [tilespmem:s30], [sflag:$0x2], $0x8, s26, s29, $0xb8;
	[tilespmem:$0x17600] =	vst v63  }
0xad: {  	_ =	swait.ge [sflag:s28], $0x400  }
0xae: {  	[sflag:s28] =	ssyncset.done $0x0  }
0xaf: {  	[sflag:s28] =	ssyncadd.s32 $0xFFFFFC00  }
0xb0: {  	_ =	swait.ge [sflag:s28], $0x400  }
0xb1: {  	[sflag:s28] =	ssyncset.done $0x0  }
0xb2: {  	[sflag:s28] =	ssyncadd.s32 $0xFFFFFC00  }
0xb3: {  	[tilespmem:s10], [sflag:$0x1] =	stream.indirect.gather [hbm4b:s8+s29], $0x8, s31, s29, $0xb8;
	[tilespmem:$0x17600] =	vst v63  }
0xb4: {  	_ =	swait.ge [sflag:s12], $0x2000  }
0xb5: {  	s7 =	rddreg [dreg:$0xd]  }
0xb6: {  	[sflag:s12] =	ssyncset.done $0x0;
	s15 =	sshrl.u32 s7, $0x3  }
0xb7: {  	[sflag:s12] =	ssyncadd.s32 $0xFFFFE000;
	s3 =	sadd.s32 s4, s15  }
0xb8: {  	[tilespmem:s25], [sflag:$0x3] =	stream.linear.gather [hbm4b:s3+s2], $0x400, $0x38;
	[tilespmem:$0x17600] =	vst v63  }
0xb9: {  	s18 =	sadd.s32 $0x100, s13  }
0xba: {  	[tilespmem:s26], [sflag:$0x3] =	stream.linear.gather [hbm4b:s18+s2], $0x400, $0x38;
	[tilespmem:$0x17600] =	vst v63  }
0xbb: {  	_ =	swait.ge [sflag:s28], $0x400  }
0xbc: {  	[sflag:s28] =	ssyncset.done $0x0  }
0xbd: {  	[sflag:s28] =	ssyncadd.s32 $0xFFFFFC00  }
0xbe: {  	_ =	swait.ge [sflag:s28], $0x400  }
0xbf: {  	[sflag:s28] =	ssyncset.done $0x0  }
0xc0: {  	[sflag:s28] =	ssyncadd.s32 $0xFFFFFC00  }
0xc1: {  	[tilespmem:s30], [sflag:$0x1] =	stream.indirect.gather [hbm4b:s8+s29], $0x8, s25, s29, $0xb8;
	[tilespmem:$0x17600] =	vst v63  }
0xc2: {  	_ =	swait.ge [sflag:s21], $0x2000  }
0xc3: {  	[sflag:s21] =	ssyncset.done $0x0  }
0xc4: {  	[sflag:s21] =	ssyncadd.s32 $0xFFFFE000  }
0xc5: {  	[spmem:s1] =	stream.indirect.scatter.add.f32 [tilespmem:s10], [sflag:$0x2], $0x8, s0, s29, $0xb8;
	[tilespmem:$0x17600] =	vst v63  }
0xc6: {  	s13 =	simm.s32 $0x200;
	_ =	swait.ge [sflag:s12], $0x2000  }
0xc7: {  	s9 =	simm.s32 $0x100;
	s3 =	sadd.s32 $0x800, s7;
	[sflag:s12] =	ssyncset.done $0x0  }
.LBB2_8:
0xc8: {  	s5 =	sadd.s32 s9, s19  }
0xc9: {  	s7 =	sadd.s32 s9, s17;
	[sflag:s12] =	ssyncadd.s32 $0xFFFFE000;
	s9 =	smov.u32 s13  }
0xca: {  	[tilespmem:s31], [sflag:$0x3] =	stream.linear.gather [hbm4b:s5+s2], $0x400, $0x38;
	[tilespmem:$0x17600] =	vst v63  }
0xcb: {  	p1 =	sne.s32 s13, $0x2F00;
	s13 =	sadd.s32 $0x100, s13;
	s5 =	sadd.s32 $0x80, s7  }
0xcc: {  	[tilespmem:s0], [sflag:$0x3] =	stream.linear.gather [hbm4b:s5+s2], $0x400, $0x38;
	[tilespmem:$0x17600] =	vst v63  }
0xcd: {  	_ =	swait.ge [sflag:s21], $0x2000  }
0xce: {  	[sflag:s21] =	ssyncset.done $0x0  }
0xcf: {  	[sflag:s21] =	ssyncadd.s32 $0xFFFFE000  }
0xd0: {  	[spmem:s1] =	stream.indirect.scatter.add.f32 [tilespmem:s30], [sflag:$0x2], $0x8, s26, s29, $0xb8;
	[tilespmem:$0x17600] =	vst v63  }
0xd1: {  	_ =	swait.ge [sflag:s28], $0x400  }
0xd2: {  	[sflag:s28] =	ssyncset.done $0x0  }
0xd3: {  	[sflag:s28] =	ssyncadd.s32 $0xFFFFFC00  }
0xd4: {  	_ =	swait.ge [sflag:s28], $0x400  }
0xd5: {  	[sflag:s28] =	ssyncset.done $0x0  }
0xd6: {  	[sflag:s28] =	ssyncadd.s32 $0xFFFFFC00  }
0xd7: {  	[tilespmem:s10], [sflag:$0x1] =	stream.indirect.gather [hbm4b:s8+s29], $0x8, s31, s29, $0xb8;
	[tilespmem:$0x17600] =	vst v63  }
0xd8: {  	_ =	swait.ge [sflag:s12], $0x2000  }
0xd9: {  	s5 =	sshrl.u32 s3, $0x3;
	[sflag:s12] =	ssyncset.done $0x0  }
0xda: {  	s5 =	sadd.s32 s4, s5;
	[sflag:s12] =	ssyncadd.s32 $0xFFFFE000  }
0xdb: {  	[tilespmem:s25], [sflag:$0x3] =	stream.linear.gather [hbm4b:s5+s2], $0x400, $0x38;
	[tilespmem:$0x17600] =	vst v63  }
0xdc: {  	s5 =	sadd.s32 $0x100, s7  }
0xdd: {  	[tilespmem:s26], [sflag:$0x3] =	stream.linear.gather [hbm4b:s5+s2], $0x400, $0x38;
	[tilespmem:$0x17600] =	vst v63  }
0xde: {  	_ =	swait.ge [sflag:s28], $0x400  }
0xdf: {  	[sflag:s28] =	ssyncset.done $0x0  }
0xe0: {  	[sflag:s28] =	ssyncadd.s32 $0xFFFFFC00  }
0xe1: {  	_ =	swait.ge [sflag:s28], $0x400  }
0xe2: {  	[sflag:s28] =	ssyncset.done $0x0  }
0xe3: {  	[sflag:s28] =	ssyncadd.s32 $0xFFFFFC00  }
0xe4: {  	[tilespmem:s30], [sflag:$0x1] =	stream.indirect.gather [hbm4b:s8+s29], $0x8, s25, s29, $0xb8;
	[tilespmem:$0x17600] =	vst v63  }
0xe5: {  	_ =	swait.ge [sflag:s21], $0x2000  }
.Ltmp3:
0xe6: {  	[sflag:s21] =	ssyncset.done $0x0;
	(pc) =	sbr.rel @p1 .LBB2_8-.Ltmp3, $4  }
0xe7: {  	[sflag:s21] =	ssyncadd.s32 $0xFFFFE000  }
0xe8: {  	[spmem:s1] =	stream.indirect.scatter.add.f32 [tilespmem:s10], [sflag:$0x2], $0x8, s0, s29, $0xb8;
	[tilespmem:$0x17600] =	vst v63  }
0xe9: {  	_ =	swait.ge [sflag:s12], $0x2000  }
0xea: {  	s3 =	sadd.s32 $0x800, s3;
	[sflag:s12] =	ssyncset.done $0x0  }
0xeb: {  	s5 =	sadd.s32 s9, s19;
	s7 =	sadd.s32 s9, s17;
	[sflag:s12] =	ssyncadd.s32 $0xFFFFE000  }
0xec: {  	[tilespmem:s31], [sflag:$0x3] =	stream.linear.gather [hbm4b:s5+s2], $0x400, $0x38;
	[tilespmem:$0x17600] =	vst v63  }
0xed: {  	s13 =	sadd.s32 $0x80, s7  }
0xee: {  	[tilespmem:s0], [sflag:$0x3] =	stream.linear.gather [hbm4b:s13+s2], $0x400, $0x38;
	[tilespmem:$0x17600] =	vst v63  }
0xef: {  	_ =	swait.ge [sflag:s21], $0x2000  }
0xf0: {  	[sflag:s21] =	ssyncset.done $0x0  }
0xf1: {  	[sflag:s21] =	ssyncadd.s32 $0xFFFFE000  }
0xf2: {  	[spmem:s1] =	stream.indirect.scatter.add.f32 [tilespmem:s30], [sflag:$0x2], $0x8, s26, s29, $0xb8;
	[tilespmem:$0x17600] =	vst v63  }
0xf3: {  	_ =	swait.ge [sflag:s28], $0x400  }
0xf4: {  	[sflag:s28] =	ssyncset.done $0x0  }
0xf5: {  	[sflag:s28] =	ssyncadd.s32 $0xFFFFFC00  }
0xf6: {  	_ =	swait.ge [sflag:s28], $0x400  }
0xf7: {  	[sflag:s28] =	ssyncset.done $0x0  }
0xf8: {  	[sflag:s28] =	ssyncadd.s32 $0xFFFFFC00  }
0xf9: {  	[tilespmem:s10], [sflag:$0x1] =	stream.indirect.gather [hbm4b:s8+s29], $0x8, s31, s29, $0xb8;
	[tilespmem:$0x17600] =	vst v63  }
0xfa: {  	_ =	swait.ge [sflag:s12], $0x2000  }
0xfb: {  	s3 =	sshrl.u32 s3, $0x3;
	[sflag:s12] =	ssyncset.done $0x0  }
0xfc: {  	s3 =	sadd.s32 s4, s3;
	[sflag:s12] =	ssyncadd.s32 $0xFFFFE000  }
0xfd: {  	[tilespmem:s25], [sflag:$0x3] =	stream.linear.gather [hbm4b:s3+s2], $0x400, $0x38;
	[tilespmem:$0x17600] =	vst v63  }
0xfe: {  	s14 =	sadd.s32 $0x100, s7  }
0xff: {  	[tilespmem:s26], [sflag:$0x3] =	stream.linear.gather [hbm4b:s14+s2], $0x400, $0x38;
	[tilespmem:$0x17600] =	vst v63  }
0x100: {  	_ =	swait.ge [sflag:s28], $0x400  }
0x101: {  	[sflag:s28] =	ssyncset.done $0x0  }
0x102: {  	[sflag:s28] =	ssyncadd.s32 $0xFFFFFC00  }
0x103: {  	_ =	swait.ge [sflag:s28], $0x400  }
0x104: {  	[sflag:s28] =	ssyncset.done $0x0  }
0x105: {  	[sflag:s28] =	ssyncadd.s32 $0xFFFFFC00  }
0x106: {  	[tilespmem:s30], [sflag:$0x1] =	stream.indirect.gather [hbm4b:s8+s29], $0x8, s25, s29, $0xb8;
	[tilespmem:$0x17600] =	vst v63  }
0x107: {  	_ =	swait.ge [sflag:s21], $0x2000  }
0x108: {  	[sflag:s21] =	ssyncset.done $0x0  }
0x109: {  	[sflag:s21] =	ssyncadd.s32 $0xFFFFE000  }
0x10a: {  	[spmem:s1] =	stream.indirect.scatter.add.f32 [tilespmem:s10], [sflag:$0x2], $0x8, s0, s29, $0xb8;
	[tilespmem:$0x17600] =	vst v63  }
0x10b: {  	_ =	swait.ge [sflag:s12], $0x2000  }
0x10c: {  	[sflag:s12] =	ssyncset.done $0x0  }
0x10d: {  	s3 =	simm.s32 $0x0;
	s15 =	rddreg [dreg:$0xb];
	[sflag:s12] =	ssyncadd.s32 $0xFFFFE000  }
0x10e: {  	[tilespmem:s31], [sflag:$0x3] =	stream.linear.gather [hbm4b:s15+s3], $0x400, $0x38;
	[tilespmem:$0x17600] =	vst v63  }
0x10f: {  	s18 =	rddreg [dreg:$0xc]  }
0x110: {  	[tilespmem:s0], [sflag:$0x3] =	stream.linear.gather [hbm4b:s18+s3], $0x400, $0x38;
	[tilespmem:$0x17600] =	vst v63  }
0x111: {  	_ =	swait.ge [sflag:s21], $0x2000  }
0x112: {  	[sflag:s21] =	ssyncset.done $0x0  }
0x113: {  	[sflag:s21] =	ssyncadd.s32 $0xFFFFE000  }
0x114: {  	[spmem:s1] =	stream.indirect.scatter.add.f32 [tilespmem:s30], [sflag:$0x2], $0x8, s26, s29, $0xb8;
	[tilespmem:$0x17600] =	vst v63  }
0x115: {  	_ =	swait.ge [sflag:s28], $0x400  }
0x116: {  	[sflag:s28] =	ssyncset.done $0x0  }
0x117: {  	[sflag:s28] =	ssyncadd.s32 $0xFFFFFC00  }
0x118: {  	_ =	swait.ge [sflag:s28], $0x400  }
0x119: {  	[sflag:s28] =	ssyncset.done $0x0  }
0x11a: {  	[sflag:s28] =	ssyncadd.s32 $0xFFFFFC00  }
0x11b: {  	[tilespmem:s10], [sflag:$0x1] =	stream.indirect.gather [hbm4b:s8+s29], $0x8, s31, s29, $0xb8;
	[tilespmem:$0x17600] =	vst v63  }
0x11c: {  	_ =	swait.ge [sflag:s12], $0x2000  }
0x11d: {  	[sflag:s12] =	ssyncset.done $0x0  }
0x11e: {  	[sflag:s12] =	ssyncadd.s32 $0xFFFFE000  }
0x11f: {  	_ =	swait.ge [sflag:s21], $0x2000  }
0x120: {  	[sflag:s21] =	ssyncset.done $0x0  }
0x121: {  	[sflag:s21] =	ssyncadd.s32 $0xFFFFE000  }
0x122: {  	[spmem:s1] =	stream.indirect.scatter.add.f32 [tilespmem:s10], [sflag:$0x2], $0x8, s0, s29, $0xb8;
	[tilespmem:$0x17600] =	vst v63  }
0x123: {  	_ =	swait.ge [sflag:s12], $0x2000  }
0x124: {  	[sflag:s12] =	ssyncset.done $0x0  }
0x125: {  	[sflag:s12] =	ssyncadd.s32 $0xFFFFE000  }
0x126: {  	s9 =	simm.s32 $0x0;
	s13 =	simm.s32 $0x0;
	[bflag:$0x0] =	sbarrier.arrive $0xFFFF  }
.LBB2_10:
0x127: {  	s5 =	smul.u32 $0x310, s13;
	_ =	sdelay $0x1  }
0x128: {  	s14 =	sadd.s32 s6, s5  }
0x129: {  	v3 =	vmov s3;
	s5 =	sshll.u32 s14, $0x3  }
0x12a: {  	s7 =	sadd.s32 $0x0, s9;
	v3 =	vshll.u32 v3, $0x3;
	s5 =	sand.u32 $0x3FFFFFF8, s5  }
0x12b: {  	v4 =	vor.u32 s7, v0;
	v3 =	vor.u32 v1, v3;
	s5 =	sadd.s32 s5, s1  }
0x12c: {  	v3 =	vor.u32 v2, v3;
	[tilespmem:s22], [sflag:$0x4] =	stream.linear.gather [spmem:s5], $0x1880, $0x38;
	[tilespmem:$0x17600] =	vst v63  }
0x12d: {  	_ =	swait.ge [sflag:s20], $0x1880  }
0x12e: {  	[sflag:s20] =	ssyncset.done $0x0  }
0x12f: {  	[sflag:s20] =	ssyncadd.s32 $0xFFFFE780  }
0x130: {  	v4 =	vld.idx.msk [tilespmem:v4+s24+$0x0], $0xffff  }
0x131: {  	s5 =	simm.s32 $0x2;
	v5 =	vld.idx.msk [tilespmem:v3+s22+$0x0], $0xffff  }
0x132: {  	s15 =	simm.s32 $0x4;
	v6 =	vmov s5  }
.LBB2_11:
0x133: {  	p1 =	sne.s32 s15, $0x30E;
	v6 =	vshll.u32 v6, $0x3;
	s7 =	sadd.s32 s5, s9;
	s5 =	smov.u32 s15  }
0x134: {  	v6 =	vor.u32 v1, v6;
	v7 =	vor.u32 s7, v0  }
0x135: {  	v6 =	vor.u32 v2, v6  }
0x136: {  	v4 =	vmul.f32 v4, v5;
	_ =	sdelay $0x1  }
.Ltmp4:
0x137: {  	[tilespmem:v3+s22+$0x0] =	vst.idx.msk $0xffff, v4;
	v3 =	vmov v6;
	(pc) =	sbr.rel @p1 .LBB2_11-.Ltmp4, $3  }
0x138: {  	v4 =	vld.idx.msk [tilespmem:v7+s24+$0x0], $0xffff  }
0x139: {  	v5 =	vld.idx.msk [tilespmem:v6+s22+$0x0], $0xffff;
	_ =	sdelay $0x1  }
0x13a: {  	s15 =	sadd.s32 $0x2, s15;
	v6 =	vmov s5  }
0x13b: {  	v6 =	vshll.u32 v6, $0x3;
	s5 =	sadd.s32 s5, s9  }
0x13c: {  	v6 =	vor.u32 v1, v6;
	v7 =	vor.u32 s5, v0  }
0x13d: {  	v6 =	vor.u32 v2, v6  }
0x13e: {  	v4 =	vmul.f32 v4, v5;
	_ =	sdelay $0x1  }
0x13f: {  	[tilespmem:v3+s22+$0x0] =	vst.idx.msk $0xffff, v4  }
0x140: {  	v3 =	vld.idx.msk [tilespmem:v7+s24+$0x0], $0xffff  }
0x141: {  	v4 =	vld.idx.msk [tilespmem:v6+s22+$0x0], $0xffff;
	_ =	sdelay $0x4  }
0x142: {  	s13 =	sadd.s32 $0x1, s13;
	v3 =	vmul.f32 v3, v4  }
0x143: {  	p1 =	sne.s32 s13, $0x8  }
.Ltmp5:
0x144: {  	s18 =	sadd.s32 s14, s11;
	[tilespmem:v6+s22+$0x0] =	vst.idx.msk $0xffff, v3;
	(pc) =	sbr.rel @p1 .LBB2_10-.Ltmp5, $4  }
0x145: {  	[hbm4b:s18+s2] =	stream.linear.scatter [tilespmem:s22], [sflag:$0x4], $0x1880, $0x38;
	[tilespmem:$0x17600] =	vst v63  }
0x146: {  	_ =	swait.ge [sflag:s20], $0x1880  }
0x147: {  	[sflag:s20] =	ssyncset.done $0x0  }
0x148: {  	s9 =	sadd.s32 $0x310, s9;
	[sflag:s20] =	ssyncadd.s32 $0xFFFFE780  }
0x149: {  	s5 =	rddreg [dreg:$0xe]  }
0x14a: {  	s3 =	rddreg [dreg:$0xa];
	s5 =	sadd.s32 $0x1, s5  }
0x14b: {  	p1 =	sne.s32 s5, s3  }
.Ltmp6:
0x14c: {  	_ = 	snop;
	(pc) =	sbr.rel @p1 .LBB2_1-.Ltmp6, $1  }
0x14d: {  	_ =	sdelay $0x3  }
0x14e: {  	_ =	sfence.sel $0x180000  }
0x14f: {  	[bflag:$0x0] =	sbarrier.arrive $0xFFFF  }
0x150: {  	_ =	strace $0x9000004D  }
0x151: {  	[bflag:$0x2] =	sbarrier.arrive $0xFFFF  }
0x152: {  	p0 =	sne.s32 s16, $0x0;
	s0 =	rddreg [dreg:$0x3]  }
0x153: {  	s0 =	sadd.s32 @!p0 $0x100000, s0  }
0x154: {  	[sflag:s0] =	ssyncadd.tile.s32 @!p0 $0x1;
	_ =	shalt  }
.Lfunc_end2:
_tile_overlayer_lowered:
.L_overlay_start_2:
0x155: {  	(tag) =	ssettag $0x2  }
0x156: {  	s0 =	rddreg [dreg:$0x0];
	s2 =	stileid.u32  }
0x157: {  	s1 =	rddreg [dreg:$0x1];
	p0 =	sne.s32 s2, $0x0  }
0x158: {  	s3 =	rddreg [dreg:$0x2];
	[bflag:$0x3] =	sbarrier.arrive $0xFFFF;
	s2 =	simm.s32 @!p0 $0x1C04  }
0x159: {  	[timem:s3], [sflag:s2] =	dma.local @!p0 [hbm:s0], s1  }
0x15a: {  	s0 =	simm.s32 @!p0 $0x4  }
0x15b: {  	_ =	swait.ge @!p0 [sflag:s0], s1  }
0x15c: {  	s1 =	ssub.s32 @!p0 $0x0, s1;
	[sflag:s0] =	ssyncset.done @!p0 $0x0  }
0x15d: {  	[sflag:s0] =	ssyncadd.s32 @!p0 s1  }
0x15e: {  	[bflag:$0x3] =	sbarrier.arrive $0xFFFF  }
0x15f: {  	_ =	shalt  }

// kernel: kernel.7.cloned.1.call-start
scs
__scs_entry_jumppad:
0x0: {  	(pc) =	sbr.rel $0x88, $3  }
0x1: {  	(tag) =	ssettag $0x0;
	lr =	simm.s32 $0x1  }
0x2: {  	[smem:$0x3F9B] =	sst lr;
	_ =	strace $0xD0000000  }
0x3: {  	_ = 	snop  }
0x4: {  	_ = 	snop  }
0x5: {  	_ = 	snop  }
0x6: {  	_ = 	snop  }
0x7: {  	_ = 	snop  }
__scs_overlays_trampoline_lowered:
0x8: {  	[smem:$0x3FAA] =	sst s0  }
0x9: {  	[smem:$0x3FAB] =	sst s1  }
0xa: {  	[smem:$0x3FAC] =	sst s2  }
0xb: {  	[smem:$0x3FAD] =	sst s3  }
0xc: {  	[smem:$0x3FAE] =	sst s4  }
0xd: {  	[smem:$0x3FAF] =	sst s5  }
0xe: {  	[smem:$0x3FB0] =	sst s6  }
0xf: {  	[smem:$0x3FB1] =	sst s7  }
0x10: {  	[smem:$0x3FB2] =	sst s8  }
0x11: {  	[smem:$0x3FB3] =	sst s9;
	s0 =	simm.s32 @!p0 $0x0  }
0x12: {  	s1 =	sld [smem:$0x3F99];
	s0 =	simm.s32 @p0 $0x1  }
0x13: {  	[smem:$0x3FB4] =	sst s0;
	s0 =	simm.s32 @!p1 $0x0  }
0x14: {  	s2 =	sld [smem:$0x3F98];
	s0 =	simm.s32 @p1 $0x1  }
0x15: {  	[smem:$0x3FB5] =	sst s0;
	s0 =	simm.s32 @!p2 $0x0  }
0x16: {  	s3 =	sld [smem:$0x3FDB];
	s0 =	simm.s32 @p2 $0x1  }
0x17: {  	s4 =	simm.s32 $0x1BF5;
	[smem:$0x3FB7] =	sst s0  }
0x18: {  	s0 =	sld [smem:$0x3F9A];
	_ =	swait.ge [sflag:s4], $0x0  }
0x19: {  	s7 =	sld [smem:$0x3F9B]  }
0x1a: {  	s8 =	sadd.s32 $0xFFFFE003, lr  }
0x1b: {  	s9 =	sadd.s32 $0xFFFFFEF7, lr;
	s5 =	simm.s32 $0xFFFFFFFF;
	p2 =	slt.u32 s8, $0xFFFFF086  }
0x1c: {  	p1 =	slt.u32 s9, $0xF7A;
	s5 =	simm.s32 @!p2 $0x0  }
0x1d: {  	s5 =	simm.s32 @p1 $0x1;
	p0 =	seq.s32 s7, s2  }
0x1e: {  	s7 =	smul.u32 @!p0 $0xF7A, s2;
	p2 =	seq.s32 @!p0 s5, $0x0  }
0x1f: {  	s9 =	smul.u32 $0xF7A, s1;
	s8 =	simm.s32 @!p0 $0x1BF5;
	p2 =	por !p2, p0  }
0x20: {  	[sflag:s8] =	ssyncset.s32 @!p0 $0xFFFFF086;
	s6 =	sadd.s32 @!p0 s3, s7;
	s7 =	simm.s32 @!p0 $0x108  }
0x21: {  	s3 =	sadd.s32 s3, s9;
	s6 =	sadd.s32 @!p0 $0x88, s6;
	s7 =	simm.s32 @p2 $0x1082  }
0x22: {  	[simem:s7], [sflag:s8] =	dma.local @!p0 [hbm:s6], $0xF7A  }
0x23: {  	s9 =	sor.u32 $0xD0000000, s2;
	s6 =	simm.s32 $0x108;
	_ =	swait.ge @!p0 [sflag:s8], $0x0  }
0x24: {  	s3 =	sadd.s32 $0x88, s3;
	s6 =	simm.s32 @!p1 $0x1082;
	[sflag:s4] =	ssyncset.s32 $0xFFFFF086  }
0x25: {  	[simem:s6], [sflag:s4] =	dma.local [hbm:s3], $0xF7A  }
0x26: {  	[smem:$0x3F9B] =	sst s1;
	(tag) =	ssettag s2;
	_ =	strace s9  }
0x27: {  	s1 =	sld [smem:$0x3FAB]  }
0x28: {  	s2 =	sld [smem:$0x3FAC]  }
0x29: {  	s4 =	sld [smem:$0x3FAE]  }
0x2a: {  	p0 =	seq.s32 s5, $0x0;
	s5 =	sld [smem:$0x3FAF]  }
0x2b: {  	s6 =	sld [smem:$0x3FB0]  }
0x2c: {  	s7 =	sld [smem:$0x3FB1]  }
0x2d: {  	s3 =	simm.s32 $0x108;
	s8 =	sld [smem:$0x3FB2]  }
0x2e: {  	s3 =	simm.s32 @!p0 $0x1082;
	s9 =	sld [smem:$0x3FB3]  }
0x2f: {  	lr =	sadd.s32 s0, s3;
	s0 =	sld [smem:$0x3FAA]  }
0x30: {  	s3 =	sld [smem:$0x3FAD]  }
0x31: {  	[smem:$0x3FB6] =	sst s10  }
0x32: {  	s10 =	sld [smem:$0x3FB4];
	_ =	sdelay $0x3  }
0x33: {  	p0 =	seq.s32 s10, $0x1;
	s10 =	sld [smem:$0x3FB6];
	_ =	sdelay $0x3  }
0x34: {  	[smem:$0x3FB6] =	sst s10  }
0x35: {  	s10 =	sld [smem:$0x3FB5];
	_ =	sdelay $0x3  }
0x36: {  	p1 =	seq.s32 s10, $0x1;
	s10 =	sld [smem:$0x3FB6];
	_ =	sdelay $0x3  }
0x37: {  	[smem:$0x3FB6] =	sst s10  }
0x38: {  	s10 =	sld [smem:$0x3FB7]  }
0x39: {  	_ = 	snop;
	(pc) =	sbr.ind lr, $3  }
0x3a: {  	_ = 	snop  }
0x3b: {  	_ = 	snop  }
0x3c: {  	p2 =	seq.s32 s10, $0x1;
	s10 =	sld [smem:$0x3FB6]  }
0x3d: {  	_ =	shalt  }
0x3e: {  	_ =	shalt  }
0x3f: {  	_ =	shalt  }
0x40: {  	_ =	shalt  }
0x41: {  	_ =	shalt  }
0x42: {  	_ =	shalt  }
0x43: {  	_ =	shalt  }
0x44: {  	_ =	shalt  }
0x45: {  	_ =	shalt  }
0x46: {  	_ =	shalt  }
0x47: {  	_ =	shalt  }
0x48: {  	_ =	shalt  }
0x49: {  	_ =	shalt  }
0x4a: {  	_ =	shalt  }
0x4b: {  	_ =	shalt  }
0x4c: {  	_ =	shalt  }
0x4d: {  	_ =	shalt  }
0x4e: {  	_ =	shalt  }
0x4f: {  	_ =	shalt  }
0x50: {  	_ =	shalt  }
0x51: {  	_ =	shalt  }
0x52: {  	_ =	shalt  }
0x53: {  	_ =	shalt  }
0x54: {  	_ =	shalt  }
0x55: {  	_ =	shalt  }
0x56: {  	_ =	shalt  }
0x57: {  	_ =	shalt  }
0x58: {  	_ =	shalt  }
0x59: {  	_ =	shalt  }
0x5a: {  	_ =	shalt  }
0x5b: {  	_ =	shalt  }
0x5c: {  	_ =	shalt  }
0x5d: {  	_ =	shalt  }
0x5e: {  	_ =	shalt  }
0x5f: {  	_ =	shalt  }
0x60: {  	_ =	shalt  }
0x61: {  	_ =	shalt  }
0x62: {  	_ =	shalt  }
0x63: {  	_ =	shalt  }
0x64: {  	_ =	shalt  }
0x65: {  	_ =	shalt  }
0x66: {  	_ =	shalt  }
0x67: {  	_ =	shalt  }
0x68: {  	_ =	shalt  }
0x69: {  	_ =	shalt  }
0x6a: {  	_ =	shalt  }
0x6b: {  	_ =	shalt  }
0x6c: {  	_ =	shalt  }
0x6d: {  	_ =	shalt  }
0x6e: {  	_ =	shalt  }
0x6f: {  	_ =	shalt  }
0x70: {  	_ =	shalt  }
0x71: {  	_ =	shalt  }
0x72: {  	_ =	shalt  }
0x73: {  	_ =	shalt  }
0x74: {  	_ =	shalt  }
0x75: {  	_ =	shalt  }
0x76: {  	_ =	shalt  }
0x77: {  	_ =	shalt  }
0x78: {  	_ =	shalt  }
0x79: {  	_ =	shalt  }
0x7a: {  	_ =	shalt  }
0x7b: {  	_ =	shalt  }
0x7c: {  	_ =	shalt  }
0x7d: {  	_ =	shalt  }
0x7e: {  	_ =	shalt  }
0x7f: {  	_ =	shalt  }
0x80: {  	_ =	shalt  }
0x81: {  	_ =	shalt  }
0x82: {  	_ =	shalt  }
0x83: {  	_ =	shalt  }
0x84: {  	_ =	shalt  }
0x85: {  	_ =	shalt  }
0x86: {  	_ =	shalt  }
0x87: {  	_ =	shalt  }
.Lfunc_end0:
.L_simem_size_0:
called_computation_lowered:
.L_overlay_start_0:
0x88: {  	s2 =	sld [smem:$0x3FD9]  }
0x89: {  	s3 =	sld [smem:$0x3FFE];
	_ =	sdelay $0x1  }
0x8a: {  	s1 =	srdreg.scid  }
0x8b: {  	s0 =	sand.u32 $0x1, s1  }
0x8c: {  	s17 =	sshll.u32 s0, $0xA;
	s2 =	sadd.s32 s3, s2  }
0x8d: {  	s2 =	sadd.s32 s2, s17  }
0x8e: {  	[smem:$0x3FC2] =	sst s2  }
0x8f: {  	_ = 	snop  }
0x90: {  	s2 =	sld [smem:$0x3FD0];
	(tm) =	ssettm $0x1  }
0x91: {  	s18 =	sld [smem:$0x3FFB];
	_ =	sdelay $0x3  }
0x92: {  	_ =	strace s18  }
0x93: {  	s3 =	sld [smem:$0x3FFC];
	_ =	sdelay $0x3  }
0x94: {  	_ =	strace s3  }
0x95: {  	s3 =	sld [smem:$0x3FFD];
	_ =	sdelay $0x3  }
0x96: {  	_ =	strace s3  }
0x97: {  	_ =	strace $0x8FFFFFFF  }
0x98: {  	s19 =	sld [smem:$0x3FDB];
	_ =	sdelay $0x1  }
0x99: {  	s4 =	simm.s32 $_scs_section_size  }
0x9a: {  	s5 =	simm.s32 $_size__tile_overlayer_lowered;
	s6 =	simm.s32 $_tile_overlayer_lowered  }
0x9b: {  	s22 =	simm.s32 $0x1BFF;
	s21 =	sshll.u32 s6, $0x1;
	s3 =	sadd.s32 s4, s19  }
0x9c: {  	s7 =	simm.s32 $0x0;
	s20 =	sshll.u32 s5, $0x1;
	s5 =	sadd.s32 s21, s3  }
0x9d: {  	[timem:s7], [sflag:s22] =	dma.local [hbm:s5], s20  }
0x9e: {  	_ =	swait.ge [sflag:s22], s20  }
0x9f: {  	s4 =	ssub.s32 $0x0, s20;
	[sflag:s22] =	ssyncset.done $0x0  }
0xa0: {  	[sflag:s22] =	ssyncadd.s32 s4;
	_ =	sdelay $0x1  }
0xa1: {  	s23 =	simm.s32 $0x1B8B  }
0xa2: {  	_ =	swait.ge [sflag:s23], $0x1  }
0xa3: {  	[sflag:s23] =	ssyncset.done $0x0  }
0xa4: {  	s25 =	simm.s32 $0x1B8E;
	s24 =	sld [smem:$0x3FFE];
	[sflag:s23] =	ssyncadd.s32 $0xFFFFFFFF  }
0xa5: {  	s26 =	simm.s32 $execute0_lowered;
	[smem:$0x3FD2] =	sst s25  }
0xa6: {  	s5 =	sshll.u32 s26, $0x1;
	_ =	strace $0x80000046;
	[dreg:$0x1] =	wrdreg $0xFFFFFFFF  }
0xa7: {  	s28 =	simm.s32 $_size_execute0_lowered;
	s3 =	sadd.s32 s3, s5;
	[dreg:$0x0] =	wrdreg $0x0  }
0xa8: {  	s5 =	sshll.u32 s28, $0x1;
	[dreg:$0x2] =	wrdreg s3  }
0xa9: {  	[dreg:$0x3] =	wrdreg s5  }
0xaa: {  	[dreg:$0x4] =	wrdreg $0xC0  }
0xab: {  	_ =	task [dreg:s7], $0x5FFFF  }
0xac: {  	[dreg:$0x1] =	wrdreg $0xFFFFFFFF  }
0xad: {  	[dreg:$0x0] =	wrdreg $0x60  }
0xae: {  	[dreg:$0x2] =	wrdreg s24  }
0xaf: {  	[dreg:$0x3] =	wrdreg s2  }
0xb0: {  	[dreg:$0x4] =	wrdreg $0xC000  }
0xb1: {  	[dreg:$0x5] =	wrdreg $0x9  }
0xb2: {  	_ =	task.clear_ibuf [dreg:s7], $0x6FFFF;
	_ =	strace $0x90000046  }
0xb3: {  	s29 =	simm.s32 $0x9;
	_ =	strace $0x80000048  }
0xb4: {  	_ =	swait.ge [sflag:s29], $0x1  }
0xb5: {  	[sflag:s29] =	ssyncadd.s32 $0xFFFFFFFF  }
0xb6: {  	_ =	strace $0x90000048  }
0xb7: {  	_ =	sfence  }
0xb8: {  	s30 =	sld [smem:$0x0];
	_ =	sdelay $0x2  }
0xb9: {  	s31 =	sshll.u32 s1, $0xD;
	s1 =	sshrl.u32 s1, $0x2  }
0xba: {  	s3 =	sand.u32 $0x4000, s31;
	s1 =	sadd.s32 s1, s30  }
0xbb: {  	s0 =	sor.u32 s3, s0;
	s1 =	sshll.u32 s1, $0x11  }
0xbc: {  	s0 =	sor.u32 s1, s0  }
0xbd: {  	s0 =	sadd.s32 $0x8F2B, s0  }
0xbe: {  	[sflag:s0] =	ssyncadd.remote.s32 $0x1  }
0xbf: {  	_ =	sfence.sel $0xFFFF  }
0xc0: {  	[dreg:$0x0] =	wrdreg $0xFFFFFFFF;
	(pc) =	sbr.abs _section_cstart, $3  }
0xc1: {  	[dreg:$0x1] =	wrdreg $0xFFFFFFFF  }
0xc2: {  	_ =	task.clear_ibuf [dreg:s7], $0x2FFFF;
	_ =	strace $0x9FFFFFFF  }
0xc3: {  	(tm) =	ssettm $0x7FFFFFFF  }
tec
execute0_lowered:
.L_overlay_start_1:
0x0: {  	(tag) =	ssettag $0x1  }
0x1: {  	s6 =	rddreg [dreg:$0x0]  }
0x2: {  	s7 =	rddreg [dreg:$0x1]  }
0x3: {  	s1 =	rddreg [dreg:$0x2]  }
0x4: {  	s0 =	rddreg [dreg:$0x3];
	s3 =	simm.s32 $0x0  }
0x5: {  	s4 =	srdreg.scid;
	s2 =	stileid.u32;
	s16 =	simm.s32 $0x800  }
0x6: {  	s17 =	simm.s32 $0x400;
	s18 =	simm.s32 $0x2;
	s19 =	simm.s32 $0x1  }
0x7: {  	s20 =	simm.s32 $0x20;
	s21 =	simm.s32 $0x10;
	s22 =	simm.s32 $0x0  }
0x8: {  	[smem:$0x7FF] =	sst s3;
	s8 =	sand.u32 $0x1, s4;
	s5 =	smul.u32 $0x3100, s2  }
0x9: {  	s4 =	sadd.s32 $0x2800, s6;
	s10 =	sshll.u32 s2, $0x1;
	s11 =	smul.u32 $0x1880, s2  }
0xa: {  	s12 =	smul.u32 $0x31000, s2;
	s29 =	sshll.u32 s2, $0x6;
	_ =	strace $0x80000047  }
0xb: {  	s9 =	sshll.u32 s8, $0x7;
	s10 =	sor.u32 s8, s10;
	s28 =	ssub.s32 $0x2, s8  }
0xc: {  	s8 =	smul.u32 $0x18800, s8;
	s9 =	sor.u32 s9, s5;
	s5 =	sadd.s32 $0x64800, s6  }
0xd: {  	s10 =	smul.u32 $0x18800, s10;
	s13 =	sshrl.u32 s28, $0x1;
	s14 =	sshrl.u32 s11, $0x3  }
0xe: {  	s15 =	sadd.s32 s11, s1;
	s9 =	sshrl.u32 s9, $0x3;
	s13 =	ssub.s32 s28, s13  }
0xf: {  	s12 =	sadd.s32 s8, s12;
	s9 =	sadd.s32 s9, s6;
	s6 =	sadd.s32 s7, s14  }
0x10: {  	s10 =	sshrl.u32 s10, $0x3;
	s7 =	sor.u32 $0x1C03, s29;
	s30 =	sor.u32 $0x400, s12  }
0x11: {  	s12 =	sadd.s32 $0x800, s12;
	s14 =	sshrl.u32 s15, $0x3;
	s15 =	simm.s32 $0x3  }
0x12: {  	s8 =	sadd.s32 s4, s10;
	s9 =	sadd.s32 $0x64A00, s9;
	s31 =	sshrl.u32 s30, $0x3  }
0x13: {  	s10 =	smax.u32 s13, $0x1;
	s11 =	sadd.s32 $0x3080, s8;
	s13 =	sadd.s32 s31, s4  }
.LBB2_1:
0x14: {  	[spmem:s14], [sflag:s7] =	dma.local [hbm:s6], $0x310  }
0x15: {  	_ =	swait.ge [sflag:s15], $0x310  }
0x16: {  	[sflag:s15] =	ssyncset.done $0x0  }
0x17: {  	[sflag:s15] =	ssyncadd.s32 $0xFFFFFCF0  }
0x18: {  	[tilespmem:s16], [sflag:$0x3] =	stream.linear.gather [hbm4b:s5+s3], $0x400, $0x38;
	[tilespmem:$0x2480] =	vst v63  }
0x19: {  	_ =	swait.ge [sflag:s15], $0x400  }
0x1a: {  	[sflag:s15] =	ssyncset.done $0x0  }
0x1b: {  	[sflag:s15] =	ssyncadd.s32 $0xFFFFFC00  }
0x1c: {  	[bflag:$0x0] =	sbarrier.arrive $0xFFFF  }
0x1d: {  	[tilespmem:s3], [sflag:$0x2] =	stream.linear.gather [hbm4b:s8+s3], $0x400, $0x38;
	[tilespmem:$0x2480] =	vst v63  }
0x1e: {  	s23 =	sadd.s32 $0x0, s13  }
0x1f: {  	[tilespmem:s17], [sflag:$0x2] =	stream.linear.gather [hbm4b:s23+s3], $0x400, $0x38;
	[tilespmem:$0x2480] =	vst v63  }
0x20: {  	_ =	swait.ge [sflag:s18], $0x400  }
0x21: {  	[sflag:s18] =	ssyncset.done $0x0  }
0x22: {  	[sflag:s18] =	ssyncadd.s32 $0xFFFFFC00  }
0x23: {  	[spmem:s1] =	stream.indirect.scatter.add.f32 [tilespmem:s16], [sflag:$0x1], $0x1, s3, s17, $0xb8;
	[tilespmem:$0x2480] =	vst v63  }
0x24: {  	_ =	swait.ge [sflag:s18], $0x400  }
0x25: {  	[sflag:s18] =	ssyncset.done $0x0  }
0x26: {  	[sflag:s18] =	ssyncadd.s32 $0xFFFFFC00  }
0x27: {  	[spmem:s1] =	stream.indirect.scatter.add.f32 [tilespmem:s16], [sflag:$0x1], $0x1, s17, s17, $0xb8;
	[tilespmem:$0x2480] =	vst v63  }
0x28: {  	_ =	swait.ge [sflag:s19], $0x400  }
0x29: {  	s31 =	sshrl.u32 s12, $0x3;
	[sflag:s19] =	ssyncset.done $0x0  }
0x2a: {  	s23 =	sadd.s32 s4, s31;
	[sflag:s19] =	ssyncadd.s32 $0xFFFFFC00  }
0x2b: {  	[tilespmem:s3], [sflag:$0x2] =	stream.linear.gather [hbm4b:s23+s3], $0x400, $0x38;
	[tilespmem:$0x2480] =	vst v63  }
0x2c: {  	s24 =	simm.s32 $0x100;
	_ =	swait.ge [sflag:s19], $0x400  }
0x2d: {  	s25 =	simm.s32 $0x200;
	s23 =	sadd.s32 $0x800, s12;
	[sflag:s19] =	ssyncset.done $0x0  }
.LBB2_2:
0x2e: {  	s26 =	sadd.s32 s24, s13  }
0x2f: {  	[sflag:s19] =	ssyncadd.s32 $0xFFFFFC00;
	s24 =	smov.u32 s25;
	s28 =	sadd.s32 $0x100, s25  }
0x30: {  	[tilespmem:s17], [sflag:$0x2] =	stream.linear.gather [hbm4b:s26+s3], $0x400, $0x38;
	[tilespmem:$0x2480] =	vst v63  }
0x31: {  	p0 =	sne.s32 s25, $0x2F00;
	_ =	swait.ge [sflag:s18], $0x400  }
0x32: {  	[sflag:s18] =	ssyncset.done $0x0  }
0x33: {  	[sflag:s18] =	ssyncadd.s32 $0xFFFFFC00  }
0x34: {  	[spmem:s1] =	stream.indirect.scatter.add.f32 [tilespmem:s16], [sflag:$0x1], $0x1, s3, s17, $0xb8;
	[tilespmem:$0x2480] =	vst v63  }
0x35: {  	_ =	swait.ge [sflag:s18], $0x400  }
0x36: {  	[sflag:s18] =	ssyncset.done $0x0  }
0x37: {  	[sflag:s18] =	ssyncadd.s32 $0xFFFFFC00  }
0x38: {  	[spmem:s1] =	stream.indirect.scatter.add.f32 [tilespmem:s16], [sflag:$0x1], $0x1, s17, s17, $0xb8;
	[tilespmem:$0x2480] =	vst v63  }
0x39: {  	_ =	swait.ge [sflag:s19], $0x400  }
.Ltmp0:
0x3a: {  	s25 =	sshrl.u32 s23, $0x3;
	[sflag:s19] =	ssyncset.done $0x0;
	(pc) =	sbr.rel @p0 .LBB2_2-.Ltmp0, $4  }
0x3b: {  	s25 =	sadd.s32 s4, s25;
	[sflag:s19] =	ssyncadd.s32 $0xFFFFFC00  }
0x3c: {  	[tilespmem:s3], [sflag:$0x2] =	stream.linear.gather [hbm4b:s25+s3], $0x400, $0x38;
	[tilespmem:$0x2480] =	vst v63  }
0x3d: {  	_ =	swait.ge [sflag:s19], $0x400  }
0x3e: {  	s23 =	sadd.s32 $0x800, s23;
	s25 =	smov.u32 s28;
	[sflag:s19] =	ssyncset.done $0x0  }
0x3f: {  	s24 =	sadd.s32 s24, s13;
	[sflag:s19] =	ssyncadd.s32 $0xFFFFFC00  }
0x40: {  	[tilespmem:s17], [sflag:$0x2] =	stream.linear.gather [hbm4b:s24+s3], $0x400, $0x38;
	[tilespmem:$0x2480] =	vst v63  }
0x41: {  	_ =	swait.ge [sflag:s18], $0x400  }
0x42: {  	[sflag:s18] =	ssyncset.done $0x0  }
0x43: {  	[sflag:s18] =	ssyncadd.s32 $0xFFFFFC00  }
0x44: {  	[spmem:s1] =	stream.indirect.scatter.add.f32 [tilespmem:s16], [sflag:$0x1], $0x1, s3, s17, $0xb8;
	[tilespmem:$0x2480] =	vst v63  }
0x45: {  	_ =	swait.ge [sflag:s18], $0x400  }
0x46: {  	[sflag:s18] =	ssyncset.done $0x0  }
0x47: {  	[sflag:s18] =	ssyncadd.s32 $0xFFFFFC00  }
0x48: {  	[spmem:s1] =	stream.indirect.scatter.add.f32 [tilespmem:s16], [sflag:$0x1], $0x1, s17, s17, $0xb8;
	[tilespmem:$0x2480] =	vst v63  }
0x49: {  	_ =	swait.ge [sflag:s19], $0x400  }
0x4a: {  	s23 =	sshrl.u32 s23, $0x3;
	[sflag:s19] =	ssyncset.done $0x0  }
0x4b: {  	s23 =	sadd.s32 s4, s23;
	[sflag:s19] =	ssyncadd.s32 $0xFFFFFC00  }
0x4c: {  	[tilespmem:s3], [sflag:$0x2] =	stream.linear.gather [hbm4b:s23+s3], $0x400, $0x38;
	[tilespmem:$0x2480] =	vst v63  }
0x4d: {  	_ =	swait.ge [sflag:s19], $0x400  }
0x4e: {  	[sflag:s19] =	ssyncset.done $0x0  }
0x4f: {  	[sflag:s19] =	ssyncadd.s32 $0xFFFFFC00  }
0x50: {  	[tilespmem:s17], [sflag:$0x2] =	stream.linear.gather [hbm4b:s11+s3], $0x400, $0x38;
	[tilespmem:$0x2480] =	vst v63  }
0x51: {  	_ =	swait.ge [sflag:s18], $0x400  }
0x52: {  	[sflag:s18] =	ssyncset.done $0x0  }
0x53: {  	[sflag:s18] =	ssyncadd.s32 $0xFFFFFC00  }
0x54: {  	[spmem:s1] =	stream.indirect.scatter.add.f32 [tilespmem:s16], [sflag:$0x1], $0x1, s3, s17, $0xb8;
	[tilespmem:$0x2480] =	vst v63  }
0x55: {  	_ =	swait.ge [sflag:s18], $0x400  }
0x56: {  	[sflag:s18] =	ssyncset.done $0x0  }
0x57: {  	[sflag:s18] =	ssyncadd.s32 $0xFFFFFC00  }
0x58: {  	[spmem:s1] =	stream.indirect.scatter.add.f32 [tilespmem:s16], [sflag:$0x1], $0x1, s17, s17, $0xb8;
	[tilespmem:$0x2480] =	vst v63  }
0x59: {  	_ =	swait.ge [sflag:s19], $0x400  }
0x5a: {  	[sflag:s19] =	ssyncset.done $0x0  }
0x5b: {  	[sflag:s19] =	ssyncadd.s32 $0xFFFFFC00  }
0x5c: {  	_ =	swait.ge [sflag:s19], $0x400  }
0x5d: {  	s22 =	sadd.s32 $0x1, s22;
	[sflag:s19] =	ssyncset.done $0x0  }
0x5e: {  	p0 =	sne.s32 s22, s10;
	[sflag:s19] =	ssyncadd.s32 $0xFFFFFC00  }
.Ltmp1:
0x5f: {  	[bflag:$0x0] =	sbarrier.arrive $0xFFFF;
	(pc) =	sbr.rel @p0 .LBB2_1-.Ltmp1, $4  }
0x60: {  	[hbm:s9@s20], [sflag:s7] =	dma.strided [spmem:s14@s21], $0x310, s19, $0x10   }
0x61: {  	_ =	swait.ge [sflag:s15], $0x310  }
0x62: {  	[sflag:s15] =	ssyncset.done $0x0  }
0x63: {  	[sflag:s15] =	ssyncadd.s32 $0xFFFFFCF0  }
0x64: {  	_ =	sfence.sel $0x180000  }
0x65: {  	[bflag:$0x0] =	sbarrier.arrive $0xFFFF  }
0x66: {  	p0 =	sne.s32 s2, $0x0;
	_ =	strace $0x90000047  }
0x67: {  	s0 =	sadd.s32 @!p0 $0x100000, s0;
	[bflag:$0x2] =	sbarrier.arrive $0xFFFF  }
0x68: {  	[sflag:s0] =	ssyncadd.tile.s32 @!p0 $0x1;
	_ =	shalt  }
.Lfunc_end2:
_tile_overlayer_lowered:
.L_overlay_start_2:
0x69: {  	(tag) =	ssettag $0x2  }
0x6a: {  	s0 =	rddreg [dreg:$0x0];
	s2 =	stileid.u32  }
0x6b: {  	s1 =	rddreg [dreg:$0x1];
	p0 =	sne.s32 s2, $0x0  }
0x6c: {  	s3 =	rddreg [dreg:$0x2];
	[bflag:$0x3] =	sbarrier.arrive $0xFFFF;
	s2 =	simm.s32 @!p0 $0x1C03  }
0x6d: {  	[timem:s3], [sflag:s2] =	dma.local @!p0 [hbm:s0], s1  }
0x6e: {  	s0 =	simm.s32 @!p0 $0x3  }
0x6f: {  	_ =	swait.ge @!p0 [sflag:s0], s1  }
0x70: {  	s1 =	ssub.s32 @!p0 $0x0, s1;
	[sflag:s0] =	ssyncset.done @!p0 $0x0  }
0x71: {  	[sflag:s0] =	ssyncadd.s32 @!p0 s1  }
0x72: {  	[bflag:$0x3] =	sbarrier.arrive $0xFFFF  }
0x73: {  	_ =	shalt  }

</sc_bundles>
